<compile_context>
chip_gen: v7x
topology: tpu7x:2x2x1
jax: 0.10.2.dev20260603
libtpu: 0.0.44.dev20260713+nightly
codegen_flags: <defaults>
</compile_context>

<pallas_src>
import functools

import jax
import jax.numpy as jnp
from jax import lax
from jax.experimental import pallas as pl
from jax.experimental.pallas import tpu as pltpu
from jax.experimental.pallas import tpu_sc as plsc

N = 20000
R = 160
PAD = R * 128
K_PRE = 6000
K_POST = 1000
THR = 0.7

RC = 48
C_PAD = RC * 128
SPARE = C_PAD + 64
OUT_ROWS = SPARE + PAD

NW = 32
CHUNK = PAD // NW
CB = CHUNK // 128
BIGI = 2 ** 30


def _select_body(s_ref, dest_ref):
    s = s_ref[...]
    u = lax.bitcast_convert_type(s, jnp.uint32)
    key = jnp.where(s < 0, ~u, u | jnp.uint32(0x80000000))

    prefix = jnp.uint32(0)
    for b in range(31, -1, -1):
        cand = prefix | jnp.uint32(1 << b)
        cnt = jnp.sum((key >= cand).astype(jnp.int32))
        prefix = jnp.where(cnt >= K_PRE, cand, prefix)

    cnt_gt = jnp.sum((key > prefix).astype(jnp.int32))
    tie = key == prefix
    tie_f = tie.astype(jnp.float32)
    incl = (lax.broadcasted_iota(jnp.int32, (128, 128), 0)
            <= lax.broadcasted_iota(jnp.int32, (128, 128), 1)).astype(jnp.float32)
    strict = (lax.broadcasted_iota(jnp.int32, (R, R), 1)
              < lax.broadcasted_iota(jnp.int32, (R, R), 0)).astype(jnp.float32)

    tcum = jnp.dot(tie_f, incl, preferred_element_type=jnp.float32)
    row_off = jnp.dot(strict, tcum[:, 127:128], preferred_element_type=jnp.float32)
    ordinal = row_off + tcum - tie_f
    need = (K_PRE - cnt_gt).astype(jnp.float32)
    is_cand = (key > prefix) | (tie & (ordinal < need))

    cand_f = is_cand.astype(jnp.float32)
    ccum = jnp.dot(cand_f, incl, preferred_element_type=jnp.float32)
    crow_off = jnp.dot(strict, ccum[:, 127:128], preferred_element_type=jnp.float32)
    pos = crow_off + ccum - cand_f
    lin = (lax.broadcasted_iota(jnp.int32, (R, 128), 0) * 128
           + lax.broadcasted_iota(jnp.int32, (R, 128), 1))
    dest_ref[...] = jnp.where(is_cand, pos.astype(jnp.int32), SPARE + lin)


def _compact_body(rows_h, dest_h, out_h, rows_v, dest_v, sem):
    wid = lax.axis_index("s") * 2 + lax.axis_index("c")
    pltpu.sync_copy(rows_h.at[wid], rows_v)
    pltpu.sync_copy(dest_h.at[wid], dest_v)
    copies = [pltpu.make_async_copy(rows_v.at[j], out_h.at[dest_v.at[j]], sem)
              for j in range(CB)]
    for c in copies:
        c.start()
    for c in copies:
        c.wait()


W = 8


def _nms_body(x1_ref, y1_ref, x2_ref, y2_ref, s_ref, packed_ref,
              ox1, oy1, ox2, oy2, osc,
              ms_ref, area_ref, lin_ref):
    lin = (lax.broadcasted_iota(jnp.int32, (RC, 128), 0) * 128
           + lax.broadcasted_iota(jnp.int32, (RC, 128), 1))
    lin_ref[...] = lin
    ms_ref[...] = jnp.where(lin < K_PRE, s_ref[...], -jnp.inf)
    x1 = x1_ref[...]
    y1 = y1_ref[...]
    x2 = x2_ref[...]
    y2 = y2_ref[...]
    area_ref[...] = jnp.maximum(x2 - x1, 0.0) * jnp.maximum(y2 - y1, 0.0)
    zeros = jnp.zeros((K_POST + W, 1), jnp.float32)
    ox1[...] = zeros
    oy1[...] = zeros
    ox2[...] = zeros
    oy2[...] = zeros
    osc[...] = zeros

    def rmax(a):
        return jnp.max(jnp.max(a, axis=1, keepdims=True), axis=0, keepdims=True)

    def rmin(a):
        return jnp.min(jnp.min(a, axis=1, keepdims=True), axis=0, keepdims=True)

    def rsum(a):
        return jnp.sum(jnp.sum(a, axis=1, keepdims=True), axis=0, keepdims=True)

    lane = lax.broadcasted_iota(jnp.int32, (1, 128), 1)

    def picks(j):
        js = j[0, 0]
        r = js >> 7
        lm = lane == (js & 127)
        p = jnp.sum(jnp.where(lm, packed_ref[pl.ds(5 * r, 5), :], 0.0),
                    axis=1, keepdims=True)
        return (p[0:1], p[1:2], p[2:3], p[3:4], p[4:5])

    def piou(a, b):
        xx1 = jnp.maximum(a[0], b[0])
        yy1 = jnp.maximum(a[1], b[1])
        xx2 = jnp.minimum(a[2], b[2])
        yy2 = jnp.minimum(a[3], b[3])
        inter = jnp.maximum(xx2 - xx1, 0.0) * jnp.maximum(yy2 - yy1, 0.0)
        return inter / (a[4] + b[4] - inter + 1e-9)

    one = jnp.int32(1)

    def step(carry):
        cnt, _ = carry
        ms = ms_ref[...]
        lin = lin_ref[...]
        m, e, c, j, b = [], [], [], [], []
        ms_cur = ms
        for w in range(W):
            mw = rmax(ms_cur)
            ew = ms_cur == mw
            m.append(mw)
            e.append(ew)
            if w < W - 1:
                ms_cur = jnp.where(ew, -jnp.inf, ms_cur)
                c.append(rsum(ew.astype(jnp.int32)))
            j.append(rmin(jnp.where(ew, lin, BIGI)))
            b.append(picks(j[w]))

        a = [m[0] > -jnp.inf]
        for w in range(1, W):
            acc = a[w - 1] & (c[w - 1] == one) & (m[w] > -jnp.inf)
            for v in range(w):
                acc = acc & jnp.logical_not(piou(b[v], b[w]) > THR)
            a.append(acc)

        def srow(a_w, j_w, b_w):
            xx1 = jnp.maximum(b_w[0], x1)
            yy1 = jnp.maximum(b_w[1], y1)
            xx2 = jnp.minimum(b_w[2], x2)
            yy2 = jnp.minimum(b_w[3], y2)
            inter = jnp.maximum(xx2 - xx1, 0.0) * jnp.maximum(yy2 - yy1, 0.0)
            iou = inter / (b_w[4] + area_ref[...] - inter + 1e-9)
            return a_w & ((iou > THR) | (lin == j_w))

        sup = srow(a[0], j[0], b[0])
        for w in range(1, W):
            sup = sup | srow(a[w], j[w], b[w])
        ms_ref[...] = jnp.where(sup, -jnp.inf, ms)

        for w in range(W):
            p = pl.ds(cnt + w, 1)
            ox1[p, :] = jnp.where(a[w], b[w][0], 0.0)
            oy1[p, :] = jnp.where(a[w], b[w][1], 0.0)
            ox2[p, :] = jnp.where(a[w], b[w][2], 0.0)
            oy2[p, :] = jnp.where(a[w], b[w][3], 0.0)
            osc[p, :] = jnp.where(a[w], m[w], 0.0)

        ka = a[0].astype(jnp.int32)
        for w in range(1, W):
            ka = ka + a[w].astype(jnp.int32)
        ka = ka[0, 0]
        return cnt + ka, ka == 0

    def cond(carry):
        cnt, done = carry
        return jnp.logical_and(cnt < K_POST, jnp.logical_not(done))

    lax.while_loop(cond, step, (jnp.int32(0), False))


def kernel(boxes, scores):
    s2 = jnp.pad(scores, (0, PAD - N), constant_values=-jnp.inf).reshape(R, 128)
    bx = jnp.pad(boxes, ((0, PAD - N), (0, 0)))
    aos = jnp.concatenate(
        [bx, s2.reshape(PAD, 1), jnp.zeros((PAD, 123), jnp.float32)], axis=1)

    dest = pl.pallas_call(
        _select_body,
        out_shape=jax.ShapeDtypeStruct((R, 128), jnp.int32),
    )(s2)

    mesh = plsc.VectorSubcoreMesh(core_axis_name="c", subcore_axis_name="s")
    compact = functools.partial(
        pl.kernel,
        out_type=jax.ShapeDtypeStruct((OUT_ROWS, 128), jnp.float32),
        scratch_types=[
            pltpu.VMEM((CB, 128, 128), jnp.float32),
            pltpu.VMEM((CB, 128), jnp.int32),
            pltpu.SemaphoreType.DMA,
        ],
        mesh=mesh,
    )(_compact_body)
    crows = compact(
        aos.reshape(NW, CB, 128, 128),
        dest.reshape(NW, CB, 128),
    )[:C_PAD]

    planes = [crows[:, i].reshape(RC, 128) for i in range(5)]
    careas = jnp.maximum(planes[2] - planes[0], 0.0) * jnp.maximum(
        planes[3] - planes[1], 0.0)
    packed = jnp.stack(planes[:4] + [careas], axis=1).reshape(5 * RC, 128)

    outs = pl.pallas_call(
        _nms_body,
        out_shape=[jax.ShapeDtypeStruct((K_POST + W, 1), jnp.float32)] * 5,
        scratch_shapes=[
            pltpu.VMEM((RC, 128), jnp.float32),
            pltpu.VMEM((RC, 128), jnp.float32),
            pltpu.VMEM((RC, 128), jnp.int32),
        ],
    )(*planes, packed)
    return jnp.concatenate([o[:K_POST] for o in outs], axis=1)

# --- scband reference (transcript-rebuilt; emitter-appended) ---
"""Pipeline reference for scband-horpn-32109175505439 (READ-ONLY COPY).

The authoritative reference and input builder live on the scoring server;
editing this copy changes nothing except your own understanding.
"""

import jax, jax.numpy as jnp
import numpy as np

N = 20000
PRE_NMS_TOPK = 6000
POST_NMS_TOPK = 1000
NMS_THRESH = 0.7


def setup_inputs(seed: int = 0) -> dict:
    key = jax.random.key(seed)
    k1, k2, k3, k4, k5 = jax.random.split(key, 5)
    # Build valid corner-format boxes (x1 < x2, y1 < y2) inside a ~1024x1024 image.
    cx = jax.random.uniform(k1, (N,)) * 1024.0
    cy = jax.random.uniform(k2, (N,)) * 1024.0
    w = jax.random.uniform(k3, (N,)) * 200.0 + 8.0
    h = jax.random.uniform(k4, (N,)) * 200.0 + 8.0
    boxes = jnp.stack([cx - w / 2, cy - h / 2, cx + w / 2, cy + h / 2], axis=1).astype(jnp.float32)
    scores = jax.random.normal(k5, (N,), dtype=jnp.float32)
    return {"boxes": boxes, "scores": scores}


def _greedy_nms(boxes, scores, iou_thresh, max_out):
    # Exact sequential greedy NMS, identical in semantics to torchvision.ops.nms.
    K = scores.shape[0]
    x1, y1, x2, y2 = boxes[:, 0], boxes[:, 1], boxes[:, 2], boxes[:, 3]
    areas = jnp.maximum(x2 - x1, 0.0) * jnp.maximum(y2 - y1, 0.0)
    idxs = jnp.arange(K)

    def body(i, state):
        suppressed, keep = state
        ms = jnp.where(suppressed, -jnp.inf, scores)
        j = jnp.argmax(ms)
        valid = ms[j] > -jnp.inf
        keep = keep.at[i].set(jnp.where(valid, j.astype(jnp.int32), jnp.int32(-1)))
        bj = boxes[j]
        xx1 = jnp.maximum(bj[0], x1)
        yy1 = jnp.maximum(bj[1], y1)
        xx2 = jnp.minimum(bj[2], x2)
        yy2 = jnp.minimum(bj[3], y2)
        inter = jnp.maximum(xx2 - xx1, 0.0) * jnp.maximum(yy2 - yy1, 0.0)
        iou = inter / (areas[j] + areas - inter + 1e-9)
        newly = (iou > iou_thresh) | (idxs == j)
        suppressed = jnp.where(valid, suppressed | newly, suppressed)
        return suppressed, keep

    suppressed0 = jnp.zeros((K,), dtype=bool)
    keep0 = jnp.full((max_out,), -1, dtype=jnp.int32)
    suppressed, keep = jax.lax.fori_loop(0, max_out, body, (suppressed0, keep0))
    return keep


def reference(boxes, scores):
    # find_top_horpn_proposals core for one image (flattened anchors):
    # 1) pre-NMS top-k by interactness score
    topv, topi = jax.lax.top_k(scores, PRE_NMS_TOPK)
    b = boxes[topi]
    # 2) greedy NMS (selection is non-differentiable; indices via stop_gradient)
    keep = _greedy_nms(jax.lax.stop_gradient(b), jax.lax.stop_gradient(topv), NMS_THRESH, POST_NMS_TOPK)
    idx = jnp.maximum(keep, 0)
    mask = (keep >= 0).astype(boxes.dtype)
    # 3) post-NMS top-k gather (padded with zeros if fewer survive)
    out_boxes = b[idx] * mask[:, None]
    out_scores = topv[idx] * mask
    return jnp.concatenate([out_boxes, out_scores[:, None]], axis=1)

if __name__ == "__main__":
    import jax
    _d = setup_inputs()
    print(jax.jit(kernel)(*tuple(_d.values())))

</pallas_src>

<mosaic_0001>
#map = affine_map<(d0, d1) -> (0, 0, 0, 0)>
#map1 = affine_map<(d0, d1) -> (0, 0, 0)>
#map2 = affine_map<(d0, d1) -> (0, 0)>
module attributes {stable_mosaic.version = 14 : i64} {
  func.func @_compact_body(%arg0: i32, %arg1: i32, %arg2: memref<32x5x128x128xf32, #tpu.memory_space<hbm>>, %arg3: memref<32x5x128xi32, #tpu.memory_space<hbm>>, %arg4: memref<26688x128xf32, #tpu.memory_space<hbm>>, %arg5: memref<5x128x128xf32, #tpu.memory_space<vmem>>, %arg6: memref<5x128xi32, #tpu.memory_space<vmem>>, %arg7: memref<!tpu.dma_semaphore, #tpu.memory_space<semaphore_mem>>) attributes {dimension_semantics = [#tpu.dimension_semantics<core_parallel>, #tpu.dimension_semantics<subcore_parallel>], iteration_bounds = array<i64: 2, 16>, scalar_prefetch = 0 : i64, scratch_operands = 3 : i64, tpu.core_type = #tpu.core_type<sc_vector_subcore>, window_params = [{transform_indices = #map}, {transform_indices = #map1}, {transform_indices = #map2}]} {
    %mul3A = arith.constant 2 : i32
    %mul3A_0 = arith.muli %arg1, %mul3A : i32
    %add3A = arith.addi %mul3A_0, %arg0 : i32
    "tpu.region"() ({
      %run_scoped3A = tpu.sem_alloc : memref<!tpu.dma_semaphore, #tpu.memory_space<semaphore_mem>>
      %dma_start3A_119 = arith.constant 0 : i32
      %dma_start3A_120 = arith.constant 0 : i32
      %dma_start3A_121 = arith.constant 0 : i32
      %dma_start3A_122 = tpu.memref_slice %arg2[%add3A, %dma_start3A_119, %dma_start3A_120, %dma_start3A_121] : memref<32x5x128x128xf32, #tpu.memory_space<hbm>> -> memref<1x5x128x128xf32, #tpu.memory_space<hbm>>
      %dma_start3A_123 = tpu.memref_squeeze %dma_start3A_122 : memref<1x5x128x128xf32, #tpu.memory_space<hbm>> -> memref<5x128x128xf32, #tpu.memory_space<hbm>>
      %dma_start3A_124 = arith.constant 0 : i32
      %dma_start3A_125 = arith.constant 0 : i32
      %dma_start3A_126 = arith.constant 0 : i32
      %dma_start3A_127 = tpu.memref_slice %arg2[%add3A, %dma_start3A_124, %dma_start3A_125, %dma_start3A_126] : memref<32x5x128x128xf32, #tpu.memory_space<hbm>> -> memref<1x5x128x128xf32, #tpu.memory_space<hbm>>
      %dma_start3A_128 = tpu.memref_squeeze %dma_start3A_127 : memref<1x5x128x128xf32, #tpu.memory_space<hbm>> -> memref<5x128x128xf32, #tpu.memory_space<hbm>>
      tpu.enqueue_dma source(%dma_start3A_128 : memref<5x128x128xf32, #tpu.memory_space<hbm>>) target(%arg5 : memref<5x128x128xf32, #tpu.memory_space<vmem>>) target_semaphore(%run_scoped3A : memref<!tpu.dma_semaphore, #tpu.memory_space<semaphore_mem>>)
      %dma_wait3A_129 = arith.constant 0 : i32
      %dma_wait3A_130 = arith.constant 0 : i32
      %dma_wait3A_131 = arith.constant 0 : i32
      %dma_wait3A_132 = tpu.memref_slice %arg2[%add3A, %dma_wait3A_129, %dma_wait3A_130, %dma_wait3A_131] : memref<32x5x128x128xf32, #tpu.memory_space<hbm>> -> memref<1x5x128x128xf32, #tpu.memory_space<hbm>>
      %dma_wait3A_133 = tpu.memref_squeeze %dma_wait3A_132 : memref<1x5x128x128xf32, #tpu.memory_space<hbm>> -> memref<5x128x128xf32, #tpu.memory_space<hbm>>
      %dma_wait3A_134 = arith.constant 0 : i32
      %dma_wait3A_135 = arith.constant 0 : i32
      %dma_wait3A_136 = arith.constant 0 : i32
      %dma_wait3A_137 = tpu.memref_slice %arg2[%add3A, %dma_wait3A_134, %dma_wait3A_135, %dma_wait3A_136] : memref<32x5x128x128xf32, #tpu.memory_space<hbm>> -> memref<1x5x128x128xf32, #tpu.memory_space<hbm>>
      %dma_wait3A_138 = tpu.memref_squeeze %dma_wait3A_137 : memref<1x5x128x128xf32, #tpu.memory_space<hbm>> -> memref<5x128x128xf32, #tpu.memory_space<hbm>>
      tpu.wait_dma2 semaphore(%run_scoped3A : memref<!tpu.dma_semaphore, #tpu.memory_space<semaphore_mem>>) src(%dma_wait3A_138 : memref<5x128x128xf32, #tpu.memory_space<hbm>>) dst(%arg5 : memref<5x128x128xf32, #tpu.memory_space<vmem>>)
      tpu.yield
    }) : () -> ()
    "tpu.region"() ({
      %run_scoped3A = tpu.sem_alloc : memref<!tpu.dma_semaphore, #tpu.memory_space<semaphore_mem>>
      %dma_start3A_119 = arith.constant 0 : i32
      %dma_start3A_120 = arith.constant 0 : i32
      %dma_start3A_121 = tpu.memref_slice %arg3[%add3A, %dma_start3A_119, %dma_start3A_120] : memref<32x5x128xi32, #tpu.memory_space<hbm>> -> memref<1x5x128xi32, #tpu.memory_space<hbm>>
      %dma_start3A_122 = tpu.memref_squeeze %dma_start3A_121 : memref<1x5x128xi32, #tpu.memory_space<hbm>> -> memref<5x128xi32, #tpu.memory_space<hbm>>
      %dma_start3A_123 = arith.constant 0 : i32
      %dma_start3A_124 = arith.constant 0 : i32
      %dma_start3A_125 = tpu.memref_slice %arg3[%add3A, %dma_start3A_123, %dma_start3A_124] : memref<32x5x128xi32, #tpu.memory_space<hbm>> -> memref<1x5x128xi32, #tpu.memory_space<hbm>>
      %dma_start3A_126 = tpu.memref_squeeze %dma_start3A_125 : memref<1x5x128xi32, #tpu.memory_space<hbm>> -> memref<5x128xi32, #tpu.memory_space<hbm>>
      tpu.enqueue_dma source(%dma_start3A_126 : memref<5x128xi32, #tpu.memory_space<hbm>>) target(%arg6 : memref<5x128xi32, #tpu.memory_space<vmem>>) target_semaphore(%run_scoped3A : memref<!tpu.dma_semaphore, #tpu.memory_space<semaphore_mem>>)
      %dma_wait3A_127 = arith.constant 0 : i32
      %dma_wait3A_128 = arith.constant 0 : i32
      %dma_wait3A_129 = tpu.memref_slice %arg3[%add3A, %dma_wait3A_127, %dma_wait3A_128] : memref<32x5x128xi32, #tpu.memory_space<hbm>> -> memref<1x5x128xi32, #tpu.memory_space<hbm>>
      %dma_wait3A_130 = tpu.memref_squeeze %dma_wait3A_129 : memref<1x5x128xi32, #tpu.memory_space<hbm>> -> memref<5x128xi32, #tpu.memory_space<hbm>>
      %dma_wait3A_131 = arith.constant 0 : i32
      %dma_wait3A_132 = arith.constant 0 : i32
      %dma_wait3A_133 = tpu.memref_slice %arg3[%add3A, %dma_wait3A_131, %dma_wait3A_132] : memref<32x5x128xi32, #tpu.memory_space<hbm>> -> memref<1x5x128xi32, #tpu.memory_space<hbm>>
      %dma_wait3A_134 = tpu.memref_squeeze %dma_wait3A_133 : memref<1x5x128xi32, #tpu.memory_space<hbm>> -> memref<5x128xi32, #tpu.memory_space<hbm>>
      tpu.wait_dma2 semaphore(%run_scoped3A : memref<!tpu.dma_semaphore, #tpu.memory_space<semaphore_mem>>) src(%dma_wait3A_134 : memref<5x128xi32, #tpu.memory_space<hbm>>) dst(%arg6 : memref<5x128xi32, #tpu.memory_space<vmem>>)
      tpu.yield
    }) : () -> ()
    %dma_start3A = arith.constant 0 : i32
    %dma_start3A_1 = arith.constant 0 : i32
    %dma_start3A_2 = arith.constant 0 : i32
    %dma_start3A_3 = arith.constant 0 : i32
    %dma_start3A_4 = tpu.memref_slice %arg5[%dma_start3A, %dma_start3A_2, %dma_start3A_3] : memref<5x128x128xf32, #tpu.memory_space<vmem>> -> memref<1x128x128xf32, #tpu.memory_space<vmem>>
    %dma_start3A_5 = tpu.memref_squeeze %dma_start3A_4 : memref<1x128x128xf32, #tpu.memory_space<vmem>> -> memref<128x128xf32, #tpu.memory_space<vmem>>
    %dma_start3A_6 = arith.constant 0 : i32
    %dma_start3A_7 = tpu.memref_slice %arg6[%dma_start3A_1, %dma_start3A_6] : memref<5x128xi32, #tpu.memory_space<vmem>> -> memref<1x128xi32, #tpu.memory_space<vmem>>
    %dma_start3A_8 = tpu.memref_squeeze %dma_start3A_7 : memref<1x128xi32, #tpu.memory_space<vmem>> -> memref<128xi32, #tpu.memory_space<vmem>>
    %dma_start3A_9 = arith.constant 0 : i32
    %dma_start3A_10 = arith.constant 0 : i32
    %dma_start3A_11 = tpu.memref_slice %arg4[%dma_start3A_9, %dma_start3A_10] : memref<26688x128xf32, #tpu.memory_space<hbm>> -> memref<26688x128xf32, #tpu.memory_space<hbm>>
    tpu.enqueue_indirect_dma source(%dma_start3A_5 : memref<128x128xf32, #tpu.memory_space<vmem>>) target(%dma_start3A_11 : memref<26688x128xf32, #tpu.memory_space<hbm>>) offsets(%dma_start3A_8 : memref<128xi32, #tpu.memory_space<vmem>>) semaphore(%arg7 : memref<!tpu.dma_semaphore, #tpu.memory_space<semaphore_mem>>)
    %dma_start3A_12 = arith.constant 1 : i32
    %dma_start3A_13 = arith.constant 1 : i32
    %dma_start3A_14 = arith.constant 0 : i32
    %dma_start3A_15 = arith.constant 0 : i32
    %dma_start3A_16 = tpu.memref_slice %arg5[%dma_start3A_12, %dma_start3A_14, %dma_start3A_15] : memref<5x128x128xf32, #tpu.memory_space<vmem>> -> memref<1x128x128xf32, #tpu.memory_space<vmem>>
    %dma_start3A_17 = tpu.memref_squeeze %dma_start3A_16 : memref<1x128x128xf32, #tpu.memory_space<vmem>> -> memref<128x128xf32, #tpu.memory_space<vmem>>
    %dma_start3A_18 = arith.constant 0 : i32
    %dma_start3A_19 = tpu.memref_slice %arg6[%dma_start3A_13, %dma_start3A_18] : memref<5x128xi32, #tpu.memory_space<vmem>> -> memref<1x128xi32, #tpu.memory_space<vmem>>
    %dma_start3A_20 = tpu.memref_squeeze %dma_start3A_19 : memref<1x128xi32, #tpu.memory_space<vmem>> -> memref<128xi32, #tpu.memory_space<vmem>>
    %dma_start3A_21 = arith.constant 0 : i32
    %dma_start3A_22 = arith.constant 0 : i32
    %dma_start3A_23 = tpu.memref_slice %arg4[%dma_start3A_21, %dma_start3A_22] : memref<26688x128xf32, #tpu.memory_space<hbm>> -> memref<26688x128xf32, #tpu.memory_space<hbm>>
    tpu.enqueue_indirect_dma source(%dma_start3A_17 : memref<128x128xf32, #tpu.memory_space<vmem>>) target(%dma_start3A_23 : memref<26688x128xf32, #tpu.memory_space<hbm>>) offsets(%dma_start3A_20 : memref<128xi32, #tpu.memory_space<vmem>>) semaphore(%arg7 : memref<!tpu.dma_semaphore, #tpu.memory_space<semaphore_mem>>)
    %dma_start3A_24 = arith.constant 2 : i32
    %dma_start3A_25 = arith.constant 2 : i32
    %dma_start3A_26 = arith.constant 0 : i32
    %dma_start3A_27 = arith.constant 0 : i32
    %dma_start3A_28 = tpu.memref_slice %arg5[%dma_start3A_24, %dma_start3A_26, %dma_start3A_27] : memref<5x128x128xf32, #tpu.memory_space<vmem>> -> memref<1x128x128xf32, #tpu.memory_space<vmem>>
    %dma_start3A_29 = tpu.memref_squeeze %dma_start3A_28 : memref<1x128x128xf32, #tpu.memory_space<vmem>> -> memref<128x128xf32, #tpu.memory_space<vmem>>
    %dma_start3A_30 = arith.constant 0 : i32
    %dma_start3A_31 = tpu.memref_slice %arg6[%dma_start3A_25, %dma_start3A_30] : memref<5x128xi32, #tpu.memory_space<vmem>> -> memref<1x128xi32, #tpu.memory_space<vmem>>
    %dma_start3A_32 = tpu.memref_squeeze %dma_start3A_31 : memref<1x128xi32, #tpu.memory_space<vmem>> -> memref<128xi32, #tpu.memory_space<vmem>>
    %dma_start3A_33 = arith.constant 0 : i32
    %dma_start3A_34 = arith.constant 0 : i32
    %dma_start3A_35 = tpu.memref_slice %arg4[%dma_start3A_33, %dma_start3A_34] : memref<26688x128xf32, #tpu.memory_space<hbm>> -> memref<26688x128xf32, #tpu.memory_space<hbm>>
    tpu.enqueue_indirect_dma source(%dma_start3A_29 : memref<128x128xf32, #tpu.memory_space<vmem>>) target(%dma_start3A_35 : memref<26688x128xf32, #tpu.memory_space<hbm>>) offsets(%dma_start3A_32 : memref<128xi32, #tpu.memory_space<vmem>>) semaphore(%arg7 : memref<!tpu.dma_semaphore, #tpu.memory_space<semaphore_mem>>)
    %dma_start3A_36 = arith.constant 3 : i32
    %dma_start3A_37 = arith.constant 3 : i32
    %dma_start3A_38 = arith.constant 0 : i32
    %dma_start3A_39 = arith.constant 0 : i32
    %dma_start3A_40 = tpu.memref_slice %arg5[%dma_start3A_36, %dma_start3A_38, %dma_start3A_39] : memref<5x128x128xf32, #tpu.memory_space<vmem>> -> memref<1x128x128xf32, #tpu.memory_space<vmem>>
    %dma_start3A_41 = tpu.memref_squeeze %dma_start3A_40 : memref<1x128x128xf32, #tpu.memory_space<vmem>> -> memref<128x128xf32, #tpu.memory_space<vmem>>
    %dma_start3A_42 = arith.constant 0 : i32
    %dma_start3A_43 = tpu.memref_slice %arg6[%dma_start3A_37, %dma_start3A_42] : memref<5x128xi32, #tpu.memory_space<vmem>> -> memref<1x128xi32, #tpu.memory_space<vmem>>
    %dma_start3A_44 = tpu.memref_squeeze %dma_start3A_43 : memref<1x128xi32, #tpu.memory_space<vmem>> -> memref<128xi32, #tpu.memory_space<vmem>>
    %dma_start3A_45 = arith.constant 0 : i32
    %dma_start3A_46 = arith.constant 0 : i32
    %dma_start3A_47 = tpu.memref_slice %arg4[%dma_start3A_45, %dma_start3A_46] : memref<26688x128xf32, #tpu.memory_space<hbm>> -> memref<26688x128xf32, #tpu.memory_space<hbm>>
    tpu.enqueue_indirect_dma source(%dma_start3A_41 : memref<128x128xf32, #tpu.memory_space<vmem>>) target(%dma_start3A_47 : memref<26688x128xf32, #tpu.memory_space<hbm>>) offsets(%dma_start3A_44 : memref<128xi32, #tpu.memory_space<vmem>>) semaphore(%arg7 : memref<!tpu.dma_semaphore, #tpu.memory_space<semaphore_mem>>)
    %dma_start3A_48 = arith.constant 4 : i32
    %dma_start3A_49 = arith.constant 4 : i32
    %dma_start3A_50 = arith.constant 0 : i32
    %dma_start3A_51 = arith.constant 0 : i32
    %dma_start3A_52 = tpu.memref_slice %arg5[%dma_start3A_48, %dma_start3A_50, %dma_start3A_51] : memref<5x128x128xf32, #tpu.memory_space<vmem>> -> memref<1x128x128xf32, #tpu.memory_space<vmem>>
    %dma_start3A_53 = tpu.memref_squeeze %dma_start3A_52 : memref<1x128x128xf32, #tpu.memory_space<vmem>> -> memref<128x128xf32, #tpu.memory_space<vmem>>
    %dma_start3A_54 = arith.constant 0 : i32
    %dma_start3A_55 = tpu.memref_slice %arg6[%dma_start3A_49, %dma_start3A_54] : memref<5x128xi32, #tpu.memory_space<vmem>> -> memref<1x128xi32, #tpu.memory_space<vmem>>
    %dma_start3A_56 = tpu.memref_squeeze %dma_start3A_55 : memref<1x128xi32, #tpu.memory_space<vmem>> -> memref<128xi32, #tpu.memory_space<vmem>>
    %dma_start3A_57 = arith.constant 0 : i32
    %dma_start3A_58 = arith.constant 0 : i32
    %dma_start3A_59 = tpu.memref_slice %arg4[%dma_start3A_57, %dma_start3A_58] : memref<26688x128xf32, #tpu.memory_space<hbm>> -> memref<26688x128xf32, #tpu.memory_space<hbm>>
    tpu.enqueue_indirect_dma source(%dma_start3A_53 : memref<128x128xf32, #tpu.memory_space<vmem>>) target(%dma_start3A_59 : memref<26688x128xf32, #tpu.memory_space<hbm>>) offsets(%dma_start3A_56 : memref<128xi32, #tpu.memory_space<vmem>>) semaphore(%arg7 : memref<!tpu.dma_semaphore, #tpu.memory_space<semaphore_mem>>)
    %dma_wait3A = arith.constant 0 : i32
    %dma_wait3A_60 = arith.constant 0 : i32
    %dma_wait3A_61 = arith.constant 0 : i32
    %dma_wait3A_62 = arith.constant 0 : i32
    %dma_wait3A_63 = tpu.memref_slice %arg5[%dma_wait3A, %dma_wait3A_61, %dma_wait3A_62] : memref<5x128x128xf32, #tpu.memory_space<vmem>> -> memref<1x128x128xf32, #tpu.memory_space<vmem>>
    %dma_wait3A_64 = tpu.memref_squeeze %dma_wait3A_63 : memref<1x128x128xf32, #tpu.memory_space<vmem>> -> memref<128x128xf32, #tpu.memory_space<vmem>>
    %dma_wait3A_65 = arith.constant 0 : i32
    %dma_wait3A_66 = tpu.memref_slice %arg6[%dma_wait3A_60, %dma_wait3A_65] : memref<5x128xi32, #tpu.memory_space<vmem>> -> memref<1x128xi32, #tpu.memory_space<vmem>>
    %dma_wait3A_67 = tpu.memref_squeeze %dma_wait3A_66 : memref<1x128xi32, #tpu.memory_space<vmem>> -> memref<128xi32, #tpu.memory_space<vmem>>
    %dma_wait3A_68 = arith.constant 0 : i32
    %dma_wait3A_69 = arith.constant 0 : i32
    %dma_wait3A_70 = tpu.memref_slice %arg4[%dma_wait3A_68, %dma_wait3A_69] : memref<26688x128xf32, #tpu.memory_space<hbm>> -> memref<26688x128xf32, #tpu.memory_space<hbm>>
    tpu.wait_indirect_dma semaphore(%arg7 : memref<!tpu.dma_semaphore, #tpu.memory_space<semaphore_mem>>) src(%dma_wait3A_64 : memref<128x128xf32, #tpu.memory_space<vmem>>) dst(%dma_wait3A_70 : memref<26688x128xf32, #tpu.memory_space<hbm>>)
    %dma_wait3A_71 = arith.constant 1 : i32
    %dma_wait3A_72 = arith.constant 1 : i32
    %dma_wait3A_73 = arith.constant 0 : i32
    %dma_wait3A_74 = arith.constant 0 : i32
    %dma_wait3A_75 = tpu.memref_slice %arg5[%dma_wait3A_71, %dma_wait3A_73, %dma_wait3A_74] : memref<5x128x128xf32, #tpu.memory_space<vmem>> -> memref<1x128x128xf32, #tpu.memory_space<vmem>>
    %dma_wait3A_76 = tpu.memref_squeeze %dma_wait3A_75 : memref<1x128x128xf32, #tpu.memory_space<vmem>> -> memref<128x128xf32, #tpu.memory_space<vmem>>
    %dma_wait3A_77 = arith.constant 0 : i32
    %dma_wait3A_78 = tpu.memref_slice %arg6[%dma_wait3A_72, %dma_wait3A_77] : memref<5x128xi32, #tpu.memory_space<vmem>> -> memref<1x128xi32, #tpu.memory_space<vmem>>
    %dma_wait3A_79 = tpu.memref_squeeze %dma_wait3A_78 : memref<1x128xi32, #tpu.memory_space<vmem>> -> memref<128xi32, #tpu.memory_space<vmem>>
    %dma_wait3A_80 = arith.constant 0 : i32
    %dma_wait3A_81 = arith.constant 0 : i32
    %dma_wait3A_82 = tpu.memref_slice %arg4[%dma_wait3A_80, %dma_wait3A_81] : memref<26688x128xf32, #tpu.memory_space<hbm>> -> memref<26688x128xf32, #tpu.memory_space<hbm>>
    tpu.wait_indirect_dma semaphore(%arg7 : memref<!tpu.dma_semaphore, #tpu.memory_space<semaphore_mem>>) src(%dma_wait3A_76 : memref<128x128xf32, #tpu.memory_space<vmem>>) dst(%dma_wait3A_82 : memref<26688x128xf32, #tpu.memory_space<hbm>>)
    %dma_wait3A_83 = arith.constant 2 : i32
    %dma_wait3A_84 = arith.constant 2 : i32
    %dma_wait3A_85 = arith.constant 0 : i32
    %dma_wait3A_86 = arith.constant 0 : i32
    %dma_wait3A_87 = tpu.memref_slice %arg5[%dma_wait3A_83, %dma_wait3A_85, %dma_wait3A_86] : memref<5x128x128xf32, #tpu.memory_space<vmem>> -> memref<1x128x128xf32, #tpu.memory_space<vmem>>
    %dma_wait3A_88 = tpu.memref_squeeze %dma_wait3A_87 : memref<1x128x128xf32, #tpu.memory_space<vmem>> -> memref<128x128xf32, #tpu.memory_space<vmem>>
    %dma_wait3A_89 = arith.constant 0 : i32
    %dma_wait3A_90 = tpu.memref_slice %arg6[%dma_wait3A_84, %dma_wait3A_89] : memref<5x128xi32, #tpu.memory_space<vmem>> -> memref<1x128xi32, #tpu.memory_space<vmem>>
    %dma_wait3A_91 = tpu.memref_squeeze %dma_wait3A_90 : memref<1x128xi32, #tpu.memory_space<vmem>> -> memref<128xi32, #tpu.memory_space<vmem>>
    %dma_wait3A_92 = arith.constant 0 : i32
    %dma_wait3A_93 = arith.constant 0 : i32
    %dma_wait3A_94 = tpu.memref_slice %arg4[%dma_wait3A_92, %dma_wait3A_93] : memref<26688x128xf32, #tpu.memory_space<hbm>> -> memref<26688x128xf32, #tpu.memory_space<hbm>>
    tpu.wait_indirect_dma semaphore(%arg7 : memref<!tpu.dma_semaphore, #tpu.memory_space<semaphore_mem>>) src(%dma_wait3A_88 : memref<128x128xf32, #tpu.memory_space<vmem>>) dst(%dma_wait3A_94 : memref<26688x128xf32, #tpu.memory_space<hbm>>)
    %dma_wait3A_95 = arith.constant 3 : i32
    %dma_wait3A_96 = arith.constant 3 : i32
    %dma_wait3A_97 = arith.constant 0 : i32
    %dma_wait3A_98 = arith.constant 0 : i32
    %dma_wait3A_99 = tpu.memref_slice %arg5[%dma_wait3A_95, %dma_wait3A_97, %dma_wait3A_98] : memref<5x128x128xf32, #tpu.memory_space<vmem>> -> memref<1x128x128xf32, #tpu.memory_space<vmem>>
    %dma_wait3A_100 = tpu.memref_squeeze %dma_wait3A_99 : memref<1x128x128xf32, #tpu.memory_space<vmem>> -> memref<128x128xf32, #tpu.memory_space<vmem>>
    %dma_wait3A_101 = arith.constant 0 : i32
    %dma_wait3A_102 = tpu.memref_slice %arg6[%dma_wait3A_96, %dma_wait3A_101] : memref<5x128xi32, #tpu.memory_space<vmem>> -> memref<1x128xi32, #tpu.memory_space<vmem>>
    %dma_wait3A_103 = tpu.memref_squeeze %dma_wait3A_102 : memref<1x128xi32, #tpu.memory_space<vmem>> -> memref<128xi32, #tpu.memory_space<vmem>>
    %dma_wait3A_104 = arith.constant 0 : i32
    %dma_wait3A_105 = arith.constant 0 : i32
    %dma_wait3A_106 = tpu.memref_slice %arg4[%dma_wait3A_104, %dma_wait3A_105] : memref<26688x128xf32, #tpu.memory_space<hbm>> -> memref<26688x128xf32, #tpu.memory_space<hbm>>
    tpu.wait_indirect_dma semaphore(%arg7 : memref<!tpu.dma_semaphore, #tpu.memory_space<semaphore_mem>>) src(%dma_wait3A_100 : memref<128x128xf32, #tpu.memory_space<vmem>>) dst(%dma_wait3A_106 : memref<26688x128xf32, #tpu.memory_space<hbm>>)
    %dma_wait3A_107 = arith.constant 4 : i32
    %dma_wait3A_108 = arith.constant 4 : i32
    %dma_wait3A_109 = arith.constant 0 : i32
    %dma_wait3A_110 = arith.constant 0 : i32
    %dma_wait3A_111 = tpu.memref_slice %arg5[%dma_wait3A_107, %dma_wait3A_109, %dma_wait3A_110] : memref<5x128x128xf32, #tpu.memory_space<vmem>> -> memref<1x128x128xf32, #tpu.memory_space<vmem>>
    %dma_wait3A_112 = tpu.memref_squeeze %dma_wait3A_111 : memref<1x128x128xf32, #tpu.memory_space<vmem>> -> memref<128x128xf32, #tpu.memory_space<vmem>>
    %dma_wait3A_113 = arith.constant 0 : i32
    %dma_wait3A_114 = tpu.memref_slice %arg6[%dma_wait3A_108, %dma_wait3A_113] : memref<5x128xi32, #tpu.memory_space<vmem>> -> memref<1x128xi32, #tpu.memory_space<vmem>>
    %dma_wait3A_115 = tpu.memref_squeeze %dma_wait3A_114 : memref<1x128xi32, #tpu.memory_space<vmem>> -> memref<128xi32, #tpu.memory_space<vmem>>
    %dma_wait3A_116 = arith.constant 0 : i32
    %dma_wait3A_117 = arith.constant 0 : i32
    %dma_wait3A_118 = tpu.memref_slice %arg4[%dma_wait3A_116, %dma_wait3A_117] : memref<26688x128xf32, #tpu.memory_space<hbm>> -> memref<26688x128xf32, #tpu.memory_space<hbm>>
    tpu.wait_indirect_dma semaphore(%arg7 : memref<!tpu.dma_semaphore, #tpu.memory_space<semaphore_mem>>) src(%dma_wait3A_112 : memref<128x128xf32, #tpu.memory_space<vmem>>) dst(%dma_wait3A_118 : memref<26688x128xf32, #tpu.memory_space<hbm>>)
    return
  }
}

module attributes {stable_mosaic.version = 14 : i64} {
  func.func @_select_body(%arg0: memref<160x128xf32, #tpu.memory_space<vmem>>, %arg1: memref<160x128xi32, #tpu.memory_space<vmem>>) attributes {dimension_semantics = [], scalar_prefetch = 0 : i64, scratch_operands = 0 : i64, tpu.core_type = #tpu.core_type<tc>} {
    %get3A = arith.constant 0 : index
    %get3A_0 = arith.constant 0 : index
    %get3A_1 = vector.load %arg0[%get3A, %get3A_0] : memref<160x128xf32, #tpu.memory_space<vmem>>, vector<160x128xf32>
    %bitcast_convert_type3A = tpu.bitcast %get3A_1 : vector<160x128xf32> -> vector<160x128xi32>
    %lt3A = arith.constant 0.000000e+00 : f32
    %lt3A_2 = vector.broadcast %lt3A : f32 to vector<160x128xf32>
    %lt3A_3 = arith.cmpf olt, %get3A_1, %lt3A_2 : vector<160x128xf32>
    %not3A = arith.constant dense<-1> : vector<160x128xi32>
    %not3A_4 = arith.xori %bitcast_convert_type3A, %not3A : vector<160x128xi32>
    %or3A = arith.constant -2147483648 : i32
    %or3A_5 = vector.broadcast %or3A : i32 to vector<160x128xi32>
    %or3A_6 = arith.ori %bitcast_convert_type3A, %or3A_5 : vector<160x128xi32>
    %select_n3A = arith.select %lt3A_3, %not3A_4, %or3A_6 : vector<160x128xi1>, vector<160x128xi32>
    %or3A_7 = arith.constant 0 : i32
    %or3A_8 = arith.constant -2147483648 : i32
    %or3A_9 = arith.ori %or3A_7, %or3A_8 : i32
    %ge3A = vector.broadcast %or3A_9 : i32 to vector<160x128xi32>
    %ge3A_10 = arith.cmpi uge, %select_n3A, %ge3A : vector<160x128xi32>
    %convert_element_type3A = arith.extui %ge3A_10 : vector<160x128xi1> to vector<160x128xi32>
    %reduce_sum3A = vector.shape_cast %convert_element_type3A : vector<160x128xi32> to vector<1x160x128xi32>
    %reduce_sum3A_11 = arith.constant dense<0> : vector<1xi32>
    %reduce_sum3A_12 = vector.multi_reduction <add>, %reduce_sum3A, %reduce_sum3A_11 [1, 2] : vector<1x160x128xi32> to vector<1xi32>
    %reduce_sum3A_13 = vector.shape_cast %reduce_sum3A_12 : vector<1xi32> to vector<1x1x1xi32>
    %reduce_sum3A_14 = vector.extract %reduce_sum3A_13[0, 0, 0] : i32 from vector<1x1x1xi32>
    %ge3A_15 = arith.constant 6000 : i32
    %ge3A_16 = arith.cmpi sge, %reduce_sum3A_14, %ge3A_15 : i32
    %jit3A = arith.constant 0 : i32
    %select_n3A_17 = arith.select %ge3A_16, %or3A_9, %jit3A : i32
    %or3A_18 = arith.constant 1073741824 : i32
    %or3A_19 = arith.ori %select_n3A_17, %or3A_18 : i32
    %ge3A_20 = vector.broadcast %or3A_19 : i32 to vector<160x128xi32>
    %ge3A_21 = arith.cmpi uge, %select_n3A, %ge3A_20 : vector<160x128xi32>
    %convert_element_type3A_22 = arith.extui %ge3A_21 : vector<160x128xi1> to vector<160x128xi32>
    %reduce_sum3A_23 = vector.shape_cast %convert_element_type3A_22 : vector<160x128xi32> to vector<1x160x128xi32>
    %reduce_sum3A_24 = arith.constant dense<0> : vector<1xi32>
    %reduce_sum3A_25 = vector.multi_reduction <add>, %reduce_sum3A_23, %reduce_sum3A_24 [1, 2] : vector<1x160x128xi32> to vector<1xi32>
    %reduce_sum3A_26 = vector.shape_cast %reduce_sum3A_25 : vector<1xi32> to vector<1x1x1xi32>
    %reduce_sum3A_27 = vector.extract %reduce_sum3A_26[0, 0, 0] : i32 from vector<1x1x1xi32>
    %ge3A_28 = arith.constant 6000 : i32
    %ge3A_29 = arith.cmpi sge, %reduce_sum3A_27, %ge3A_28 : i32
    %select_n3A_30 = arith.select %ge3A_29, %or3A_19, %select_n3A_17 : i32
    %or3A_31 = arith.constant 536870912 : i32
    %or3A_32 = arith.ori %select_n3A_30, %or3A_31 : i32
    %ge3A_33 = vector.broadcast %or3A_32 : i32 to vector<160x128xi32>
    %ge3A_34 = arith.cmpi uge, %select_n3A, %ge3A_33 : vector<160x128xi32>
    %convert_element_type3A_35 = arith.extui %ge3A_34 : vector<160x128xi1> to vector<160x128xi32>
    %reduce_sum3A_36 = vector.shape_cast %convert_element_type3A_35 : vector<160x128xi32> to vector<1x160x128xi32>
    %reduce_sum3A_37 = arith.constant dense<0> : vector<1xi32>
    %reduce_sum3A_38 = vector.multi_reduction <add>, %reduce_sum3A_36, %reduce_sum3A_37 [1, 2] : vector<1x160x128xi32> to vector<1xi32>
    %reduce_sum3A_39 = vector.shape_cast %reduce_sum3A_38 : vector<1xi32> to vector<1x1x1xi32>
    %reduce_sum3A_40 = vector.extract %reduce_sum3A_39[0, 0, 0] : i32 from vector<1x1x1xi32>
    %ge3A_41 = arith.constant 6000 : i32
    %ge3A_42 = arith.cmpi sge, %reduce_sum3A_40, %ge3A_41 : i32
    %select_n3A_43 = arith.select %ge3A_42, %or3A_32, %select_n3A_30 : i32
    %or3A_44 = arith.constant 268435456 : i32
    %or3A_45 = arith.ori %select_n3A_43, %or3A_44 : i32
    %ge3A_46 = vector.broadcast %or3A_45 : i32 to vector<160x128xi32>
    %ge3A_47 = arith.cmpi uge, %select_n3A, %ge3A_46 : vector<160x128xi32>
    %convert_element_type3A_48 = arith.extui %ge3A_47 : vector<160x128xi1> to vector<160x128xi32>
    %reduce_sum3A_49 = vector.shape_cast %convert_element_type3A_48 : vector<160x128xi32> to vector<1x160x128xi32>
    %reduce_sum3A_50 = arith.constant dense<0> : vector<1xi32>
    %reduce_sum3A_51 = vector.multi_reduction <add>, %reduce_sum3A_49, %reduce_sum3A_50 [1, 2] : vector<1x160x128xi32> to vector<1xi32>
    %reduce_sum3A_52 = vector.shape_cast %reduce_sum3A_51 : vector<1xi32> to vector<1x1x1xi32>
    %reduce_sum3A_53 = vector.extract %reduce_sum3A_52[0, 0, 0] : i32 from vector<1x1x1xi32>
    %ge3A_54 = arith.constant 6000 : i32
    %ge3A_55 = arith.cmpi sge, %reduce_sum3A_53, %ge3A_54 : i32
    %select_n3A_56 = arith.select %ge3A_55, %or3A_45, %select_n3A_43 : i32
    %or3A_57 = arith.constant 134217728 : i32
    %or3A_58 = arith.ori %select_n3A_56, %or3A_57 : i32
    %ge3A_59 = vector.broadcast %or3A_58 : i32 to vector<160x128xi32>
    %ge3A_60 = arith.cmpi uge, %select_n3A, %ge3A_59 : vector<160x128xi32>
    %convert_element_type3A_61 = arith.extui %ge3A_60 : vector<160x128xi1> to vector<160x128xi32>
    %reduce_sum3A_62 = vector.shape_cast %convert_element_type3A_61 : vector<160x128xi32> to vector<1x160x128xi32>
    %reduce_sum3A_63 = arith.constant dense<0> : vector<1xi32>
    %reduce_sum3A_64 = vector.multi_reduction <add>, %reduce_sum3A_62, %reduce_sum3A_63 [1, 2] : vector<1x160x128xi32> to vector<1xi32>
    %reduce_sum3A_65 = vector.shape_cast %reduce_sum3A_64 : vector<1xi32> to vector<1x1x1xi32>
    %reduce_sum3A_66 = vector.extract %reduce_sum3A_65[0, 0, 0] : i32 from vector<1x1x1xi32>
    %ge3A_67 = arith.constant 6000 : i32
    %ge3A_68 = arith.cmpi sge, %reduce_sum3A_66, %ge3A_67 : i32
    %select_n3A_69 = arith.select %ge3A_68, %or3A_58, %select_n3A_56 : i32
    %or3A_70 = arith.constant 67108864 : i32
    %or3A_71 = arith.ori %select_n3A_69, %or3A_70 : i32
    %ge3A_72 = vector.broadcast %or3A_71 : i32 to vector<160x128xi32>
    %ge3A_73 = arith.cmpi uge, %select_n3A, %ge3A_72 : vector<160x128xi32>
    %convert_element_type3A_74 = arith.extui %ge3A_73 : vector<160x128xi1> to vector<160x128xi32>
    %reduce_sum3A_75 = vector.shape_cast %convert_element_type3A_74 : vector<160x128xi32> to vector<1x160x128xi32>
    %reduce_sum3A_76 = arith.constant dense<0> : vector<1xi32>
    %reduce_sum3A_77 = vector.multi_reduction <add>, %reduce_sum3A_75, %reduce_sum3A_76 [1, 2] : vector<1x160x128xi32> to vector<1xi32>
    %reduce_sum3A_78 = vector.shape_cast %reduce_sum3A_77 : vector<1xi32> to vector<1x1x1xi32>
    %reduce_sum3A_79 = vector.extract %reduce_sum3A_78[0, 0, 0] : i32 from vector<1x1x1xi32>
    %ge3A_80 = arith.constant 6000 : i32
    %ge3A_81 = arith.cmpi sge, %reduce_sum3A_79, %ge3A_80 : i32
    %select_n3A_82 = arith.select %ge3A_81, %or3A_71, %select_n3A_69 : i32
    %or3A_83 = arith.constant 33554432 : i32
    %or3A_84 = arith.ori %select_n3A_82, %or3A_83 : i32
    %ge3A_85 = vector.broadcast %or3A_84 : i32 to vector<160x128xi32>
    %ge3A_86 = arith.cmpi uge, %select_n3A, %ge3A_85 : vector<160x128xi32>
    %convert_element_type3A_87 = arith.extui %ge3A_86 : vector<160x128xi1> to vector<160x128xi32>
    %reduce_sum3A_88 = vector.shape_cast %convert_element_type3A_87 : vector<160x128xi32> to vector<1x160x128xi32>
    %reduce_sum3A_89 = arith.constant dense<0> : vector<1xi32>
    %reduce_sum3A_90 = vector.multi_reduction <add>, %reduce_sum3A_88, %reduce_sum3A_89 [1, 2] : vector<1x160x128xi32> to vector<1xi32>
    %reduce_sum3A_91 = vector.shape_cast %reduce_sum3A_90 : vector<1xi32> to vector<1x1x1xi32>
    %reduce_sum3A_92 = vector.extract %reduce_sum3A_91[0, 0, 0] : i32 from vector<1x1x1xi32>
    %ge3A_93 = arith.constant 6000 : i32
    %ge3A_94 = arith.cmpi sge, %reduce_sum3A_92, %ge3A_93 : i32
    %select_n3A_95 = arith.select %ge3A_94, %or3A_84, %select_n3A_82 : i32
    %or3A_96 = arith.constant 16777216 : i32
    %or3A_97 = arith.ori %select_n3A_95, %or3A_96 : i32
    %ge3A_98 = vector.broadcast %or3A_97 : i32 to vector<160x128xi32>
    %ge3A_99 = arith.cmpi uge, %select_n3A, %ge3A_98 : vector<160x128xi32>
    %convert_element_type3A_100 = arith.extui %ge3A_99 : vector<160x128xi1> to vector<160x128xi32>
    %reduce_sum3A_101 = vector.shape_cast %convert_element_type3A_100 : vector<160x128xi32> to vector<1x160x128xi32>
    %reduce_sum3A_102 = arith.constant dense<0> : vector<1xi32>
    %reduce_sum3A_103 = vector.multi_reduction <add>, %reduce_sum3A_101, %reduce_sum3A_102 [1, 2] : vector<1x160x128xi32> to vector<1xi32>
    %reduce_sum3A_104 = vector.shape_cast %reduce_sum3A_103 : vector<1xi32> to vector<1x1x1xi32>
    %reduce_sum3A_105 = vector.extract %reduce_sum3A_104[0, 0, 0] : i32 from vector<1x1x1xi32>
    %ge3A_106 = arith.constant 6000 : i32
    %ge3A_107 = arith.cmpi sge, %reduce_sum3A_105, %ge3A_106 : i32
    %select_n3A_108 = arith.select %ge3A_107, %or3A_97, %select_n3A_95 : i32
    %or3A_109 = arith.constant 8388608 : i32
    %or3A_110 = arith.ori %select_n3A_108, %or3A_109 : i32
    %ge3A_111 = vector.broadcast %or3A_110 : i32 to vector<160x128xi32>
    %ge3A_112 = arith.cmpi uge, %select_n3A, %ge3A_111 : vector<160x128xi32>
    %convert_element_type3A_113 = arith.extui %ge3A_112 : vector<160x128xi1> to vector<160x128xi32>
    %reduce_sum3A_114 = vector.shape_cast %convert_element_type3A_113 : vector<160x128xi32> to vector<1x160x128xi32>
    %reduce_sum3A_115 = arith.constant dense<0> : vector<1xi32>
    %reduce_sum3A_116 = vector.multi_reduction <add>, %reduce_sum3A_114, %reduce_sum3A_115 [1, 2] : vector<1x160x128xi32> to vector<1xi32>
    %reduce_sum3A_117 = vector.shape_cast %reduce_sum3A_116 : vector<1xi32> to vector<1x1x1xi32>
    %reduce_sum3A_118 = vector.extract %reduce_sum3A_117[0, 0, 0] : i32 from vector<1x1x1xi32>
    %ge3A_119 = arith.constant 6000 : i32
    %ge3A_120 = arith.cmpi sge, %reduce_sum3A_118, %ge3A_119 : i32
    %select_n3A_121 = arith.select %ge3A_120, %or3A_110, %select_n3A_108 : i32
    %or3A_122 = arith.constant 4194304 : i32
    %or3A_123 = arith.ori %select_n3A_121, %or3A_122 : i32
    %ge3A_124 = vector.broadcast %or3A_123 : i32 to vector<160x128xi32>
    %ge3A_125 = arith.cmpi uge, %select_n3A, %ge3A_124 : vector<160x128xi32>
    %convert_element_type3A_126 = arith.extui %ge3A_125 : vector<160x128xi1> to vector<160x128xi32>
    %reduce_sum3A_127 = vector.shape_cast %convert_element_type3A_126 : vector<160x128xi32> to vector<1x160x128xi32>
    %reduce_sum3A_128 = arith.constant dense<0> : vector<1xi32>
    %reduce_sum3A_129 = vector.multi_reduction <add>, %reduce_sum3A_127, %reduce_sum3A_128 [1, 2] : vector<1x160x128xi32> to vector<1xi32>
    %reduce_sum3A_130 = vector.shape_cast %reduce_sum3A_129 : vector<1xi32> to vector<1x1x1xi32>
    %reduce_sum3A_131 = vector.extract %reduce_sum3A_130[0, 0, 0] : i32 from vector<1x1x1xi32>
    %ge3A_132 = arith.constant 6000 : i32
    %ge3A_133 = arith.cmpi sge, %reduce_sum3A_131, %ge3A_132 : i32
    %select_n3A_134 = arith.select %ge3A_133, %or3A_123, %select_n3A_121 : i32
    %or3A_135 = arith.constant 2097152 : i32
    %or3A_136 = arith.ori %select_n3A_134, %or3A_135 : i32
    %ge3A_137 = vector.broadcast %or3A_136 : i32 to vector<160x128xi32>
    %ge3A_138 = arith.cmpi uge, %select_n3A, %ge3A_137 : vector<160x128xi32>
    %convert_element_type3A_139 = arith.extui %ge3A_138 : vector<160x128xi1> to vector<160x128xi32>
    %reduce_sum3A_140 = vector.shape_cast %convert_element_type3A_139 : vector<160x128xi32> to vector<1x160x128xi32>
    %reduce_sum3A_141 = arith.constant dense<0> : vector<1xi32>
    %reduce_sum3A_142 = vector.multi_reduction <add>, %reduce_sum3A_140, %reduce_sum3A_141 [1, 2] : vector<1x160x128xi32> to vector<1xi32>
    %reduce_sum3A_143 = vector.shape_cast %reduce_sum3A_142 : vector<1xi32> to vector<1x1x1xi32>
    %reduce_sum3A_144 = vector.extract %reduce_sum3A_143[0, 0, 0] : i32 from vector<1x1x1xi32>
    %ge3A_145 = arith.constant 6000 : i32
    %ge3A_146 = arith.cmpi sge, %reduce_sum3A_144, %ge3A_145 : i32
    %select_n3A_147 = arith.select %ge3A_146, %or3A_136, %select_n3A_134 : i32
    %or3A_148 = arith.constant 1048576 : i32
    %or3A_149 = arith.ori %select_n3A_147, %or3A_148 : i32
    %ge3A_150 = vector.broadcast %or3A_149 : i32 to vector<160x128xi32>
    %ge3A_151 = arith.cmpi uge, %select_n3A, %ge3A_150 : vector<160x128xi32>
    %convert_element_type3A_152 = arith.extui %ge3A_151 : vector<160x128xi1> to vector<160x128xi32>
    %reduce_sum3A_153 = vector.shape_cast %convert_element_type3A_152 : vector<160x128xi32> to vector<1x160x128xi32>
    %reduce_sum3A_154 = arith.constant dense<0> : vector<1xi32>
    %reduce_sum3A_155 = vector.multi_reduction <add>, %reduce_sum3A_153, %reduce_sum3A_154 [1, 2] : vector<1x160x128xi32> to vector<1xi32>
    %reduce_sum3A_156 = vector.shape_cast %reduce_sum3A_155 : vector<1xi32> to vector<1x1x1xi32>
    %reduce_sum3A_157 = vector.extract %reduce_sum3A_156[0, 0, 0] : i32 from vector<1x1x1xi32>
    %ge3A_158 = arith.constant 6000 : i32
    %ge3A_159 = arith.cmpi sge, %reduce_sum3A_157, %ge3A_158 : i32
    %select_n3A_160 = arith.select %ge3A_159, %or3A_149, %select_n3A_147 : i32
    %or3A_161 = arith.constant 524288 : i32
    %or3A_162 = arith.ori %select_n3A_160, %or3A_161 : i32
    %ge3A_163 = vector.broadcast %or3A_162 : i32 to vector<160x128xi32>
    %ge3A_164 = arith.cmpi uge, %select_n3A, %ge3A_163 : vector<160x128xi32>
    %convert_element_type3A_165 = arith.extui %ge3A_164 : vector<160x128xi1> to vector<160x128xi32>
    %reduce_sum3A_166 = vector.shape_cast %convert_element_type3A_165 : vector<160x128xi32> to vector<1x160x128xi32>
    %reduce_sum3A_167 = arith.constant dense<0> : vector<1xi32>
    %reduce_sum3A_168 = vector.multi_reduction <add>, %reduce_sum3A_166, %reduce_sum3A_167 [1, 2] : vector<1x160x128xi32> to vector<1xi32>
    %reduce_sum3A_169 = vector.shape_cast %reduce_sum3A_168 : vector<1xi32> to vector<1x1x1xi32>
    %reduce_sum3A_170 = vector.extract %reduce_sum3A_169[0, 0, 0] : i32 from vector<1x1x1xi32>
    %ge3A_171 = arith.constant 6000 : i32
    %ge3A_172 = arith.cmpi sge, %reduce_sum3A_170, %ge3A_171 : i32
    %select_n3A_173 = arith.select %ge3A_172, %or3A_162, %select_n3A_160 : i32
    %or3A_174 = arith.constant 262144 : i32
    %or3A_175 = arith.ori %select_n3A_173, %or3A_174 : i32
    %ge3A_176 = vector.broadcast %or3A_175 : i32 to vector<160x128xi32>
    %ge3A_177 = arith.cmpi uge, %select_n3A, %ge3A_176 : vector<160x128xi32>
    %convert_element_type3A_178 = arith.extui %ge3A_177 : vector<160x128xi1> to vector<160x128xi32>
    %reduce_sum3A_179 = vector.shape_cast %convert_element_type3A_178 : vector<160x128xi32> to vector<1x160x128xi32>
    %reduce_sum3A_180 = arith.constant dense<0> : vector<1xi32>
    %reduce_sum3A_181 = vector.multi_reduction <add>, %reduce_sum3A_179, %reduce_sum3A_180 [1, 2] : vector<1x160x128xi32> to vector<1xi32>
    %reduce_sum3A_182 = vector.shape_cast %reduce_sum3A_181 : vector<1xi32> to vector<1x1x1xi32>
    %reduce_sum3A_183 = vector.extract %reduce_sum3A_182[0, 0, 0] : i32 from vector<1x1x1xi32>
    %ge3A_184 = arith.constant 6000 : i32
    %ge3A_185 = arith.cmpi sge, %reduce_sum3A_183, %ge3A_184 : i32
    %select_n3A_186 = arith.select %ge3A_185, %or3A_175, %select_n3A_173 : i32
    %or3A_187 = arith.constant 131072 : i32
    %or3A_188 = arith.ori %select_n3A_186, %or3A_187 : i32
    %ge3A_189 = vector.broadcast %or3A_188 : i32 to vector<160x128xi32>
    %ge3A_190 = arith.cmpi uge, %select_n3A, %ge3A_189 : vector<160x128xi32>
    %convert_element_type3A_191 = arith.extui %ge3A_190 : vector<160x128xi1> to vector<160x128xi32>
    %reduce_sum3A_192 = vector.shape_cast %convert_element_type3A_191 : vector<160x128xi32> to vector<1x160x128xi32>
    %reduce_sum3A_193 = arith.constant dense<0> : vector<1xi32>
    %reduce_sum3A_194 = vector.multi_reduction <add>, %reduce_sum3A_192, %reduce_sum3A_193 [1, 2] : vector<1x160x128xi32> to vector<1xi32>
    %reduce_sum3A_195 = vector.shape_cast %reduce_sum3A_194 : vector<1xi32> to vector<1x1x1xi32>
    %reduce_sum3A_196 = vector.extract %reduce_sum3A_195[0, 0, 0] : i32 from vector<1x1x1xi32>
    %ge3A_197 = arith.constant 6000 : i32
    %ge3A_198 = arith.cmpi sge, %reduce_sum3A_196, %ge3A_197 : i32
    %select_n3A_199 = arith.select %ge3A_198, %or3A_188, %select_n3A_186 : i32
    %or3A_200 = arith.constant 65536 : i32
    %or3A_201 = arith.ori %select_n3A_199, %or3A_200 : i32
    %ge3A_202 = vector.broadcast %or3A_201 : i32 to vector<160x128xi32>
    %ge3A_203 = arith.cmpi uge, %select_n3A, %ge3A_202 : vector<160x128xi32>
    %convert_element_type3A_204 = arith.extui %ge3A_203 : vector<160x128xi1> to vector<160x128xi32>
    %reduce_sum3A_205 = vector.shape_cast %convert_element_type3A_204 : vector<160x128xi32> to vector<1x160x128xi32>
    %reduce_sum3A_206 = arith.constant dense<0> : vector<1xi32>
    %reduce_sum3A_207 = vector.multi_reduction <add>, %reduce_sum3A_205, %reduce_sum3A_206 [1, 2] : vector<1x160x128xi32> to vector<1xi32>
    %reduce_sum3A_208 = vector.shape_cast %reduce_sum3A_207 : vector<1xi32> to vector<1x1x1xi32>
    %reduce_sum3A_209 = vector.extract %reduce_sum3A_208[0, 0, 0] : i32 from vector<1x1x1xi32>
    %ge3A_210 = arith.constant 6000 : i32
    %ge3A_211 = arith.cmpi sge, %reduce_sum3A_209, %ge3A_210 : i32
    %select_n3A_212 = arith.select %ge3A_211, %or3A_201, %select_n3A_199 : i32
    %or3A_213 = arith.constant 32768 : i32
    %or3A_214 = arith.ori %select_n3A_212, %or3A_213 : i32
    %ge3A_215 = vector.broadcast %or3A_214 : i32 to vector<160x128xi32>
    %ge3A_216 = arith.cmpi uge, %select_n3A, %ge3A_215 : vector<160x128xi32>
    %convert_element_type3A_217 = arith.extui %ge3A_216 : vector<160x128xi1> to vector<160x128xi32>
    %reduce_sum3A_218 = vector.shape_cast %convert_element_type3A_217 : vector<160x128xi32> to vector<1x160x128xi32>
    %reduce_sum3A_219 = arith.constant dense<0> : vector<1xi32>
    %reduce_sum3A_220 = vector.multi_reduction <add>, %reduce_sum3A_218, %reduce_sum3A_219 [1, 2] : vector<1x160x128xi32> to vector<1xi32>
    %reduce_sum3A_221 = vector.shape_cast %reduce_sum3A_220 : vector<1xi32> to vector<1x1x1xi32>
    %reduce_sum3A_222 = vector.extract %reduce_sum3A_221[0, 0, 0] : i32 from vector<1x1x1xi32>
    %ge3A_223 = arith.constant 6000 : i32
    %ge3A_224 = arith.cmpi sge, %reduce_sum3A_222, %ge3A_223 : i32
    %select_n3A_225 = arith.select %ge3A_224, %or3A_214, %select_n3A_212 : i32
    %or3A_226 = arith.constant 16384 : i32
    %or3A_227 = arith.ori %select_n3A_225, %or3A_226 : i32
    %ge3A_228 = vector.broadcast %or3A_227 : i32 to vector<160x128xi32>
    %ge3A_229 = arith.cmpi uge, %select_n3A, %ge3A_228 : vector<160x128xi32>
    %convert_element_type3A_230 = arith.extui %ge3A_229 : vector<160x128xi1> to vector<160x128xi32>
    %reduce_sum3A_231 = vector.shape_cast %convert_element_type3A_230 : vector<160x128xi32> to vector<1x160x128xi32>
    %reduce_sum3A_232 = arith.constant dense<0> : vector<1xi32>
    %reduce_sum3A_233 = vector.multi_reduction <add>, %reduce_sum3A_231, %reduce_sum3A_232 [1, 2] : vector<1x160x128xi32> to vector<1xi32>
    %reduce_sum3A_234 = vector.shape_cast %reduce_sum3A_233 : vector<1xi32> to vector<1x1x1xi32>
    %reduce_sum3A_235 = vector.extract %reduce_sum3A_234[0, 0, 0] : i32 from vector<1x1x1xi32>
    %ge3A_236 = arith.constant 6000 : i32
    %ge3A_237 = arith.cmpi sge, %reduce_sum3A_235, %ge3A_236 : i32
    %select_n3A_238 = arith.select %ge3A_237, %or3A_227, %select_n3A_225 : i32
    %or3A_239 = arith.constant 8192 : i32
    %or3A_240 = arith.ori %select_n3A_238, %or3A_239 : i32
    %ge3A_241 = vector.broadcast %or3A_240 : i32 to vector<160x128xi32>
    %ge3A_242 = arith.cmpi uge, %select_n3A, %ge3A_241 : vector<160x128xi32>
    %convert_element_type3A_243 = arith.extui %ge3A_242 : vector<160x128xi1> to vector<160x128xi32>
    %reduce_sum3A_244 = vector.shape_cast %convert_element_type3A_243 : vector<160x128xi32> to vector<1x160x128xi32>
    %reduce_sum3A_245 = arith.constant dense<0> : vector<1xi32>
    %reduce_sum3A_246 = vector.multi_reduction <add>, %reduce_sum3A_244, %reduce_sum3A_245 [1, 2] : vector<1x160x128xi32> to vector<1xi32>
    %reduce_sum3A_247 = vector.shape_cast %reduce_sum3A_246 : vector<1xi32> to vector<1x1x1xi32>
    %reduce_sum3A_248 = vector.extract %reduce_sum3A_247[0, 0, 0] : i32 from vector<1x1x1xi32>
    %ge3A_249 = arith.constant 6000 : i32
    %ge3A_250 = arith.cmpi sge, %reduce_sum3A_248, %ge3A_249 : i32
    %select_n3A_251 = arith.select %ge3A_250, %or3A_240, %select_n3A_238 : i32
    %or3A_252 = arith.constant 4096 : i32
    %or3A_253 = arith.ori %select_n3A_251, %or3A_252 : i32
    %ge3A_254 = vector.broadcast %or3A_253 : i32 to vector<160x128xi32>
    %ge3A_255 = arith.cmpi uge, %select_n3A, %ge3A_254 : vector<160x128xi32>
    %convert_element_type3A_256 = arith.extui %ge3A_255 : vector<160x128xi1> to vector<160x128xi32>
    %reduce_sum3A_257 = vector.shape_cast %convert_element_type3A_256 : vector<160x128xi32> to vector<1x160x128xi32>
    %reduce_sum3A_258 = arith.constant dense<0> : vector<1xi32>
    %reduce_sum3A_259 = vector.multi_reduction <add>, %reduce_sum3A_257, %reduce_sum3A_258 [1, 2] : vector<1x160x128xi32> to vector<1xi32>
    %reduce_sum3A_260 = vector.shape_cast %reduce_sum3A_259 : vector<1xi32> to vector<1x1x1xi32>
    %reduce_sum3A_261 = vector.extract %reduce_sum3A_260[0, 0, 0] : i32 from vector<1x1x1xi32>
    %ge3A_262 = arith.constant 6000 : i32
    %ge3A_263 = arith.cmpi sge, %reduce_sum3A_261, %ge3A_262 : i32
    %select_n3A_264 = arith.select %ge3A_263, %or3A_253, %select_n3A_251 : i32
    %or3A_265 = arith.constant 2048 : i32
    %or3A_266 = arith.ori %select_n3A_264, %or3A_265 : i32
    %ge3A_267 = vector.broadcast %or3A_266 : i32 to vector<160x128xi32>
    %ge3A_268 = arith.cmpi uge, %select_n3A, %ge3A_267 : vector<160x128xi32>
    %convert_element_type3A_269 = arith.extui %ge3A_268 : vector<160x128xi1> to vector<160x128xi32>
    %reduce_sum3A_270 = vector.shape_cast %convert_element_type3A_269 : vector<160x128xi32> to vector<1x160x128xi32>
    %reduce_sum3A_271 = arith.constant dense<0> : vector<1xi32>
    %reduce_sum3A_272 = vector.multi_reduction <add>, %reduce_sum3A_270, %reduce_sum3A_271 [1, 2] : vector<1x160x128xi32> to vector<1xi32>
    %reduce_sum3A_273 = vector.shape_cast %reduce_sum3A_272 : vector<1xi32> to vector<1x1x1xi32>
    %reduce_sum3A_274 = vector.extract %reduce_sum3A_273[0, 0, 0] : i32 from vector<1x1x1xi32>
    %ge3A_275 = arith.constant 6000 : i32
    %ge3A_276 = arith.cmpi sge, %reduce_sum3A_274, %ge3A_275 : i32
    %select_n3A_277 = arith.select %ge3A_276, %or3A_266, %select_n3A_264 : i32
    %or3A_278 = arith.constant 1024 : i32
    %or3A_279 = arith.ori %select_n3A_277, %or3A_278 : i32
    %ge3A_280 = vector.broadcast %or3A_279 : i32 to vector<160x128xi32>
    %ge3A_281 = arith.cmpi uge, %select_n3A, %ge3A_280 : vector<160x128xi32>
    %convert_element_type3A_282 = arith.extui %ge3A_281 : vector<160x128xi1> to vector<160x128xi32>
    %reduce_sum3A_283 = vector.shape_cast %convert_element_type3A_282 : vector<160x128xi32> to vector<1x160x128xi32>
    %reduce_sum3A_284 = arith.constant dense<0> : vector<1xi32>
    %reduce_sum3A_285 = vector.multi_reduction <add>, %reduce_sum3A_283, %reduce_sum3A_284 [1, 2] : vector<1x160x128xi32> to vector<1xi32>
    %reduce_sum3A_286 = vector.shape_cast %reduce_sum3A_285 : vector<1xi32> to vector<1x1x1xi32>
    %reduce_sum3A_287 = vector.extract %reduce_sum3A_286[0, 0, 0] : i32 from vector<1x1x1xi32>
    %ge3A_288 = arith.constant 6000 : i32
    %ge3A_289 = arith.cmpi sge, %reduce_sum3A_287, %ge3A_288 : i32
    %select_n3A_290 = arith.select %ge3A_289, %or3A_279, %select_n3A_277 : i32
    %or3A_291 = arith.constant 512 : i32
    %or3A_292 = arith.ori %select_n3A_290, %or3A_291 : i32
    %ge3A_293 = vector.broadcast %or3A_292 : i32 to vector<160x128xi32>
    %ge3A_294 = arith.cmpi uge, %select_n3A, %ge3A_293 : vector<160x128xi32>
    %convert_element_type3A_295 = arith.extui %ge3A_294 : vector<160x128xi1> to vector<160x128xi32>
    %reduce_sum3A_296 = vector.shape_cast %convert_element_type3A_295 : vector<160x128xi32> to vector<1x160x128xi32>
    %reduce_sum3A_297 = arith.constant dense<0> : vector<1xi32>
    %reduce_sum3A_298 = vector.multi_reduction <add>, %reduce_sum3A_296, %reduce_sum3A_297 [1, 2] : vector<1x160x128xi32> to vector<1xi32>
    %reduce_sum3A_299 = vector.shape_cast %reduce_sum3A_298 : vector<1xi32> to vector<1x1x1xi32>
    %reduce_sum3A_300 = vector.extract %reduce_sum3A_299[0, 0, 0] : i32 from vector<1x1x1xi32>
    %ge3A_301 = arith.constant 6000 : i32
    %ge3A_302 = arith.cmpi sge, %reduce_sum3A_300, %ge3A_301 : i32
    %select_n3A_303 = arith.select %ge3A_302, %or3A_292, %select_n3A_290 : i32
    %or3A_304 = arith.constant 256 : i32
    %or3A_305 = arith.ori %select_n3A_303, %or3A_304 : i32
    %ge3A_306 = vector.broadcast %or3A_305 : i32 to vector<160x128xi32>
    %ge3A_307 = arith.cmpi uge, %select_n3A, %ge3A_306 : vector<160x128xi32>
    %convert_element_type3A_308 = arith.extui %ge3A_307 : vector<160x128xi1> to vector<160x128xi32>
    %reduce_sum3A_309 = vector.shape_cast %convert_element_type3A_308 : vector<160x128xi32> to vector<1x160x128xi32>
    %reduce_sum3A_310 = arith.constant dense<0> : vector<1xi32>
    %reduce_sum3A_311 = vector.multi_reduction <add>, %reduce_sum3A_309, %reduce_sum3A_310 [1, 2] : vector<1x160x128xi32> to vector<1xi32>
    %reduce_sum3A_312 = vector.shape_cast %reduce_sum3A_311 : vector<1xi32> to vector<1x1x1xi32>
    %reduce_sum3A_313 = vector.extract %reduce_sum3A_312[0, 0, 0] : i32 from vector<1x1x1xi32>
    %ge3A_314 = arith.constant 6000 : i32
    %ge3A_315 = arith.cmpi sge, %reduce_sum3A_313, %ge3A_314 : i32
    %select_n3A_316 = arith.select %ge3A_315, %or3A_305, %select_n3A_303 : i32
    %or3A_317 = arith.constant 128 : i32
    %or3A_318 = arith.ori %select_n3A_316, %or3A_317 : i32
    %ge3A_319 = vector.broadcast %or3A_318 : i32 to vector<160x128xi32>
    %ge3A_320 = arith.cmpi uge, %select_n3A, %ge3A_319 : vector<160x128xi32>
    %convert_element_type3A_321 = arith.extui %ge3A_320 : vector<160x128xi1> to vector<160x128xi32>
    %reduce_sum3A_322 = vector.shape_cast %convert_element_type3A_321 : vector<160x128xi32> to vector<1x160x128xi32>
    %reduce_sum3A_323 = arith.constant dense<0> : vector<1xi32>
    %reduce_sum3A_324 = vector.multi_reduction <add>, %reduce_sum3A_322, %reduce_sum3A_323 [1, 2] : vector<1x160x128xi32> to vector<1xi32>
    %reduce_sum3A_325 = vector.shape_cast %reduce_sum3A_324 : vector<1xi32> to vector<1x1x1xi32>
    %reduce_sum3A_326 = vector.extract %reduce_sum3A_325[0, 0, 0] : i32 from vector<1x1x1xi32>
    %ge3A_327 = arith.constant 6000 : i32
    %ge3A_328 = arith.cmpi sge, %reduce_sum3A_326, %ge3A_327 : i32
    %select_n3A_329 = arith.select %ge3A_328, %or3A_318, %select_n3A_316 : i32
    %or3A_330 = arith.constant 64 : i32
    %or3A_331 = arith.ori %select_n3A_329, %or3A_330 : i32
    %ge3A_332 = vector.broadcast %or3A_331 : i32 to vector<160x128xi32>
    %ge3A_333 = arith.cmpi uge, %select_n3A, %ge3A_332 : vector<160x128xi32>
    %convert_element_type3A_334 = arith.extui %ge3A_333 : vector<160x128xi1> to vector<160x128xi32>
    %reduce_sum3A_335 = vector.shape_cast %convert_element_type3A_334 : vector<160x128xi32> to vector<1x160x128xi32>
    %reduce_sum3A_336 = arith.constant dense<0> : vector<1xi32>
    %reduce_sum3A_337 = vector.multi_reduction <add>, %reduce_sum3A_335, %reduce_sum3A_336 [1, 2] : vector<1x160x128xi32> to vector<1xi32>
    %reduce_sum3A_338 = vector.shape_cast %reduce_sum3A_337 : vector<1xi32> to vector<1x1x1xi32>
    %reduce_sum3A_339 = vector.extract %reduce_sum3A_338[0, 0, 0] : i32 from vector<1x1x1xi32>
    %ge3A_340 = arith.constant 6000 : i32
    %ge3A_341 = arith.cmpi sge, %reduce_sum3A_339, %ge3A_340 : i32
    %select_n3A_342 = arith.select %ge3A_341, %or3A_331, %select_n3A_329 : i32
    %or3A_343 = arith.constant 32 : i32
    %or3A_344 = arith.ori %select_n3A_342, %or3A_343 : i32
    %ge3A_345 = vector.broadcast %or3A_344 : i32 to vector<160x128xi32>
    %ge3A_346 = arith.cmpi uge, %select_n3A, %ge3A_345 : vector<160x128xi32>
    %convert_element_type3A_347 = arith.extui %ge3A_346 : vector<160x128xi1> to vector<160x128xi32>
    %reduce_sum3A_348 = vector.shape_cast %convert_element_type3A_347 : vector<160x128xi32> to vector<1x160x128xi32>
    %reduce_sum3A_349 = arith.constant dense<0> : vector<1xi32>
    %reduce_sum3A_350 = vector.multi_reduction <add>, %reduce_sum3A_348, %reduce_sum3A_349 [1, 2] : vector<1x160x128xi32> to vector<1xi32>
    %reduce_sum3A_351 = vector.shape_cast %reduce_sum3A_350 : vector<1xi32> to vector<1x1x1xi32>
    %reduce_sum3A_352 = vector.extract %reduce_sum3A_351[0, 0, 0] : i32 from vector<1x1x1xi32>
    %ge3A_353 = arith.constant 6000 : i32
    %ge3A_354 = arith.cmpi sge, %reduce_sum3A_352, %ge3A_353 : i32
    %select_n3A_355 = arith.select %ge3A_354, %or3A_344, %select_n3A_342 : i32
    %or3A_356 = arith.constant 16 : i32
    %or3A_357 = arith.ori %select_n3A_355, %or3A_356 : i32
    %ge3A_358 = vector.broadcast %or3A_357 : i32 to vector<160x128xi32>
    %ge3A_359 = arith.cmpi uge, %select_n3A, %ge3A_358 : vector<160x128xi32>
    %convert_element_type3A_360 = arith.extui %ge3A_359 : vector<160x128xi1> to vector<160x128xi32>
    %reduce_sum3A_361 = vector.shape_cast %convert_element_type3A_360 : vector<160x128xi32> to vector<1x160x128xi32>
    %reduce_sum3A_362 = arith.constant dense<0> : vector<1xi32>
    %reduce_sum3A_363 = vector.multi_reduction <add>, %reduce_sum3A_361, %reduce_sum3A_362 [1, 2] : vector<1x160x128xi32> to vector<1xi32>
    %reduce_sum3A_364 = vector.shape_cast %reduce_sum3A_363 : vector<1xi32> to vector<1x1x1xi32>
    %reduce_sum3A_365 = vector.extract %reduce_sum3A_364[0, 0, 0] : i32 from vector<1x1x1xi32>
    %ge3A_366 = arith.constant 6000 : i32
    %ge3A_367 = arith.cmpi sge, %reduce_sum3A_365, %ge3A_366 : i32
    %select_n3A_368 = arith.select %ge3A_367, %or3A_357, %select_n3A_355 : i32
    %or3A_369 = arith.constant 8 : i32
    %or3A_370 = arith.ori %select_n3A_368, %or3A_369 : i32
    %ge3A_371 = vector.broadcast %or3A_370 : i32 to vector<160x128xi32>
    %ge3A_372 = arith.cmpi uge, %select_n3A, %ge3A_371 : vector<160x128xi32>
    %convert_element_type3A_373 = arith.extui %ge3A_372 : vector<160x128xi1> to vector<160x128xi32>
    %reduce_sum3A_374 = vector.shape_cast %convert_element_type3A_373 : vector<160x128xi32> to vector<1x160x128xi32>
    %reduce_sum3A_375 = arith.constant dense<0> : vector<1xi32>
    %reduce_sum3A_376 = vector.multi_reduction <add>, %reduce_sum3A_374, %reduce_sum3A_375 [1, 2] : vector<1x160x128xi32> to vector<1xi32>
    %reduce_sum3A_377 = vector.shape_cast %reduce_sum3A_376 : vector<1xi32> to vector<1x1x1xi32>
    %reduce_sum3A_378 = vector.extract %reduce_sum3A_377[0, 0, 0] : i32 from vector<1x1x1xi32>
    %ge3A_379 = arith.constant 6000 : i32
    %ge3A_380 = arith.cmpi sge, %reduce_sum3A_378, %ge3A_379 : i32
    %select_n3A_381 = arith.select %ge3A_380, %or3A_370, %select_n3A_368 : i32
    %or3A_382 = arith.constant 4 : i32
    %or3A_383 = arith.ori %select_n3A_381, %or3A_382 : i32
    %ge3A_384 = vector.broadcast %or3A_383 : i32 to vector<160x128xi32>
    %ge3A_385 = arith.cmpi uge, %select_n3A, %ge3A_384 : vector<160x128xi32>
    %convert_element_type3A_386 = arith.extui %ge3A_385 : vector<160x128xi1> to vector<160x128xi32>
    %reduce_sum3A_387 = vector.shape_cast %convert_element_type3A_386 : vector<160x128xi32> to vector<1x160x128xi32>
    %reduce_sum3A_388 = arith.constant dense<0> : vector<1xi32>
    %reduce_sum3A_389 = vector.multi_reduction <add>, %reduce_sum3A_387, %reduce_sum3A_388 [1, 2] : vector<1x160x128xi32> to vector<1xi32>
    %reduce_sum3A_390 = vector.shape_cast %reduce_sum3A_389 : vector<1xi32> to vector<1x1x1xi32>
    %reduce_sum3A_391 = vector.extract %reduce_sum3A_390[0, 0, 0] : i32 from vector<1x1x1xi32>
    %ge3A_392 = arith.constant 6000 : i32
    %ge3A_393 = arith.cmpi sge, %reduce_sum3A_391, %ge3A_392 : i32
    %select_n3A_394 = arith.select %ge3A_393, %or3A_383, %select_n3A_381 : i32
    %or3A_395 = arith.constant 2 : i32
    %or3A_396 = arith.ori %select_n3A_394, %or3A_395 : i32
    %ge3A_397 = vector.broadcast %or3A_396 : i32 to vector<160x128xi32>
    %ge3A_398 = arith.cmpi uge, %select_n3A, %ge3A_397 : vector<160x128xi32>
    %convert_element_type3A_399 = arith.extui %ge3A_398 : vector<160x128xi1> to vector<160x128xi32>
    %reduce_sum3A_400 = vector.shape_cast %convert_element_type3A_399 : vector<160x128xi32> to vector<1x160x128xi32>
    %reduce_sum3A_401 = arith.constant dense<0> : vector<1xi32>
    %reduce_sum3A_402 = vector.multi_reduction <add>, %reduce_sum3A_400, %reduce_sum3A_401 [1, 2] : vector<1x160x128xi32> to vector<1xi32>
    %reduce_sum3A_403 = vector.shape_cast %reduce_sum3A_402 : vector<1xi32> to vector<1x1x1xi32>
    %reduce_sum3A_404 = vector.extract %reduce_sum3A_403[0, 0, 0] : i32 from vector<1x1x1xi32>
    %ge3A_405 = arith.constant 6000 : i32
    %ge3A_406 = arith.cmpi sge, %reduce_sum3A_404, %ge3A_405 : i32
    %select_n3A_407 = arith.select %ge3A_406, %or3A_396, %select_n3A_394 : i32
    %or3A_408 = arith.constant 1 : i32
    %or3A_409 = arith.ori %select_n3A_407, %or3A_408 : i32
    %ge3A_410 = vector.broadcast %or3A_409 : i32 to vector<160x128xi32>
    %ge3A_411 = arith.cmpi uge, %select_n3A, %ge3A_410 : vector<160x128xi32>
    %convert_element_type3A_412 = arith.extui %ge3A_411 : vector<160x128xi1> to vector<160x128xi32>
    %reduce_sum3A_413 = vector.shape_cast %convert_element_type3A_412 : vector<160x128xi32> to vector<1x160x128xi32>
    %reduce_sum3A_414 = arith.constant dense<0> : vector<1xi32>
    %reduce_sum3A_415 = vector.multi_reduction <add>, %reduce_sum3A_413, %reduce_sum3A_414 [1, 2] : vector<1x160x128xi32> to vector<1xi32>
    %reduce_sum3A_416 = vector.shape_cast %reduce_sum3A_415 : vector<1xi32> to vector<1x1x1xi32>
    %reduce_sum3A_417 = vector.extract %reduce_sum3A_416[0, 0, 0] : i32 from vector<1x1x1xi32>
    %ge3A_418 = arith.constant 6000 : i32
    %ge3A_419 = arith.cmpi sge, %reduce_sum3A_417, %ge3A_418 : i32
    %select_n3A_420 = arith.select %ge3A_419, %or3A_409, %select_n3A_407 : i32
    %gt3A = vector.broadcast %select_n3A_420 : i32 to vector<160x128xi32>
    %gt3A_421 = arith.cmpi ugt, %select_n3A, %gt3A : vector<160x128xi32>
    %convert_element_type3A_422 = arith.extui %gt3A_421 : vector<160x128xi1> to vector<160x128xi32>
    %reduce_sum3A_423 = vector.shape_cast %convert_element_type3A_422 : vector<160x128xi32> to vector<1x160x128xi32>
    %reduce_sum3A_424 = arith.constant dense<0> : vector<1xi32>
    %reduce_sum3A_425 = vector.multi_reduction <add>, %reduce_sum3A_423, %reduce_sum3A_424 [1, 2] : vector<1x160x128xi32> to vector<1xi32>
    %reduce_sum3A_426 = vector.shape_cast %reduce_sum3A_425 : vector<1xi32> to vector<1x1x1xi32>
    %reduce_sum3A_427 = vector.extract %reduce_sum3A_426[0, 0, 0] : i32 from vector<1x1x1xi32>
    %eq3A = vector.broadcast %select_n3A_420 : i32 to vector<160x128xi32>
    %eq3A_428 = arith.cmpi eq, %select_n3A, %eq3A : vector<160x128xi32>
    %convert_element_type3A_429 = arith.extui %eq3A_428 : vector<160x128xi1> to vector<160x128xi32>
    %convert_element_type3A_430 = arith.sitofp %convert_element_type3A_429 : vector<160x128xi32> to vector<160x128xf32>
    %iota3A = tpu.iota {dimensions = array<i32: 0>} : vector<128x128xi32>
    %iota3A_431 = tpu.iota {dimensions = array<i32: 1>} : vector<128x128xi32>
    %le3A = arith.cmpi sle, %iota3A, %iota3A_431 : vector<128x128xi32>
    %convert_element_type3A_432 = arith.extui %le3A : vector<128x128xi1> to vector<128x128xi32>
    %convert_element_type3A_433 = arith.sitofp %convert_element_type3A_432 : vector<128x128xi32> to vector<128x128xf32>
    %iota3A_434 = tpu.iota {dimensions = array<i32: 1>} : vector<160x160xi32>
    %iota3A_435 = tpu.iota {dimensions = array<i32: 0>} : vector<160x160xi32>
    %lt3A_436 = arith.cmpi slt, %iota3A_434, %iota3A_435 : vector<160x160xi32>
    %convert_element_type3A_437 = arith.extui %lt3A_436 : vector<160x160xi1> to vector<160x160xi32>
    %convert_element_type3A_438 = arith.sitofp %convert_element_type3A_437 : vector<160x160xi32> to vector<160x160xf32>
    %dot_general3A = arith.constant dense<0.000000e+00> : vector<160x128xf32>
    %dot_general3A_439 = tpu.matmul %convert_element_type3A_430, %convert_element_type3A_433, %dot_general3A {dimension_numbers = #tpu.dot_dimension_numbers<[1], [0], [0], [1], [0, 0, 1, 1], [], []>, transpose_lhs_hint = false} : vector<160x128xf32>, vector<128x128xf32>, vector<160x128xf32> -> vector<160x128xf32>
    %slice3A = vector.extract_strided_slice %dot_general3A_439 {offsets = [0, 127], sizes = [160, 1], strides = [1, 1]} : vector<160x128xf32> to vector<160x1xf32>
    %dot_general3A_440 = arith.constant dense<0.000000e+00> : vector<160x1xf32>
    %dot_general3A_441 = tpu.matmul %convert_element_type3A_438, %slice3A, %dot_general3A_440 {dimension_numbers = #tpu.dot_dimension_numbers<[1], [0], [0], [1], [0, 0, 1, 1], [], []>, transpose_lhs_hint = false} : vector<160x160xf32>, vector<160x1xf32>, vector<160x1xf32> -> vector<160x1xf32>
    %add3A = vector.broadcast %dot_general3A_441 : vector<160x1xf32> to vector<160x128xf32>
    %add3A_442 = arith.addf %add3A, %dot_general3A_439 : vector<160x128xf32>
    %sub3A = arith.subf %add3A_442, %convert_element_type3A_430 : vector<160x128xf32>
    %sub3A_443 = arith.constant 6000 : i32
    %sub3A_444 = arith.subi %sub3A_443, %reduce_sum3A_427 : i32
    %convert_element_type3A_445 = arith.sitofp %sub3A_444 : i32 to f32
    %gt3A_446 = vector.broadcast %select_n3A_420 : i32 to vector<160x128xi32>
    %gt3A_447 = arith.cmpi ugt, %select_n3A, %gt3A_446 : vector<160x128xi32>
    %lt3A_448 = vector.broadcast %convert_element_type3A_445 : f32 to vector<160x128xf32>
    %lt3A_449 = arith.cmpf olt, %sub3A, %lt3A_448 : vector<160x128xf32>
    %and3A = arith.andi %eq3A_428, %lt3A_449 : vector<160x128xi1>
    %or3A_450 = arith.ori %gt3A_447, %and3A : vector<160x128xi1>
    %convert_element_type3A_451 = arith.extui %or3A_450 : vector<160x128xi1> to vector<160x128xi32>
    %convert_element_type3A_452 = arith.sitofp %convert_element_type3A_451 : vector<160x128xi32> to vector<160x128xf32>
    %dot_general3A_453 = arith.constant dense<0.000000e+00> : vector<160x128xf32>
    %dot_general3A_454 = tpu.matmul %convert_element_type3A_452, %convert_element_type3A_433, %dot_general3A_453 {dimension_numbers = #tpu.dot_dimension_numbers<[1], [0], [0], [1], [0, 0, 1, 1], [], []>, transpose_lhs_hint = false} : vector<160x128xf32>, vector<128x128xf32>, vector<160x128xf32> -> vector<160x128xf32>
    %slice3A_455 = vector.extract_strided_slice %dot_general3A_454 {offsets = [0, 127], sizes = [160, 1], strides = [1, 1]} : vector<160x128xf32> to vector<160x1xf32>
    %dot_general3A_456 = arith.constant dense<0.000000e+00> : vector<160x1xf32>
    %dot_general3A_457 = tpu.matmul %convert_element_type3A_438, %slice3A_455, %dot_general3A_456 {dimension_numbers = #tpu.dot_dimension_numbers<[1], [0], [0], [1], [0, 0, 1, 1], [], []>, transpose_lhs_hint = false} : vector<160x160xf32>, vector<160x1xf32>, vector<160x1xf32> -> vector<160x1xf32>
    %add3A_458 = vector.broadcast %dot_general3A_457 : vector<160x1xf32> to vector<160x128xf32>
    %add3A_459 = arith.addf %add3A_458, %dot_general3A_454 : vector<160x128xf32>
    %sub3A_460 = arith.subf %add3A_459, %convert_element_type3A_452 : vector<160x128xf32>
    %iota3A_461 = tpu.iota {dimensions = array<i32: 0>} : vector<160x128xi32>
    %mul3A = arith.constant 128 : i32
    %mul3A_462 = vector.broadcast %mul3A : i32 to vector<160x128xi32>
    %mul3A_463 = arith.muli %iota3A_461, %mul3A_462 : vector<160x128xi32>
    %iota3A_464 = tpu.iota {dimensions = array<i32: 1>} : vector<160x128xi32>
    %add3A_465 = arith.addi %mul3A_463, %iota3A_464 : vector<160x128xi32>
    %convert_element_type3A_466 = arith.fptosi %sub3A_460 : vector<160x128xf32> to vector<160x128xi32>
    %add3A_467 = arith.constant 6208 : i32
    %add3A_468 = vector.broadcast %add3A_467 : i32 to vector<160x128xi32>
    %add3A_469 = arith.addi %add3A_468, %add3A_465 : vector<160x128xi32>
    %select_n3A_470 = arith.select %or3A_450, %convert_element_type3A_466, %add3A_469 : vector<160x128xi1>, vector<160x128xi32>
    %swap3A = arith.constant 0 : index
    %swap3A_471 = arith.constant 0 : index
    %swap3A_472 = vector.load %arg1[%swap3A, %swap3A_471] : memref<160x128xi32, #tpu.memory_space<vmem>>, vector<160x128xi32>
    tpu.vector_store %arg1[%swap3A, %swap3A_471], %select_n3A_470 {strides = array<i32>} : memref<160x128xi32, #tpu.memory_space<vmem>>, vector<160x128xi32>,
    return
  }
}

module attributes {stable_mosaic.version = 14 : i64} {
  func.func @_nms_body(%arg0: memref<48x128xf32, #tpu.memory_space<vmem>>, %arg1: memref<48x128xf32, #tpu.memory_space<vmem>>, %arg2: memref<48x128xf32, #tpu.memory_space<vmem>>, %arg3: memref<48x128xf32, #tpu.memory_space<vmem>>, %arg4: memref<48x128xf32, #tpu.memory_space<vmem>>, %arg5: memref<240x128xf32, #tpu.memory_space<vmem>>, %arg6: memref<1008x1xf32, #tpu.memory_space<vmem>>, %arg7: memref<1008x1xf32, #tpu.memory_space<vmem>>, %arg8: memref<1008x1xf32, #tpu.memory_space<vmem>>, %arg9: memref<1008x1xf32, #tpu.memory_space<vmem>>, %arg10: memref<1008x1xf32, #tpu.memory_space<vmem>>, %arg11: memref<48x128xf32, #tpu.memory_space<vmem>>, %arg12: memref<48x128xf32, #tpu.memory_space<vmem>>, %arg13: memref<48x128xi32, #tpu.memory_space<vmem>>) attributes {dimension_semantics = [], scalar_prefetch = 0 : i64, scratch_operands = 3 : i64, tpu.core_type = #tpu.core_type<tc>} {
    %iota3A = tpu.iota {dimensions = array<i32: 0>} : vector<48x128xi32>
    %mul3A = arith.constant 128 : i32
    %mul3A_0 = vector.broadcast %mul3A : i32 to vector<48x128xi32>
    %mul3A_1 = arith.muli %iota3A, %mul3A_0 : vector<48x128xi32>
    %iota3A_2 = tpu.iota {dimensions = array<i32: 1>} : vector<48x128xi32>
    %add3A = arith.addi %mul3A_1, %iota3A_2 : vector<48x128xi32>
    %swap3A = arith.constant 0 : index
    %swap3A_3 = arith.constant 0 : index
    %swap3A_4 = vector.load %arg13[%swap3A, %swap3A_3] : memref<48x128xi32, #tpu.memory_space<vmem>>, vector<48x128xi32>
    tpu.vector_store %arg13[%swap3A, %swap3A_3], %add3A {strides = array<i32>} : memref<48x128xi32, #tpu.memory_space<vmem>>, vector<48x128xi32>,
    %lt3A = arith.constant 6000 : i32
    %lt3A_5 = vector.broadcast %lt3A : i32 to vector<48x128xi32>
    %lt3A_6 = arith.cmpi slt, %add3A, %lt3A_5 : vector<48x128xi32>
    %get3A = arith.constant 0 : index
    %get3A_7 = arith.constant 0 : index
    %get3A_8 = vector.load %arg4[%get3A, %get3A_7] : memref<48x128xf32, #tpu.memory_space<vmem>>, vector<48x128xf32>
    %jit3A = arith.constant 0xFF800000 : f32
    %broadcast_in_dim3A = vector.broadcast %jit3A : f32 to vector<48x128xf32>
    %select_n3A = arith.select %lt3A_6, %get3A_8, %broadcast_in_dim3A : vector<48x128xi1>, vector<48x128xf32>
    %swap3A_9 = arith.constant 0 : index
    %swap3A_10 = arith.constant 0 : index
    %swap3A_11 = vector.load %arg11[%swap3A_9, %swap3A_10] : memref<48x128xf32, #tpu.memory_space<vmem>>, vector<48x128xf32>
    tpu.vector_store %arg11[%swap3A_9, %swap3A_10], %select_n3A {strides = array<i32>} : memref<48x128xf32, #tpu.memory_space<vmem>>, vector<48x128xf32>,
    %get3A_12 = arith.constant 0 : index
    %get3A_13 = arith.constant 0 : index
    %get3A_14 = vector.load %arg0[%get3A_12, %get3A_13] : memref<48x128xf32, #tpu.memory_space<vmem>>, vector<48x128xf32>
    %get3A_15 = arith.constant 0 : index
    %get3A_16 = arith.constant 0 : index
    %get3A_17 = vector.load %arg1[%get3A_15, %get3A_16] : memref<48x128xf32, #tpu.memory_space<vmem>>, vector<48x128xf32>
    %get3A_18 = arith.constant 0 : index
    %get3A_19 = arith.constant 0 : index
    %get3A_20 = vector.load %arg2[%get3A_18, %get3A_19] : memref<48x128xf32, #tpu.memory_space<vmem>>, vector<48x128xf32>
    %get3A_21 = arith.constant 0 : index
    %get3A_22 = arith.constant 0 : index
    %get3A_23 = vector.load %arg3[%get3A_21, %get3A_22] : memref<48x128xf32, #tpu.memory_space<vmem>>, vector<48x128xf32>
    %sub3A = arith.subf %get3A_20, %get3A_14 : vector<48x128xf32>
    %max3A = arith.constant 0.000000e+00 : f32
    %max3A_24 = vector.broadcast %max3A : f32 to vector<48x128xf32>
    %max3A_25 = arith.maximumf %sub3A, %max3A_24 : vector<48x128xf32>
    %sub3A_26 = arith.subf %get3A_23, %get3A_17 : vector<48x128xf32>
    %max3A_27 = arith.constant 0.000000e+00 : f32
    %max3A_28 = vector.broadcast %max3A_27 : f32 to vector<48x128xf32>
    %max3A_29 = arith.maximumf %sub3A_26, %max3A_28 : vector<48x128xf32>
    %mul3A_30 = arith.mulf %max3A_25, %max3A_29 : vector<48x128xf32>
    %swap3A_31 = arith.constant 0 : index
    %swap3A_32 = arith.constant 0 : index
    %swap3A_33 = vector.load %arg12[%swap3A_31, %swap3A_32] : memref<48x128xf32, #tpu.memory_space<vmem>>, vector<48x128xf32>
    tpu.vector_store %arg12[%swap3A_31, %swap3A_32], %mul3A_30 {strides = array<i32>} : memref<48x128xf32, #tpu.memory_space<vmem>>, vector<48x128xf32>,
    %broadcast_in_dim3A_34 = arith.constant 0.000000e+00 : f32
    %broadcast_in_dim3A_35 = vector.broadcast %broadcast_in_dim3A_34 : f32 to vector<1008x1xf32>
    %swap3A_36 = arith.constant 0 : index
    %swap3A_37 = arith.constant 0 : index
    %swap3A_38 = vector.load %arg6[%swap3A_36, %swap3A_37] : memref<1008x1xf32, #tpu.memory_space<vmem>>, vector<1008x1xf32>
    tpu.vector_store %arg6[%swap3A_36, %swap3A_37], %broadcast_in_dim3A_35 {strides = array<i32>} : memref<1008x1xf32, #tpu.memory_space<vmem>>, vector<1008x1xf32>,
    %swap3A_39 = arith.constant 0 : index
    %swap3A_40 = arith.constant 0 : index
    %swap3A_41 = vector.load %arg7[%swap3A_39, %swap3A_40] : memref<1008x1xf32, #tpu.memory_space<vmem>>, vector<1008x1xf32>
    tpu.vector_store %arg7[%swap3A_39, %swap3A_40], %broadcast_in_dim3A_35 {strides = array<i32>} : memref<1008x1xf32, #tpu.memory_space<vmem>>, vector<1008x1xf32>,
    %swap3A_42 = arith.constant 0 : index
    %swap3A_43 = arith.constant 0 : index
    %swap3A_44 = vector.load %arg8[%swap3A_42, %swap3A_43] : memref<1008x1xf32, #tpu.memory_space<vmem>>, vector<1008x1xf32>
    tpu.vector_store %arg8[%swap3A_42, %swap3A_43], %broadcast_in_dim3A_35 {strides = array<i32>} : memref<1008x1xf32, #tpu.memory_space<vmem>>, vector<1008x1xf32>,
    %swap3A_45 = arith.constant 0 : index
    %swap3A_46 = arith.constant 0 : index
    %swap3A_47 = vector.load %arg9[%swap3A_45, %swap3A_46] : memref<1008x1xf32, #tpu.memory_space<vmem>>, vector<1008x1xf32>
    tpu.vector_store %arg9[%swap3A_45, %swap3A_46], %broadcast_in_dim3A_35 {strides = array<i32>} : memref<1008x1xf32, #tpu.memory_space<vmem>>, vector<1008x1xf32>,
    %swap3A_48 = arith.constant 0 : index
    %swap3A_49 = arith.constant 0 : index
    %swap3A_50 = vector.load %arg10[%swap3A_48, %swap3A_49] : memref<1008x1xf32, #tpu.memory_space<vmem>>, vector<1008x1xf32>
    tpu.vector_store %arg10[%swap3A_48, %swap3A_49], %broadcast_in_dim3A_35 {strides = array<i32>} : memref<1008x1xf32, #tpu.memory_space<vmem>>, vector<1008x1xf32>,
    %iota3A_51 = tpu.iota {dimensions = array<i32: 1>} : vector<1x128xi32>
    %while3A = arith.constant 1 : i32
    %while3A_52 = arith.constant 0 : i32
    %while3A_53 = arith.constant false
    %while3A_54:2 = scf.while (%while3A_55 = %while3A_52, %while3A_56 = %while3A_53) : (i32, i1) -> (i32, i1) {
      %lt3A_57 = arith.constant 1000 : i32
      %lt3A_58 = arith.cmpi slt, %while3A_55, %lt3A_57 : i32
      %not3A = arith.constant true
      %not3A_59 = arith.xori %while3A_56, %not3A : i1
      %and3A = arith.andi %lt3A_58, %not3A_59 : i1
      scf.condition(%and3A) %while3A_55, %while3A_56 : i32, i1
    } do {
    ^bb0(%while3A_55: i32, %while3A_56: i1):
      %get3A_57 = arith.constant 0 : index
      %get3A_58 = arith.constant 0 : index
      %get3A_59 = vector.load %arg11[%get3A_57, %get3A_58] : memref<48x128xf32, #tpu.memory_space<vmem>>, vector<48x128xf32>
      %get3A_60 = arith.constant 0 : index
      %get3A_61 = arith.constant 0 : index
      %get3A_62 = vector.load %arg13[%get3A_60, %get3A_61] : memref<48x128xi32, #tpu.memory_space<vmem>>, vector<48x128xi32>
      %reduce_max3A = arith.constant dense<0xFF800000> : vector<48xf32>
      %reduce_max3A_63 = vector.multi_reduction <maximumf>, %get3A_59, %reduce_max3A [1] : vector<48x128xf32> to vector<48xf32>
      %broadcast_in_dim3A_64 = vector.shape_cast %reduce_max3A_63 : vector<48xf32> to vector<48x1xf32>
      %reduce_max3A_65 = arith.constant dense<0xFF800000> : vector<1xf32>
      %reduce_max3A_66 = vector.multi_reduction <maximumf>, %broadcast_in_dim3A_64, %reduce_max3A_65 [0] : vector<48x1xf32> to vector<1xf32>
      %broadcast_in_dim3A_67 = vector.shape_cast %reduce_max3A_66 : vector<1xf32> to vector<1x1xf32>
      %eq3A = vector.broadcast %broadcast_in_dim3A_67 : vector<1x1xf32> to vector<48x128xf32>
      %eq3A_68 = arith.cmpf oeq, %get3A_59, %eq3A : vector<48x128xf32>
      %jit3A_69 = arith.constant 0xFF800000 : f32
      %broadcast_in_dim3A_70 = vector.broadcast %jit3A_69 : f32 to vector<48x128xf32>
      %select_n3A_71 = arith.select %eq3A_68, %broadcast_in_dim3A_70, %get3A_59 : vector<48x128xi1>, vector<48x128xf32>
      %convert_element_type3A = arith.extui %eq3A_68 : vector<48x128xi1> to vector<48x128xi32>
      %reduce_sum3A = arith.constant dense<0> : vector<48xi32>
      %reduce_sum3A_72 = vector.multi_reduction <add>, %convert_element_type3A, %reduce_sum3A [1] : vector<48x128xi32> to vector<48xi32>
      %broadcast_in_dim3A_73 = vector.shape_cast %reduce_sum3A_72 : vector<48xi32> to vector<48x1xi32>
      %reduce_sum3A_74 = arith.constant dense<0> : vector<1xi32>
      %reduce_sum3A_75 = vector.multi_reduction <add>, %broadcast_in_dim3A_73, %reduce_sum3A_74 [0] : vector<48x1xi32> to vector<1xi32>
      %broadcast_in_dim3A_76 = vector.shape_cast %reduce_sum3A_75 : vector<1xi32> to vector<1x1xi32>
      %jit3A_77 = arith.constant 1073741824 : i32
      %broadcast_in_dim3A_78 = vector.broadcast %jit3A_77 : i32 to vector<48x128xi32>
      %select_n3A_79 = arith.select %eq3A_68, %get3A_62, %broadcast_in_dim3A_78 : vector<48x128xi1>, vector<48x128xi32>
      %reduce_min3A = arith.constant dense<2147483647> : vector<48xi32>
      %reduce_min3A_80 = vector.multi_reduction <minsi>, %select_n3A_79, %reduce_min3A [1] : vector<48x128xi32> to vector<48xi32>
      %broadcast_in_dim3A_81 = vector.shape_cast %reduce_min3A_80 : vector<48xi32> to vector<48x1xi32>
      %reduce_min3A_82 = arith.constant dense<2147483647> : vector<1xi32>
      %reduce_min3A_83 = vector.multi_reduction <minsi>, %broadcast_in_dim3A_81, %reduce_min3A_82 [0] : vector<48x1xi32> to vector<1xi32>
      %broadcast_in_dim3A_84 = vector.shape_cast %reduce_min3A_83 : vector<1xi32> to vector<1x1xi32>
      %squeeze3A = vector.extract %broadcast_in_dim3A_84[0, 0] : i32 from vector<1x1xi32>
      %shift_right_arithmetic3A = arith.constant 7 : i32
      %shift_right_arithmetic3A_85 = arith.shrsi %squeeze3A, %shift_right_arithmetic3A : i32
      %and3A = arith.constant 127 : i32
      %and3A_86 = arith.andi %squeeze3A, %and3A : i32
      %eq3A_87 = vector.broadcast %and3A_86 : i32 to vector<1x128xi32>
      %eq3A_88 = arith.cmpi eq, %iota3A_51, %eq3A_87 : vector<1x128xi32>
      %mul3A_89 = arith.constant 5 : i32
      %mul3A_90 = arith.muli %mul3A_89, %shift_right_arithmetic3A_85 : i32
      %get3A_91 = arith.index_cast %mul3A_90 : i32 to index
      %get3A_92 = arith.constant 0 : index
      %get3A_93 = vector.load %arg5[%get3A_91, %get3A_92] : memref<240x128xf32, #tpu.memory_space<vmem>>, vector<5x128xf32>
      %jit3A_94 = arith.constant 0.000000e+00 : f32
      %broadcast_in_dim3A_95 = vector.shape_cast %eq3A_88 : vector<1x128xi1> to vector<1x128xi1>
      %broadcast_in_dim3A_96 = vector.broadcast %broadcast_in_dim3A_95 : vector<1x128xi1> to vector<5x128xi1>
      %broadcast_in_dim3A_97 = vector.broadcast %jit3A_94 : f32 to vector<5x128xf32>
      %select_n3A_98 = arith.select %broadcast_in_dim3A_96, %get3A_93, %broadcast_in_dim3A_97 : vector<5x128xi1>, vector<5x128xf32>
      %reduce_sum3A_99 = arith.constant dense<0.000000e+00> : vector<5xf32>
      %reduce_sum3A_100 = vector.multi_reduction <add>, %select_n3A_98, %reduce_sum3A_99 [1] : vector<5x128xf32> to vector<5xf32>
      %broadcast_in_dim3A_101 = vector.shape_cast %reduce_sum3A_100 : vector<5xf32> to vector<5x1xf32>
      %slice3A = vector.extract_strided_slice %broadcast_in_dim3A_101 {offsets = [0, 0], sizes = [1, 1], strides = [1, 1]} : vector<5x1xf32> to vector<1x1xf32>
      %slice3A_102 = vector.extract_strided_slice %broadcast_in_dim3A_101 {offsets = [1, 0], sizes = [1, 1], strides = [1, 1]} : vector<5x1xf32> to vector<1x1xf32>
      %slice3A_103 = vector.extract_strided_slice %broadcast_in_dim3A_101 {offsets = [2, 0], sizes = [1, 1], strides = [1, 1]} : vector<5x1xf32> to vector<1x1xf32>
      %slice3A_104 = vector.extract_strided_slice %broadcast_in_dim3A_101 {offsets = [3, 0], sizes = [1, 1], strides = [1, 1]} : vector<5x1xf32> to vector<1x1xf32>
      %slice3A_105 = vector.extract_strided_slice %broadcast_in_dim3A_101 {offsets = [4, 0], sizes = [1, 1], strides = [1, 1]} : vector<5x1xf32> to vector<1x1xf32>
      %reduce_max3A_106 = arith.constant dense<0xFF800000> : vector<48xf32>
      %reduce_max3A_107 = vector.multi_reduction <maximumf>, %select_n3A_71, %reduce_max3A_106 [1] : vector<48x128xf32> to vector<48xf32>
      %broadcast_in_dim3A_108 = vector.shape_cast %reduce_max3A_107 : vector<48xf32> to vector<48x1xf32>
      %reduce_max3A_109 = arith.constant dense<0xFF800000> : vector<1xf32>
      %reduce_max3A_110 = vector.multi_reduction <maximumf>, %broadcast_in_dim3A_108, %reduce_max3A_109 [0] : vector<48x1xf32> to vector<1xf32>
      %broadcast_in_dim3A_111 = vector.shape_cast %reduce_max3A_110 : vector<1xf32> to vector<1x1xf32>
      %eq3A_112 = vector.broadcast %broadcast_in_dim3A_111 : vector<1x1xf32> to vector<48x128xf32>
      %eq3A_113 = arith.cmpf oeq, %select_n3A_71, %eq3A_112 : vector<48x128xf32>
      %jit3A_114 = arith.constant 0xFF800000 : f32
      %broadcast_in_dim3A_115 = vector.broadcast %jit3A_114 : f32 to vector<48x128xf32>
      %select_n3A_116 = arith.select %eq3A_113, %broadcast_in_dim3A_115, %select_n3A_71 : vector<48x128xi1>, vector<48x128xf32>
      %convert_element_type3A_117 = arith.extui %eq3A_113 : vector<48x128xi1> to vector<48x128xi32>
      %reduce_sum3A_118 = arith.constant dense<0> : vector<48xi32>
      %reduce_sum3A_119 = vector.multi_reduction <add>, %convert_element_type3A_117, %reduce_sum3A_118 [1] : vector<48x128xi32> to vector<48xi32>
      %broadcast_in_dim3A_120 = vector.shape_cast %reduce_sum3A_119 : vector<48xi32> to vector<48x1xi32>
      %reduce_sum3A_121 = arith.constant dense<0> : vector<1xi32>
      %reduce_sum3A_122 = vector.multi_reduction <add>, %broadcast_in_dim3A_120, %reduce_sum3A_121 [0] : vector<48x1xi32> to vector<1xi32>
      %broadcast_in_dim3A_123 = vector.shape_cast %reduce_sum3A_122 : vector<1xi32> to vector<1x1xi32>
      %jit3A_124 = arith.constant 1073741824 : i32
      %broadcast_in_dim3A_125 = vector.broadcast %jit3A_124 : i32 to vector<48x128xi32>
      %select_n3A_126 = arith.select %eq3A_113, %get3A_62, %broadcast_in_dim3A_125 : vector<48x128xi1>, vector<48x128xi32>
      %reduce_min3A_127 = arith.constant dense<2147483647> : vector<48xi32>
      %reduce_min3A_128 = vector.multi_reduction <minsi>, %select_n3A_126, %reduce_min3A_127 [1] : vector<48x128xi32> to vector<48xi32>
      %broadcast_in_dim3A_129 = vector.shape_cast %reduce_min3A_128 : vector<48xi32> to vector<48x1xi32>
      %reduce_min3A_130 = arith.constant dense<2147483647> : vector<1xi32>
      %reduce_min3A_131 = vector.multi_reduction <minsi>, %broadcast_in_dim3A_129, %reduce_min3A_130 [0] : vector<48x1xi32> to vector<1xi32>
      %broadcast_in_dim3A_132 = vector.shape_cast %reduce_min3A_131 : vector<1xi32> to vector<1x1xi32>
      %squeeze3A_133 = vector.extract %broadcast_in_dim3A_132[0, 0] : i32 from vector<1x1xi32>
      %shift_right_arithmetic3A_134 = arith.constant 7 : i32
      %shift_right_arithmetic3A_135 = arith.shrsi %squeeze3A_133, %shift_right_arithmetic3A_134 : i32
      %and3A_136 = arith.constant 127 : i32
      %and3A_137 = arith.andi %squeeze3A_133, %and3A_136 : i32
      %eq3A_138 = vector.broadcast %and3A_137 : i32 to vector<1x128xi32>
      %eq3A_139 = arith.cmpi eq, %iota3A_51, %eq3A_138 : vector<1x128xi32>
      %mul3A_140 = arith.constant 5 : i32
      %mul3A_141 = arith.muli %mul3A_140, %shift_right_arithmetic3A_135 : i32
      %get3A_142 = arith.index_cast %mul3A_141 : i32 to index
      %get3A_143 = arith.constant 0 : index
      %get3A_144 = vector.load %arg5[%get3A_142, %get3A_143] : memref<240x128xf32, #tpu.memory_space<vmem>>, vector<5x128xf32>
      %jit3A_145 = arith.constant 0.000000e+00 : f32
      %broadcast_in_dim3A_146 = vector.shape_cast %eq3A_139 : vector<1x128xi1> to vector<1x128xi1>
      %broadcast_in_dim3A_147 = vector.broadcast %broadcast_in_dim3A_146 : vector<1x128xi1> to vector<5x128xi1>
      %broadcast_in_dim3A_148 = vector.broadcast %jit3A_145 : f32 to vector<5x128xf32>
      %select_n3A_149 = arith.select %broadcast_in_dim3A_147, %get3A_144, %broadcast_in_dim3A_148 : vector<5x128xi1>, vector<5x128xf32>
      %reduce_sum3A_150 = arith.constant dense<0.000000e+00> : vector<5xf32>
      %reduce_sum3A_151 = vector.multi_reduction <add>, %select_n3A_149, %reduce_sum3A_150 [1] : vector<5x128xf32> to vector<5xf32>
      %broadcast_in_dim3A_152 = vector.shape_cast %reduce_sum3A_151 : vector<5xf32> to vector<5x1xf32>
      %slice3A_153 = vector.extract_strided_slice %broadcast_in_dim3A_152 {offsets = [0, 0], sizes = [1, 1], strides = [1, 1]} : vector<5x1xf32> to vector<1x1xf32>
      %slice3A_154 = vector.extract_strided_slice %broadcast_in_dim3A_152 {offsets = [1, 0], sizes = [1, 1], strides = [1, 1]} : vector<5x1xf32> to vector<1x1xf32>
      %slice3A_155 = vector.extract_strided_slice %broadcast_in_dim3A_152 {offsets = [2, 0], sizes = [1, 1], strides = [1, 1]} : vector<5x1xf32> to vector<1x1xf32>
      %slice3A_156 = vector.extract_strided_slice %broadcast_in_dim3A_152 {offsets = [3, 0], sizes = [1, 1], strides = [1, 1]} : vector<5x1xf32> to vector<1x1xf32>
      %slice3A_157 = vector.extract_strided_slice %broadcast_in_dim3A_152 {offsets = [4, 0], sizes = [1, 1], strides = [1, 1]} : vector<5x1xf32> to vector<1x1xf32>
      %reduce_max3A_158 = arith.constant dense<0xFF800000> : vector<48xf32>
      %reduce_max3A_159 = vector.multi_reduction <maximumf>, %select_n3A_116, %reduce_max3A_158 [1] : vector<48x128xf32> to vector<48xf32>
      %broadcast_in_dim3A_160 = vector.shape_cast %reduce_max3A_159 : vector<48xf32> to vector<48x1xf32>
      %reduce_max3A_161 = arith.constant dense<0xFF800000> : vector<1xf32>
      %reduce_max3A_162 = vector.multi_reduction <maximumf>, %broadcast_in_dim3A_160, %reduce_max3A_161 [0] : vector<48x1xf32> to vector<1xf32>
      %broadcast_in_dim3A_163 = vector.shape_cast %reduce_max3A_162 : vector<1xf32> to vector<1x1xf32>
      %eq3A_164 = vector.broadcast %broadcast_in_dim3A_163 : vector<1x1xf32> to vector<48x128xf32>
      %eq3A_165 = arith.cmpf oeq, %select_n3A_116, %eq3A_164 : vector<48x128xf32>
      %jit3A_166 = arith.constant 0xFF800000 : f32
      %broadcast_in_dim3A_167 = vector.broadcast %jit3A_166 : f32 to vector<48x128xf32>
      %select_n3A_168 = arith.select %eq3A_165, %broadcast_in_dim3A_167, %select_n3A_116 : vector<48x128xi1>, vector<48x128xf32>
      %convert_element_type3A_169 = arith.extui %eq3A_165 : vector<48x128xi1> to vector<48x128xi32>
      %reduce_sum3A_170 = arith.constant dense<0> : vector<48xi32>
      %reduce_sum3A_171 = vector.multi_reduction <add>, %convert_element_type3A_169, %reduce_sum3A_170 [1] : vector<48x128xi32> to vector<48xi32>
      %broadcast_in_dim3A_172 = vector.shape_cast %reduce_sum3A_171 : vector<48xi32> to vector<48x1xi32>
      %reduce_sum3A_173 = arith.constant dense<0> : vector<1xi32>
      %reduce_sum3A_174 = vector.multi_reduction <add>, %broadcast_in_dim3A_172, %reduce_sum3A_173 [0] : vector<48x1xi32> to vector<1xi32>
      %broadcast_in_dim3A_175 = vector.shape_cast %reduce_sum3A_174 : vector<1xi32> to vector<1x1xi32>
      %jit3A_176 = arith.constant 1073741824 : i32
      %broadcast_in_dim3A_177 = vector.broadcast %jit3A_176 : i32 to vector<48x128xi32>
      %select_n3A_178 = arith.select %eq3A_165, %get3A_62, %broadcast_in_dim3A_177 : vector<48x128xi1>, vector<48x128xi32>
      %reduce_min3A_179 = arith.constant dense<2147483647> : vector<48xi32>
      %reduce_min3A_180 = vector.multi_reduction <minsi>, %select_n3A_178, %reduce_min3A_179 [1] : vector<48x128xi32> to vector<48xi32>
      %broadcast_in_dim3A_181 = vector.shape_cast %reduce_min3A_180 : vector<48xi32> to vector<48x1xi32>
      %reduce_min3A_182 = arith.constant dense<2147483647> : vector<1xi32>
      %reduce_min3A_183 = vector.multi_reduction <minsi>, %broadcast_in_dim3A_181, %reduce_min3A_182 [0] : vector<48x1xi32> to vector<1xi32>
      %broadcast_in_dim3A_184 = vector.shape_cast %reduce_min3A_183 : vector<1xi32> to vector<1x1xi32>
      %squeeze3A_185 = vector.extract %broadcast_in_dim3A_184[0, 0] : i32 from vector<1x1xi32>
      %shift_right_arithmetic3A_186 = arith.constant 7 : i32
      %shift_right_arithmetic3A_187 = arith.shrsi %squeeze3A_185, %shift_right_arithmetic3A_186 : i32
      %and3A_188 = arith.constant 127 : i32
      %and3A_189 = arith.andi %squeeze3A_185, %and3A_188 : i32
      %eq3A_190 = vector.broadcast %and3A_189 : i32 to vector<1x128xi32>
      %eq3A_191 = arith.cmpi eq, %iota3A_51, %eq3A_190 : vector<1x128xi32>
      %mul3A_192 = arith.constant 5 : i32
      %mul3A_193 = arith.muli %mul3A_192, %shift_right_arithmetic3A_187 : i32
      %get3A_194 = arith.index_cast %mul3A_193 : i32 to index
      %get3A_195 = arith.constant 0 : index
      %get3A_196 = vector.load %arg5[%get3A_194, %get3A_195] : memref<240x128xf32, #tpu.memory_space<vmem>>, vector<5x128xf32>
      %jit3A_197 = arith.constant 0.000000e+00 : f32
      %broadcast_in_dim3A_198 = vector.shape_cast %eq3A_191 : vector<1x128xi1> to vector<1x128xi1>
      %broadcast_in_dim3A_199 = vector.broadcast %broadcast_in_dim3A_198 : vector<1x128xi1> to vector<5x128xi1>
      %broadcast_in_dim3A_200 = vector.broadcast %jit3A_197 : f32 to vector<5x128xf32>
      %select_n3A_201 = arith.select %broadcast_in_dim3A_199, %get3A_196, %broadcast_in_dim3A_200 : vector<5x128xi1>, vector<5x128xf32>
      %reduce_sum3A_202 = arith.constant dense<0.000000e+00> : vector<5xf32>
      %reduce_sum3A_203 = vector.multi_reduction <add>, %select_n3A_201, %reduce_sum3A_202 [1] : vector<5x128xf32> to vector<5xf32>
      %broadcast_in_dim3A_204 = vector.shape_cast %reduce_sum3A_203 : vector<5xf32> to vector<5x1xf32>
      %slice3A_205 = vector.extract_strided_slice %broadcast_in_dim3A_204 {offsets = [0, 0], sizes = [1, 1], strides = [1, 1]} : vector<5x1xf32> to vector<1x1xf32>
      %slice3A_206 = vector.extract_strided_slice %broadcast_in_dim3A_204 {offsets = [1, 0], sizes = [1, 1], strides = [1, 1]} : vector<5x1xf32> to vector<1x1xf32>
      %slice3A_207 = vector.extract_strided_slice %broadcast_in_dim3A_204 {offsets = [2, 0], sizes = [1, 1], strides = [1, 1]} : vector<5x1xf32> to vector<1x1xf32>
      %slice3A_208 = vector.extract_strided_slice %broadcast_in_dim3A_204 {offsets = [3, 0], sizes = [1, 1], strides = [1, 1]} : vector<5x1xf32> to vector<1x1xf32>
      %slice3A_209 = vector.extract_strided_slice %broadcast_in_dim3A_204 {offsets = [4, 0], sizes = [1, 1], strides = [1, 1]} : vector<5x1xf32> to vector<1x1xf32>
      %reduce_max3A_210 = arith.constant dense<0xFF800000> : vector<48xf32>
      %reduce_max3A_211 = vector.multi_reduction <maximumf>, %select_n3A_168, %reduce_max3A_210 [1] : vector<48x128xf32> to vector<48xf32>
      %broadcast_in_dim3A_212 = vector.shape_cast %reduce_max3A_211 : vector<48xf32> to vector<48x1xf32>
      %reduce_max3A_213 = arith.constant dense<0xFF800000> : vector<1xf32>
      %reduce_max3A_214 = vector.multi_reduction <maximumf>, %broadcast_in_dim3A_212, %reduce_max3A_213 [0] : vector<48x1xf32> to vector<1xf32>
      %broadcast_in_dim3A_215 = vector.shape_cast %reduce_max3A_214 : vector<1xf32> to vector<1x1xf32>
      %eq3A_216 = vector.broadcast %broadcast_in_dim3A_215 : vector<1x1xf32> to vector<48x128xf32>
      %eq3A_217 = arith.cmpf oeq, %select_n3A_168, %eq3A_216 : vector<48x128xf32>
      %jit3A_218 = arith.constant 0xFF800000 : f32
      %broadcast_in_dim3A_219 = vector.broadcast %jit3A_218 : f32 to vector<48x128xf32>
      %select_n3A_220 = arith.select %eq3A_217, %broadcast_in_dim3A_219, %select_n3A_168 : vector<48x128xi1>, vector<48x128xf32>
      %convert_element_type3A_221 = arith.extui %eq3A_217 : vector<48x128xi1> to vector<48x128xi32>
      %reduce_sum3A_222 = arith.constant dense<0> : vector<48xi32>
      %reduce_sum3A_223 = vector.multi_reduction <add>, %convert_element_type3A_221, %reduce_sum3A_222 [1] : vector<48x128xi32> to vector<48xi32>
      %broadcast_in_dim3A_224 = vector.shape_cast %reduce_sum3A_223 : vector<48xi32> to vector<48x1xi32>
      %reduce_sum3A_225 = arith.constant dense<0> : vector<1xi32>
      %reduce_sum3A_226 = vector.multi_reduction <add>, %broadcast_in_dim3A_224, %reduce_sum3A_225 [0] : vector<48x1xi32> to vector<1xi32>
      %broadcast_in_dim3A_227 = vector.shape_cast %reduce_sum3A_226 : vector<1xi32> to vector<1x1xi32>
      %jit3A_228 = arith.constant 1073741824 : i32
      %broadcast_in_dim3A_229 = vector.broadcast %jit3A_228 : i32 to vector<48x128xi32>
      %select_n3A_230 = arith.select %eq3A_217, %get3A_62, %broadcast_in_dim3A_229 : vector<48x128xi1>, vector<48x128xi32>
      %reduce_min3A_231 = arith.constant dense<2147483647> : vector<48xi32>
      %reduce_min3A_232 = vector.multi_reduction <minsi>, %select_n3A_230, %reduce_min3A_231 [1] : vector<48x128xi32> to vector<48xi32>
      %broadcast_in_dim3A_233 = vector.shape_cast %reduce_min3A_232 : vector<48xi32> to vector<48x1xi32>
      %reduce_min3A_234 = arith.constant dense<2147483647> : vector<1xi32>
      %reduce_min3A_235 = vector.multi_reduction <minsi>, %broadcast_in_dim3A_233, %reduce_min3A_234 [0] : vector<48x1xi32> to vector<1xi32>
      %broadcast_in_dim3A_236 = vector.shape_cast %reduce_min3A_235 : vector<1xi32> to vector<1x1xi32>
      %squeeze3A_237 = vector.extract %broadcast_in_dim3A_236[0, 0] : i32 from vector<1x1xi32>
      %shift_right_arithmetic3A_238 = arith.constant 7 : i32
      %shift_right_arithmetic3A_239 = arith.shrsi %squeeze3A_237, %shift_right_arithmetic3A_238 : i32
      %and3A_240 = arith.constant 127 : i32
      %and3A_241 = arith.andi %squeeze3A_237, %and3A_240 : i32
      %eq3A_242 = vector.broadcast %and3A_241 : i32 to vector<1x128xi32>
      %eq3A_243 = arith.cmpi eq, %iota3A_51, %eq3A_242 : vector<1x128xi32>
      %mul3A_244 = arith.constant 5 : i32
      %mul3A_245 = arith.muli %mul3A_244, %shift_right_arithmetic3A_239 : i32
      %get3A_246 = arith.index_cast %mul3A_245 : i32 to index
      %get3A_247 = arith.constant 0 : index
      %get3A_248 = vector.load %arg5[%get3A_246, %get3A_247] : memref<240x128xf32, #tpu.memory_space<vmem>>, vector<5x128xf32>
      %jit3A_249 = arith.constant 0.000000e+00 : f32
      %broadcast_in_dim3A_250 = vector.shape_cast %eq3A_243 : vector<1x128xi1> to vector<1x128xi1>
      %broadcast_in_dim3A_251 = vector.broadcast %broadcast_in_dim3A_250 : vector<1x128xi1> to vector<5x128xi1>
      %broadcast_in_dim3A_252 = vector.broadcast %jit3A_249 : f32 to vector<5x128xf32>
      %select_n3A_253 = arith.select %broadcast_in_dim3A_251, %get3A_248, %broadcast_in_dim3A_252 : vector<5x128xi1>, vector<5x128xf32>
      %reduce_sum3A_254 = arith.constant dense<0.000000e+00> : vector<5xf32>
      %reduce_sum3A_255 = vector.multi_reduction <add>, %select_n3A_253, %reduce_sum3A_254 [1] : vector<5x128xf32> to vector<5xf32>
      %broadcast_in_dim3A_256 = vector.shape_cast %reduce_sum3A_255 : vector<5xf32> to vector<5x1xf32>
      %slice3A_257 = vector.extract_strided_slice %broadcast_in_dim3A_256 {offsets = [0, 0], sizes = [1, 1], strides = [1, 1]} : vector<5x1xf32> to vector<1x1xf32>
      %slice3A_258 = vector.extract_strided_slice %broadcast_in_dim3A_256 {offsets = [1, 0], sizes = [1, 1], strides = [1, 1]} : vector<5x1xf32> to vector<1x1xf32>
      %slice3A_259 = vector.extract_strided_slice %broadcast_in_dim3A_256 {offsets = [2, 0], sizes = [1, 1], strides = [1, 1]} : vector<5x1xf32> to vector<1x1xf32>
      %slice3A_260 = vector.extract_strided_slice %broadcast_in_dim3A_256 {offsets = [3, 0], sizes = [1, 1], strides = [1, 1]} : vector<5x1xf32> to vector<1x1xf32>
      %slice3A_261 = vector.extract_strided_slice %broadcast_in_dim3A_256 {offsets = [4, 0], sizes = [1, 1], strides = [1, 1]} : vector<5x1xf32> to vector<1x1xf32>
      %reduce_max3A_262 = arith.constant dense<0xFF800000> : vector<48xf32>
      %reduce_max3A_263 = vector.multi_reduction <maximumf>, %select_n3A_220, %reduce_max3A_262 [1] : vector<48x128xf32> to vector<48xf32>
      %broadcast_in_dim3A_264 = vector.shape_cast %reduce_max3A_263 : vector<48xf32> to vector<48x1xf32>
      %reduce_max3A_265 = arith.constant dense<0xFF800000> : vector<1xf32>
      %reduce_max3A_266 = vector.multi_reduction <maximumf>, %broadcast_in_dim3A_264, %reduce_max3A_265 [0] : vector<48x1xf32> to vector<1xf32>
      %broadcast_in_dim3A_267 = vector.shape_cast %reduce_max3A_266 : vector<1xf32> to vector<1x1xf32>
      %eq3A_268 = vector.broadcast %broadcast_in_dim3A_267 : vector<1x1xf32> to vector<48x128xf32>
      %eq3A_269 = arith.cmpf oeq, %select_n3A_220, %eq3A_268 : vector<48x128xf32>
      %jit3A_270 = arith.constant 0xFF800000 : f32
      %broadcast_in_dim3A_271 = vector.broadcast %jit3A_270 : f32 to vector<48x128xf32>
      %select_n3A_272 = arith.select %eq3A_269, %broadcast_in_dim3A_271, %select_n3A_220 : vector<48x128xi1>, vector<48x128xf32>
      %convert_element_type3A_273 = arith.extui %eq3A_269 : vector<48x128xi1> to vector<48x128xi32>
      %reduce_sum3A_274 = arith.constant dense<0> : vector<48xi32>
      %reduce_sum3A_275 = vector.multi_reduction <add>, %convert_element_type3A_273, %reduce_sum3A_274 [1] : vector<48x128xi32> to vector<48xi32>
      %broadcast_in_dim3A_276 = vector.shape_cast %reduce_sum3A_275 : vector<48xi32> to vector<48x1xi32>
      %reduce_sum3A_277 = arith.constant dense<0> : vector<1xi32>
      %reduce_sum3A_278 = vector.multi_reduction <add>, %broadcast_in_dim3A_276, %reduce_sum3A_277 [0] : vector<48x1xi32> to vector<1xi32>
      %broadcast_in_dim3A_279 = vector.shape_cast %reduce_sum3A_278 : vector<1xi32> to vector<1x1xi32>
      %jit3A_280 = arith.constant 1073741824 : i32
      %broadcast_in_dim3A_281 = vector.broadcast %jit3A_280 : i32 to vector<48x128xi32>
      %select_n3A_282 = arith.select %eq3A_269, %get3A_62, %broadcast_in_dim3A_281 : vector<48x128xi1>, vector<48x128xi32>
      %reduce_min3A_283 = arith.constant dense<2147483647> : vector<48xi32>
      %reduce_min3A_284 = vector.multi_reduction <minsi>, %select_n3A_282, %reduce_min3A_283 [1] : vector<48x128xi32> to vector<48xi32>
      %broadcast_in_dim3A_285 = vector.shape_cast %reduce_min3A_284 : vector<48xi32> to vector<48x1xi32>
      %reduce_min3A_286 = arith.constant dense<2147483647> : vector<1xi32>
      %reduce_min3A_287 = vector.multi_reduction <minsi>, %broadcast_in_dim3A_285, %reduce_min3A_286 [0] : vector<48x1xi32> to vector<1xi32>
      %broadcast_in_dim3A_288 = vector.shape_cast %reduce_min3A_287 : vector<1xi32> to vector<1x1xi32>
      %squeeze3A_289 = vector.extract %broadcast_in_dim3A_288[0, 0] : i32 from vector<1x1xi32>
      %shift_right_arithmetic3A_290 = arith.constant 7 : i32
      %shift_right_arithmetic3A_291 = arith.shrsi %squeeze3A_289, %shift_right_arithmetic3A_290 : i32
      %and3A_292 = arith.constant 127 : i32
      %and3A_293 = arith.andi %squeeze3A_289, %and3A_292 : i32
      %eq3A_294 = vector.broadcast %and3A_293 : i32 to vector<1x128xi32>
      %eq3A_295 = arith.cmpi eq, %iota3A_51, %eq3A_294 : vector<1x128xi32>
      %mul3A_296 = arith.constant 5 : i32
      %mul3A_297 = arith.muli %mul3A_296, %shift_right_arithmetic3A_291 : i32
      %get3A_298 = arith.index_cast %mul3A_297 : i32 to index
      %get3A_299 = arith.constant 0 : index
      %get3A_300 = vector.load %arg5[%get3A_298, %get3A_299] : memref<240x128xf32, #tpu.memory_space<vmem>>, vector<5x128xf32>
      %jit3A_301 = arith.constant 0.000000e+00 : f32
      %broadcast_in_dim3A_302 = vector.shape_cast %eq3A_295 : vector<1x128xi1> to vector<1x128xi1>
      %broadcast_in_dim3A_303 = vector.broadcast %broadcast_in_dim3A_302 : vector<1x128xi1> to vector<5x128xi1>
      %broadcast_in_dim3A_304 = vector.broadcast %jit3A_301 : f32 to vector<5x128xf32>
      %select_n3A_305 = arith.select %broadcast_in_dim3A_303, %get3A_300, %broadcast_in_dim3A_304 : vector<5x128xi1>, vector<5x128xf32>
      %reduce_sum3A_306 = arith.constant dense<0.000000e+00> : vector<5xf32>
      %reduce_sum3A_307 = vector.multi_reduction <add>, %select_n3A_305, %reduce_sum3A_306 [1] : vector<5x128xf32> to vector<5xf32>
      %broadcast_in_dim3A_308 = vector.shape_cast %reduce_sum3A_307 : vector<5xf32> to vector<5x1xf32>
      %slice3A_309 = vector.extract_strided_slice %broadcast_in_dim3A_308 {offsets = [0, 0], sizes = [1, 1], strides = [1, 1]} : vector<5x1xf32> to vector<1x1xf32>
      %slice3A_310 = vector.extract_strided_slice %broadcast_in_dim3A_308 {offsets = [1, 0], sizes = [1, 1], strides = [1, 1]} : vector<5x1xf32> to vector<1x1xf32>
      %slice3A_311 = vector.extract_strided_slice %broadcast_in_dim3A_308 {offsets = [2, 0], sizes = [1, 1], strides = [1, 1]} : vector<5x1xf32> to vector<1x1xf32>
      %slice3A_312 = vector.extract_strided_slice %broadcast_in_dim3A_308 {offsets = [3, 0], sizes = [1, 1], strides = [1, 1]} : vector<5x1xf32> to vector<1x1xf32>
      %slice3A_313 = vector.extract_strided_slice %broadcast_in_dim3A_308 {offsets = [4, 0], sizes = [1, 1], strides = [1, 1]} : vector<5x1xf32> to vector<1x1xf32>
      %reduce_max3A_314 = arith.constant dense<0xFF800000> : vector<48xf32>
      %reduce_max3A_315 = vector.multi_reduction <maximumf>, %select_n3A_272, %reduce_max3A_314 [1] : vector<48x128xf32> to vector<48xf32>
      %broadcast_in_dim3A_316 = vector.shape_cast %reduce_max3A_315 : vector<48xf32> to vector<48x1xf32>
      %reduce_max3A_317 = arith.constant dense<0xFF800000> : vector<1xf32>
      %reduce_max3A_318 = vector.multi_reduction <maximumf>, %broadcast_in_dim3A_316, %reduce_max3A_317 [0] : vector<48x1xf32> to vector<1xf32>
      %broadcast_in_dim3A_319 = vector.shape_cast %reduce_max3A_318 : vector<1xf32> to vector<1x1xf32>
      %eq3A_320 = vector.broadcast %broadcast_in_dim3A_319 : vector<1x1xf32> to vector<48x128xf32>
      %eq3A_321 = arith.cmpf oeq, %select_n3A_272, %eq3A_320 : vector<48x128xf32>
      %jit3A_322 = arith.constant 0xFF800000 : f32
      %broadcast_in_dim3A_323 = vector.broadcast %jit3A_322 : f32 to vector<48x128xf32>
      %select_n3A_324 = arith.select %eq3A_321, %broadcast_in_dim3A_323, %select_n3A_272 : vector<48x128xi1>, vector<48x128xf32>
      %convert_element_type3A_325 = arith.extui %eq3A_321 : vector<48x128xi1> to vector<48x128xi32>
      %reduce_sum3A_326 = arith.constant dense<0> : vector<48xi32>
      %reduce_sum3A_327 = vector.multi_reduction <add>, %convert_element_type3A_325, %reduce_sum3A_326 [1] : vector<48x128xi32> to vector<48xi32>
      %broadcast_in_dim3A_328 = vector.shape_cast %reduce_sum3A_327 : vector<48xi32> to vector<48x1xi32>
      %reduce_sum3A_329 = arith.constant dense<0> : vector<1xi32>
      %reduce_sum3A_330 = vector.multi_reduction <add>, %broadcast_in_dim3A_328, %reduce_sum3A_329 [0] : vector<48x1xi32> to vector<1xi32>
      %broadcast_in_dim3A_331 = vector.shape_cast %reduce_sum3A_330 : vector<1xi32> to vector<1x1xi32>
      %jit3A_332 = arith.constant 1073741824 : i32
      %broadcast_in_dim3A_333 = vector.broadcast %jit3A_332 : i32 to vector<48x128xi32>
      %select_n3A_334 = arith.select %eq3A_321, %get3A_62, %broadcast_in_dim3A_333 : vector<48x128xi1>, vector<48x128xi32>
      %reduce_min3A_335 = arith.constant dense<2147483647> : vector<48xi32>
      %reduce_min3A_336 = vector.multi_reduction <minsi>, %select_n3A_334, %reduce_min3A_335 [1] : vector<48x128xi32> to vector<48xi32>
      %broadcast_in_dim3A_337 = vector.shape_cast %reduce_min3A_336 : vector<48xi32> to vector<48x1xi32>
      %reduce_min3A_338 = arith.constant dense<2147483647> : vector<1xi32>
      %reduce_min3A_339 = vector.multi_reduction <minsi>, %broadcast_in_dim3A_337, %reduce_min3A_338 [0] : vector<48x1xi32> to vector<1xi32>
      %broadcast_in_dim3A_340 = vector.shape_cast %reduce_min3A_339 : vector<1xi32> to vector<1x1xi32>
      %squeeze3A_341 = vector.extract %broadcast_in_dim3A_340[0, 0] : i32 from vector<1x1xi32>
      %shift_right_arithmetic3A_342 = arith.constant 7 : i32
      %shift_right_arithmetic3A_343 = arith.shrsi %squeeze3A_341, %shift_right_arithmetic3A_342 : i32
      %and3A_344 = arith.constant 127 : i32
      %and3A_345 = arith.andi %squeeze3A_341, %and3A_344 : i32
      %eq3A_346 = vector.broadcast %and3A_345 : i32 to vector<1x128xi32>
      %eq3A_347 = arith.cmpi eq, %iota3A_51, %eq3A_346 : vector<1x128xi32>
      %mul3A_348 = arith.constant 5 : i32
      %mul3A_349 = arith.muli %mul3A_348, %shift_right_arithmetic3A_343 : i32
      %get3A_350 = arith.index_cast %mul3A_349 : i32 to index
      %get3A_351 = arith.constant 0 : index
      %get3A_352 = vector.load %arg5[%get3A_350, %get3A_351] : memref<240x128xf32, #tpu.memory_space<vmem>>, vector<5x128xf32>
      %jit3A_353 = arith.constant 0.000000e+00 : f32
      %broadcast_in_dim3A_354 = vector.shape_cast %eq3A_347 : vector<1x128xi1> to vector<1x128xi1>
      %broadcast_in_dim3A_355 = vector.broadcast %broadcast_in_dim3A_354 : vector<1x128xi1> to vector<5x128xi1>
      %broadcast_in_dim3A_356 = vector.broadcast %jit3A_353 : f32 to vector<5x128xf32>
      %select_n3A_357 = arith.select %broadcast_in_dim3A_355, %get3A_352, %broadcast_in_dim3A_356 : vector<5x128xi1>, vector<5x128xf32>
      %reduce_sum3A_358 = arith.constant dense<0.000000e+00> : vector<5xf32>
      %reduce_sum3A_359 = vector.multi_reduction <add>, %select_n3A_357, %reduce_sum3A_358 [1] : vector<5x128xf32> to vector<5xf32>
      %broadcast_in_dim3A_360 = vector.shape_cast %reduce_sum3A_359 : vector<5xf32> to vector<5x1xf32>
      %slice3A_361 = vector.extract_strided_slice %broadcast_in_dim3A_360 {offsets = [0, 0], sizes = [1, 1], strides = [1, 1]} : vector<5x1xf32> to vector<1x1xf32>
      %slice3A_362 = vector.extract_strided_slice %broadcast_in_dim3A_360 {offsets = [1, 0], sizes = [1, 1], strides = [1, 1]} : vector<5x1xf32> to vector<1x1xf32>
      %slice3A_363 = vector.extract_strided_slice %broadcast_in_dim3A_360 {offsets = [2, 0], sizes = [1, 1], strides = [1, 1]} : vector<5x1xf32> to vector<1x1xf32>
      %slice3A_364 = vector.extract_strided_slice %broadcast_in_dim3A_360 {offsets = [3, 0], sizes = [1, 1], strides = [1, 1]} : vector<5x1xf32> to vector<1x1xf32>
      %slice3A_365 = vector.extract_strided_slice %broadcast_in_dim3A_360 {offsets = [4, 0], sizes = [1, 1], strides = [1, 1]} : vector<5x1xf32> to vector<1x1xf32>
      %reduce_max3A_366 = arith.constant dense<0xFF800000> : vector<48xf32>
      %reduce_max3A_367 = vector.multi_reduction <maximumf>, %select_n3A_324, %reduce_max3A_366 [1] : vector<48x128xf32> to vector<48xf32>
      %broadcast_in_dim3A_368 = vector.shape_cast %reduce_max3A_367 : vector<48xf32> to vector<48x1xf32>
      %reduce_max3A_369 = arith.constant dense<0xFF800000> : vector<1xf32>
      %reduce_max3A_370 = vector.multi_reduction <maximumf>, %broadcast_in_dim3A_368, %reduce_max3A_369 [0] : vector<48x1xf32> to vector<1xf32>
      %broadcast_in_dim3A_371 = vector.shape_cast %reduce_max3A_370 : vector<1xf32> to vector<1x1xf32>
      %eq3A_372 = vector.broadcast %broadcast_in_dim3A_371 : vector<1x1xf32> to vector<48x128xf32>
      %eq3A_373 = arith.cmpf oeq, %select_n3A_324, %eq3A_372 : vector<48x128xf32>
      %jit3A_374 = arith.constant 0xFF800000 : f32
      %broadcast_in_dim3A_375 = vector.broadcast %jit3A_374 : f32 to vector<48x128xf32>
      %select_n3A_376 = arith.select %eq3A_373, %broadcast_in_dim3A_375, %select_n3A_324 : vector<48x128xi1>, vector<48x128xf32>
      %convert_element_type3A_377 = arith.extui %eq3A_373 : vector<48x128xi1> to vector<48x128xi32>
      %reduce_sum3A_378 = arith.constant dense<0> : vector<48xi32>
      %reduce_sum3A_379 = vector.multi_reduction <add>, %convert_element_type3A_377, %reduce_sum3A_378 [1] : vector<48x128xi32> to vector<48xi32>
      %broadcast_in_dim3A_380 = vector.shape_cast %reduce_sum3A_379 : vector<48xi32> to vector<48x1xi32>
      %reduce_sum3A_381 = arith.constant dense<0> : vector<1xi32>
      %reduce_sum3A_382 = vector.multi_reduction <add>, %broadcast_in_dim3A_380, %reduce_sum3A_381 [0] : vector<48x1xi32> to vector<1xi32>
      %broadcast_in_dim3A_383 = vector.shape_cast %reduce_sum3A_382 : vector<1xi32> to vector<1x1xi32>
      %jit3A_384 = arith.constant 1073741824 : i32
      %broadcast_in_dim3A_385 = vector.broadcast %jit3A_384 : i32 to vector<48x128xi32>
      %select_n3A_386 = arith.select %eq3A_373, %get3A_62, %broadcast_in_dim3A_385 : vector<48x128xi1>, vector<48x128xi32>
      %reduce_min3A_387 = arith.constant dense<2147483647> : vector<48xi32>
      %reduce_min3A_388 = vector.multi_reduction <minsi>, %select_n3A_386, %reduce_min3A_387 [1] : vector<48x128xi32> to vector<48xi32>
      %broadcast_in_dim3A_389 = vector.shape_cast %reduce_min3A_388 : vector<48xi32> to vector<48x1xi32>
      %reduce_min3A_390 = arith.constant dense<2147483647> : vector<1xi32>
      %reduce_min3A_391 = vector.multi_reduction <minsi>, %broadcast_in_dim3A_389, %reduce_min3A_390 [0] : vector<48x1xi32> to vector<1xi32>
      %broadcast_in_dim3A_392 = vector.shape_cast %reduce_min3A_391 : vector<1xi32> to vector<1x1xi32>
      %squeeze3A_393 = vector.extract %broadcast_in_dim3A_392[0, 0] : i32 from vector<1x1xi32>
      %shift_right_arithmetic3A_394 = arith.constant 7 : i32
      %shift_right_arithmetic3A_395 = arith.shrsi %squeeze3A_393, %shift_right_arithmetic3A_394 : i32
      %and3A_396 = arith.constant 127 : i32
      %and3A_397 = arith.andi %squeeze3A_393, %and3A_396 : i32
      %eq3A_398 = vector.broadcast %and3A_397 : i32 to vector<1x128xi32>
      %eq3A_399 = arith.cmpi eq, %iota3A_51, %eq3A_398 : vector<1x128xi32>
      %mul3A_400 = arith.constant 5 : i32
      %mul3A_401 = arith.muli %mul3A_400, %shift_right_arithmetic3A_395 : i32
      %get3A_402 = arith.index_cast %mul3A_401 : i32 to index
      %get3A_403 = arith.constant 0 : index
      %get3A_404 = vector.load %arg5[%get3A_402, %get3A_403] : memref<240x128xf32, #tpu.memory_space<vmem>>, vector<5x128xf32>
      %jit3A_405 = arith.constant 0.000000e+00 : f32
      %broadcast_in_dim3A_406 = vector.shape_cast %eq3A_399 : vector<1x128xi1> to vector<1x128xi1>
      %broadcast_in_dim3A_407 = vector.broadcast %broadcast_in_dim3A_406 : vector<1x128xi1> to vector<5x128xi1>
      %broadcast_in_dim3A_408 = vector.broadcast %jit3A_405 : f32 to vector<5x128xf32>
      %select_n3A_409 = arith.select %broadcast_in_dim3A_407, %get3A_404, %broadcast_in_dim3A_408 : vector<5x128xi1>, vector<5x128xf32>
      %reduce_sum3A_410 = arith.constant dense<0.000000e+00> : vector<5xf32>
      %reduce_sum3A_411 = vector.multi_reduction <add>, %select_n3A_409, %reduce_sum3A_410 [1] : vector<5x128xf32> to vector<5xf32>
      %broadcast_in_dim3A_412 = vector.shape_cast %reduce_sum3A_411 : vector<5xf32> to vector<5x1xf32>
      %slice3A_413 = vector.extract_strided_slice %broadcast_in_dim3A_412 {offsets = [0, 0], sizes = [1, 1], strides = [1, 1]} : vector<5x1xf32> to vector<1x1xf32>
      %slice3A_414 = vector.extract_strided_slice %broadcast_in_dim3A_412 {offsets = [1, 0], sizes = [1, 1], strides = [1, 1]} : vector<5x1xf32> to vector<1x1xf32>
      %slice3A_415 = vector.extract_strided_slice %broadcast_in_dim3A_412 {offsets = [2, 0], sizes = [1, 1], strides = [1, 1]} : vector<5x1xf32> to vector<1x1xf32>
      %slice3A_416 = vector.extract_strided_slice %broadcast_in_dim3A_412 {offsets = [3, 0], sizes = [1, 1], strides = [1, 1]} : vector<5x1xf32> to vector<1x1xf32>
      %slice3A_417 = vector.extract_strided_slice %broadcast_in_dim3A_412 {offsets = [4, 0], sizes = [1, 1], strides = [1, 1]} : vector<5x1xf32> to vector<1x1xf32>
      %reduce_max3A_418 = arith.constant dense<0xFF800000> : vector<48xf32>
      %reduce_max3A_419 = vector.multi_reduction <maximumf>, %select_n3A_376, %reduce_max3A_418 [1] : vector<48x128xf32> to vector<48xf32>
      %broadcast_in_dim3A_420 = vector.shape_cast %reduce_max3A_419 : vector<48xf32> to vector<48x1xf32>
      %reduce_max3A_421 = arith.constant dense<0xFF800000> : vector<1xf32>
      %reduce_max3A_422 = vector.multi_reduction <maximumf>, %broadcast_in_dim3A_420, %reduce_max3A_421 [0] : vector<48x1xf32> to vector<1xf32>
      %broadcast_in_dim3A_423 = vector.shape_cast %reduce_max3A_422 : vector<1xf32> to vector<1x1xf32>
      %eq3A_424 = vector.broadcast %broadcast_in_dim3A_423 : vector<1x1xf32> to vector<48x128xf32>
      %eq3A_425 = arith.cmpf oeq, %select_n3A_376, %eq3A_424 : vector<48x128xf32>
      %jit3A_426 = arith.constant 1073741824 : i32
      %broadcast_in_dim3A_427 = vector.broadcast %jit3A_426 : i32 to vector<48x128xi32>
      %select_n3A_428 = arith.select %eq3A_425, %get3A_62, %broadcast_in_dim3A_427 : vector<48x128xi1>, vector<48x128xi32>
      %reduce_min3A_429 = arith.constant dense<2147483647> : vector<48xi32>
      %reduce_min3A_430 = vector.multi_reduction <minsi>, %select_n3A_428, %reduce_min3A_429 [1] : vector<48x128xi32> to vector<48xi32>
      %broadcast_in_dim3A_431 = vector.shape_cast %reduce_min3A_430 : vector<48xi32> to vector<48x1xi32>
      %reduce_min3A_432 = arith.constant dense<2147483647> : vector<1xi32>
      %reduce_min3A_433 = vector.multi_reduction <minsi>, %broadcast_in_dim3A_431, %reduce_min3A_432 [0] : vector<48x1xi32> to vector<1xi32>
      %broadcast_in_dim3A_434 = vector.shape_cast %reduce_min3A_433 : vector<1xi32> to vector<1x1xi32>
      %squeeze3A_435 = vector.extract %broadcast_in_dim3A_434[0, 0] : i32 from vector<1x1xi32>
      %shift_right_arithmetic3A_436 = arith.constant 7 : i32
      %shift_right_arithmetic3A_437 = arith.shrsi %squeeze3A_435, %shift_right_arithmetic3A_436 : i32
      %and3A_438 = arith.constant 127 : i32
      %and3A_439 = arith.andi %squeeze3A_435, %and3A_438 : i32
      %eq3A_440 = vector.broadcast %and3A_439 : i32 to vector<1x128xi32>
      %eq3A_441 = arith.cmpi eq, %iota3A_51, %eq3A_440 : vector<1x128xi32>
      %mul3A_442 = arith.constant 5 : i32
      %mul3A_443 = arith.muli %mul3A_442, %shift_right_arithmetic3A_437 : i32
      %get3A_444 = arith.index_cast %mul3A_443 : i32 to index
      %get3A_445 = arith.constant 0 : index
      %get3A_446 = vector.load %arg5[%get3A_444, %get3A_445] : memref<240x128xf32, #tpu.memory_space<vmem>>, vector<5x128xf32>
      %jit3A_447 = arith.constant 0.000000e+00 : f32
      %broadcast_in_dim3A_448 = vector.shape_cast %eq3A_441 : vector<1x128xi1> to vector<1x128xi1>
      %broadcast_in_dim3A_449 = vector.broadcast %broadcast_in_dim3A_448 : vector<1x128xi1> to vector<5x128xi1>
      %broadcast_in_dim3A_450 = vector.broadcast %jit3A_447 : f32 to vector<5x128xf32>
      %select_n3A_451 = arith.select %broadcast_in_dim3A_449, %get3A_446, %broadcast_in_dim3A_450 : vector<5x128xi1>, vector<5x128xf32>
      %reduce_sum3A_452 = arith.constant dense<0.000000e+00> : vector<5xf32>
      %reduce_sum3A_453 = vector.multi_reduction <add>, %select_n3A_451, %reduce_sum3A_452 [1] : vector<5x128xf32> to vector<5xf32>
      %broadcast_in_dim3A_454 = vector.shape_cast %reduce_sum3A_453 : vector<5xf32> to vector<5x1xf32>
      %slice3A_455 = vector.extract_strided_slice %broadcast_in_dim3A_454 {offsets = [0, 0], sizes = [1, 1], strides = [1, 1]} : vector<5x1xf32> to vector<1x1xf32>
      %slice3A_456 = vector.extract_strided_slice %broadcast_in_dim3A_454 {offsets = [1, 0], sizes = [1, 1], strides = [1, 1]} : vector<5x1xf32> to vector<1x1xf32>
      %slice3A_457 = vector.extract_strided_slice %broadcast_in_dim3A_454 {offsets = [2, 0], sizes = [1, 1], strides = [1, 1]} : vector<5x1xf32> to vector<1x1xf32>
      %slice3A_458 = vector.extract_strided_slice %broadcast_in_dim3A_454 {offsets = [3, 0], sizes = [1, 1], strides = [1, 1]} : vector<5x1xf32> to vector<1x1xf32>
      %slice3A_459 = vector.extract_strided_slice %broadcast_in_dim3A_454 {offsets = [4, 0], sizes = [1, 1], strides = [1, 1]} : vector<5x1xf32> to vector<1x1xf32>
      %gt3A = arith.constant 0xFF800000 : f32
      %gt3A_460 = vector.broadcast %gt3A : f32 to vector<1x1xf32>
      %gt3A_461 = arith.cmpf ogt, %broadcast_in_dim3A_67, %gt3A_460 : vector<1x1xf32>
      %eq3A_462 = vector.broadcast %while3A : i32 to vector<1x1xi32>
      %eq3A_463 = arith.cmpi eq, %broadcast_in_dim3A_76, %eq3A_462 : vector<1x1xi32>
      %and3A_464 = arith.andi %gt3A_461, %eq3A_463 : vector<1x1xi1>
      %gt3A_465 = arith.constant 0xFF800000 : f32
      %gt3A_466 = vector.broadcast %gt3A_465 : f32 to vector<1x1xf32>
      %gt3A_467 = arith.cmpf ogt, %broadcast_in_dim3A_111, %gt3A_466 : vector<1x1xf32>
      %and3A_468 = arith.andi %and3A_464, %gt3A_467 : vector<1x1xi1>
      %max3A_469 = arith.maximumf %slice3A, %slice3A_153 : vector<1x1xf32>
      %max3A_470 = arith.maximumf %slice3A_102, %slice3A_154 : vector<1x1xf32>
      %min3A = arith.minimumf %slice3A_103, %slice3A_155 : vector<1x1xf32>
      %min3A_471 = arith.minimumf %slice3A_104, %slice3A_156 : vector<1x1xf32>
      %sub3A_472 = arith.subf %min3A, %max3A_469 : vector<1x1xf32>
      %max3A_473 = arith.constant 0.000000e+00 : f32
      %max3A_474 = vector.broadcast %max3A_473 : f32 to vector<1x1xf32>
      %max3A_475 = arith.maximumf %sub3A_472, %max3A_474 : vector<1x1xf32>
      %sub3A_476 = arith.subf %min3A_471, %max3A_470 : vector<1x1xf32>
      %max3A_477 = arith.constant 0.000000e+00 : f32
      %max3A_478 = vector.broadcast %max3A_477 : f32 to vector<1x1xf32>
      %max3A_479 = arith.maximumf %sub3A_476, %max3A_478 : vector<1x1xf32>
      %mul3A_480 = arith.mulf %max3A_475, %max3A_479 : vector<1x1xf32>
      %add3A_481 = arith.addf %slice3A_105, %slice3A_157 : vector<1x1xf32>
      %sub3A_482 = arith.subf %add3A_481, %mul3A_480 : vector<1x1xf32>
      %add3A_483 = arith.constant 9.99999971E-10 : f32
      %add3A_484 = vector.broadcast %add3A_483 : f32 to vector<1x1xf32>
      %add3A_485 = arith.addf %sub3A_482, %add3A_484 : vector<1x1xf32>
      %div3A = arith.divf %mul3A_480, %add3A_485 : vector<1x1xf32>
      %gt3A_486 = arith.constant 0.699999988 : f32
      %gt3A_487 = vector.broadcast %gt3A_486 : f32 to vector<1x1xf32>
      %gt3A_488 = arith.cmpf ogt, %div3A, %gt3A_487 : vector<1x1xf32>
      %not3A = arith.constant dense<true> : vector<1x1xi1>
      %not3A_489 = arith.xori %gt3A_488, %not3A : vector<1x1xi1>
      %and3A_490 = arith.andi %and3A_468, %not3A_489 : vector<1x1xi1>
      %eq3A_491 = vector.broadcast %while3A : i32 to vector<1x1xi32>
      %eq3A_492 = arith.cmpi eq, %broadcast_in_dim3A_123, %eq3A_491 : vector<1x1xi32>
      %and3A_493 = arith.andi %and3A_490, %eq3A_492 : vector<1x1xi1>
      %gt3A_494 = arith.constant 0xFF800000 : f32
      %gt3A_495 = vector.broadcast %gt3A_494 : f32 to vector<1x1xf32>
      %gt3A_496 = arith.cmpf ogt, %broadcast_in_dim3A_163, %gt3A_495 : vector<1x1xf32>
      %and3A_497 = arith.andi %and3A_493, %gt3A_496 : vector<1x1xi1>
      %max3A_498 = arith.maximumf %slice3A, %slice3A_205 : vector<1x1xf32>
      %max3A_499 = arith.maximumf %slice3A_102, %slice3A_206 : vector<1x1xf32>
      %min3A_500 = arith.minimumf %slice3A_103, %slice3A_207 : vector<1x1xf32>
      %min3A_501 = arith.minimumf %slice3A_104, %slice3A_208 : vector<1x1xf32>
      %sub3A_502 = arith.subf %min3A_500, %max3A_498 : vector<1x1xf32>
      %max3A_503 = arith.constant 0.000000e+00 : f32
      %max3A_504 = vector.broadcast %max3A_503 : f32 to vector<1x1xf32>
      %max3A_505 = arith.maximumf %sub3A_502, %max3A_504 : vector<1x1xf32>
      %sub3A_506 = arith.subf %min3A_501, %max3A_499 : vector<1x1xf32>
      %max3A_507 = arith.constant 0.000000e+00 : f32
      %max3A_508 = vector.broadcast %max3A_507 : f32 to vector<1x1xf32>
      %max3A_509 = arith.maximumf %sub3A_506, %max3A_508 : vector<1x1xf32>
      %mul3A_510 = arith.mulf %max3A_505, %max3A_509 : vector<1x1xf32>
      %add3A_511 = arith.addf %slice3A_105, %slice3A_209 : vector<1x1xf32>
      %sub3A_512 = arith.subf %add3A_511, %mul3A_510 : vector<1x1xf32>
      %add3A_513 = arith.constant 9.99999971E-10 : f32
      %add3A_514 = vector.broadcast %add3A_513 : f32 to vector<1x1xf32>
      %add3A_515 = arith.addf %sub3A_512, %add3A_514 : vector<1x1xf32>
      %div3A_516 = arith.divf %mul3A_510, %add3A_515 : vector<1x1xf32>
      %gt3A_517 = arith.constant 0.699999988 : f32
      %gt3A_518 = vector.broadcast %gt3A_517 : f32 to vector<1x1xf32>
      %gt3A_519 = arith.cmpf ogt, %div3A_516, %gt3A_518 : vector<1x1xf32>
      %not3A_520 = arith.constant dense<true> : vector<1x1xi1>
      %not3A_521 = arith.xori %gt3A_519, %not3A_520 : vector<1x1xi1>
      %and3A_522 = arith.andi %and3A_497, %not3A_521 : vector<1x1xi1>
      %max3A_523 = arith.maximumf %slice3A_153, %slice3A_205 : vector<1x1xf32>
      %max3A_524 = arith.maximumf %slice3A_154, %slice3A_206 : vector<1x1xf32>
      %min3A_525 = arith.minimumf %slice3A_155, %slice3A_207 : vector<1x1xf32>
      %min3A_526 = arith.minimumf %slice3A_156, %slice3A_208 : vector<1x1xf32>
      %sub3A_527 = arith.subf %min3A_525, %max3A_523 : vector<1x1xf32>
      %max3A_528 = arith.constant 0.000000e+00 : f32
      %max3A_529 = vector.broadcast %max3A_528 : f32 to vector<1x1xf32>
      %max3A_530 = arith.maximumf %sub3A_527, %max3A_529 : vector<1x1xf32>
      %sub3A_531 = arith.subf %min3A_526, %max3A_524 : vector<1x1xf32>
      %max3A_532 = arith.constant 0.000000e+00 : f32
      %max3A_533 = vector.broadcast %max3A_532 : f32 to vector<1x1xf32>
      %max3A_534 = arith.maximumf %sub3A_531, %max3A_533 : vector<1x1xf32>
      %mul3A_535 = arith.mulf %max3A_530, %max3A_534 : vector<1x1xf32>
      %add3A_536 = arith.addf %slice3A_157, %slice3A_209 : vector<1x1xf32>
      %sub3A_537 = arith.subf %add3A_536, %mul3A_535 : vector<1x1xf32>
      %add3A_538 = arith.constant 9.99999971E-10 : f32
      %add3A_539 = vector.broadcast %add3A_538 : f32 to vector<1x1xf32>
      %add3A_540 = arith.addf %sub3A_537, %add3A_539 : vector<1x1xf32>
      %div3A_541 = arith.divf %mul3A_535, %add3A_540 : vector<1x1xf32>
      %gt3A_542 = arith.constant 0.699999988 : f32
      %gt3A_543 = vector.broadcast %gt3A_542 : f32 to vector<1x1xf32>
      %gt3A_544 = arith.cmpf ogt, %div3A_541, %gt3A_543 : vector<1x1xf32>
      %not3A_545 = arith.constant dense<true> : vector<1x1xi1>
      %not3A_546 = arith.xori %gt3A_544, %not3A_545 : vector<1x1xi1>
      %and3A_547 = arith.andi %and3A_522, %not3A_546 : vector<1x1xi1>
      %eq3A_548 = vector.broadcast %while3A : i32 to vector<1x1xi32>
      %eq3A_549 = arith.cmpi eq, %broadcast_in_dim3A_175, %eq3A_548 : vector<1x1xi32>
      %and3A_550 = arith.andi %and3A_547, %eq3A_549 : vector<1x1xi1>
      %gt3A_551 = arith.constant 0xFF800000 : f32
      %gt3A_552 = vector.broadcast %gt3A_551 : f32 to vector<1x1xf32>
      %gt3A_553 = arith.cmpf ogt, %broadcast_in_dim3A_215, %gt3A_552 : vector<1x1xf32>
      %and3A_554 = arith.andi %and3A_550, %gt3A_553 : vector<1x1xi1>
      %max3A_555 = arith.maximumf %slice3A, %slice3A_257 : vector<1x1xf32>
      %max3A_556 = arith.maximumf %slice3A_102, %slice3A_258 : vector<1x1xf32>
      %min3A_557 = arith.minimumf %slice3A_103, %slice3A_259 : vector<1x1xf32>
      %min3A_558 = arith.minimumf %slice3A_104, %slice3A_260 : vector<1x1xf32>
      %sub3A_559 = arith.subf %min3A_557, %max3A_555 : vector<1x1xf32>
      %max3A_560 = arith.constant 0.000000e+00 : f32
      %max3A_561 = vector.broadcast %max3A_560 : f32 to vector<1x1xf32>
      %max3A_562 = arith.maximumf %sub3A_559, %max3A_561 : vector<1x1xf32>
      %sub3A_563 = arith.subf %min3A_558, %max3A_556 : vector<1x1xf32>
      %max3A_564 = arith.constant 0.000000e+00 : f32
      %max3A_565 = vector.broadcast %max3A_564 : f32 to vector<1x1xf32>
      %max3A_566 = arith.maximumf %sub3A_563, %max3A_565 : vector<1x1xf32>
      %mul3A_567 = arith.mulf %max3A_562, %max3A_566 : vector<1x1xf32>
      %add3A_568 = arith.addf %slice3A_105, %slice3A_261 : vector<1x1xf32>
      %sub3A_569 = arith.subf %add3A_568, %mul3A_567 : vector<1x1xf32>
      %add3A_570 = arith.constant 9.99999971E-10 : f32
      %add3A_571 = vector.broadcast %add3A_570 : f32 to vector<1x1xf32>
      %add3A_572 = arith.addf %sub3A_569, %add3A_571 : vector<1x1xf32>
      %div3A_573 = arith.divf %mul3A_567, %add3A_572 : vector<1x1xf32>
      %gt3A_574 = arith.constant 0.699999988 : f32
      %gt3A_575 = vector.broadcast %gt3A_574 : f32 to vector<1x1xf32>
      %gt3A_576 = arith.cmpf ogt, %div3A_573, %gt3A_575 : vector<1x1xf32>
      %not3A_577 = arith.constant dense<true> : vector<1x1xi1>
      %not3A_578 = arith.xori %gt3A_576, %not3A_577 : vector<1x1xi1>
      %and3A_579 = arith.andi %and3A_554, %not3A_578 : vector<1x1xi1>
      %max3A_580 = arith.maximumf %slice3A_153, %slice3A_257 : vector<1x1xf32>
      %max3A_581 = arith.maximumf %slice3A_154, %slice3A_258 : vector<1x1xf32>
      %min3A_582 = arith.minimumf %slice3A_155, %slice3A_259 : vector<1x1xf32>
      %min3A_583 = arith.minimumf %slice3A_156, %slice3A_260 : vector<1x1xf32>
      %sub3A_584 = arith.subf %min3A_582, %max3A_580 : vector<1x1xf32>
      %max3A_585 = arith.constant 0.000000e+00 : f32
      %max3A_586 = vector.broadcast %max3A_585 : f32 to vector<1x1xf32>
      %max3A_587 = arith.maximumf %sub3A_584, %max3A_586 : vector<1x1xf32>
      %sub3A_588 = arith.subf %min3A_583, %max3A_581 : vector<1x1xf32>
      %max3A_589 = arith.constant 0.000000e+00 : f32
      %max3A_590 = vector.broadcast %max3A_589 : f32 to vector<1x1xf32>
      %max3A_591 = arith.maximumf %sub3A_588, %max3A_590 : vector<1x1xf32>
      %mul3A_592 = arith.mulf %max3A_587, %max3A_591 : vector<1x1xf32>
      %add3A_593 = arith.addf %slice3A_157, %slice3A_261 : vector<1x1xf32>
      %sub3A_594 = arith.subf %add3A_593, %mul3A_592 : vector<1x1xf32>
      %add3A_595 = arith.constant 9.99999971E-10 : f32
      %add3A_596 = vector.broadcast %add3A_595 : f32 to vector<1x1xf32>
      %add3A_597 = arith.addf %sub3A_594, %add3A_596 : vector<1x1xf32>
      %div3A_598 = arith.divf %mul3A_592, %add3A_597 : vector<1x1xf32>
      %gt3A_599 = arith.constant 0.699999988 : f32
      %gt3A_600 = vector.broadcast %gt3A_599 : f32 to vector<1x1xf32>
      %gt3A_601 = arith.cmpf ogt, %div3A_598, %gt3A_600 : vector<1x1xf32>
      %not3A_602 = arith.constant dense<true> : vector<1x1xi1>
      %not3A_603 = arith.xori %gt3A_601, %not3A_602 : vector<1x1xi1>
      %and3A_604 = arith.andi %and3A_579, %not3A_603 : vector<1x1xi1>
      %max3A_605 = arith.maximumf %slice3A_205, %slice3A_257 : vector<1x1xf32>
      %max3A_606 = arith.maximumf %slice3A_206, %slice3A_258 : vector<1x1xf32>
      %min3A_607 = arith.minimumf %slice3A_207, %slice3A_259 : vector<1x1xf32>
      %min3A_608 = arith.minimumf %slice3A_208, %slice3A_260 : vector<1x1xf32>
      %sub3A_609 = arith.subf %min3A_607, %max3A_605 : vector<1x1xf32>
      %max3A_610 = arith.constant 0.000000e+00 : f32
      %max3A_611 = vector.broadcast %max3A_610 : f32 to vector<1x1xf32>
      %max3A_612 = arith.maximumf %sub3A_609, %max3A_611 : vector<1x1xf32>
      %sub3A_613 = arith.subf %min3A_608, %max3A_606 : vector<1x1xf32>
      %max3A_614 = arith.constant 0.000000e+00 : f32
      %max3A_615 = vector.broadcast %max3A_614 : f32 to vector<1x1xf32>
      %max3A_616 = arith.maximumf %sub3A_613, %max3A_615 : vector<1x1xf32>
      %mul3A_617 = arith.mulf %max3A_612, %max3A_616 : vector<1x1xf32>
      %add3A_618 = arith.addf %slice3A_209, %slice3A_261 : vector<1x1xf32>
      %sub3A_619 = arith.subf %add3A_618, %mul3A_617 : vector<1x1xf32>
      %add3A_620 = arith.constant 9.99999971E-10 : f32
      %add3A_621 = vector.broadcast %add3A_620 : f32 to vector<1x1xf32>
      %add3A_622 = arith.addf %sub3A_619, %add3A_621 : vector<1x1xf32>
      %div3A_623 = arith.divf %mul3A_617, %add3A_622 : vector<1x1xf32>
      %gt3A_624 = arith.constant 0.699999988 : f32
      %gt3A_625 = vector.broadcast %gt3A_624 : f32 to vector<1x1xf32>
      %gt3A_626 = arith.cmpf ogt, %div3A_623, %gt3A_625 : vector<1x1xf32>
      %not3A_627 = arith.constant dense<true> : vector<1x1xi1>
      %not3A_628 = arith.xori %gt3A_626, %not3A_627 : vector<1x1xi1>
      %and3A_629 = arith.andi %and3A_604, %not3A_628 : vector<1x1xi1>
      %eq3A_630 = vector.broadcast %while3A : i32 to vector<1x1xi32>
      %eq3A_631 = arith.cmpi eq, %broadcast_in_dim3A_227, %eq3A_630 : vector<1x1xi32>
      %and3A_632 = arith.andi %and3A_629, %eq3A_631 : vector<1x1xi1>
      %gt3A_633 = arith.constant 0xFF800000 : f32
      %gt3A_634 = vector.broadcast %gt3A_633 : f32 to vector<1x1xf32>
      %gt3A_635 = arith.cmpf ogt, %broadcast_in_dim3A_267, %gt3A_634 : vector<1x1xf32>
      %and3A_636 = arith.andi %and3A_632, %gt3A_635 : vector<1x1xi1>
      %max3A_637 = arith.maximumf %slice3A, %slice3A_309 : vector<1x1xf32>
      %max3A_638 = arith.maximumf %slice3A_102, %slice3A_310 : vector<1x1xf32>
      %min3A_639 = arith.minimumf %slice3A_103, %slice3A_311 : vector<1x1xf32>
      %min3A_640 = arith.minimumf %slice3A_104, %slice3A_312 : vector<1x1xf32>
      %sub3A_641 = arith.subf %min3A_639, %max3A_637 : vector<1x1xf32>
      %max3A_642 = arith.constant 0.000000e+00 : f32
      %max3A_643 = vector.broadcast %max3A_642 : f32 to vector<1x1xf32>
      %max3A_644 = arith.maximumf %sub3A_641, %max3A_643 : vector<1x1xf32>
      %sub3A_645 = arith.subf %min3A_640, %max3A_638 : vector<1x1xf32>
      %max3A_646 = arith.constant 0.000000e+00 : f32
      %max3A_647 = vector.broadcast %max3A_646 : f32 to vector<1x1xf32>
      %max3A_648 = arith.maximumf %sub3A_645, %max3A_647 : vector<1x1xf32>
      %mul3A_649 = arith.mulf %max3A_644, %max3A_648 : vector<1x1xf32>
      %add3A_650 = arith.addf %slice3A_105, %slice3A_313 : vector<1x1xf32>
      %sub3A_651 = arith.subf %add3A_650, %mul3A_649 : vector<1x1xf32>
      %add3A_652 = arith.constant 9.99999971E-10 : f32
      %add3A_653 = vector.broadcast %add3A_652 : f32 to vector<1x1xf32>
      %add3A_654 = arith.addf %sub3A_651, %add3A_653 : vector<1x1xf32>
      %div3A_655 = arith.divf %mul3A_649, %add3A_654 : vector<1x1xf32>
      %gt3A_656 = arith.constant 0.699999988 : f32
      %gt3A_657 = vector.broadcast %gt3A_656 : f32 to vector<1x1xf32>
      %gt3A_658 = arith.cmpf ogt, %div3A_655, %gt3A_657 : vector<1x1xf32>
      %not3A_659 = arith.constant dense<true> : vector<1x1xi1>
      %not3A_660 = arith.xori %gt3A_658, %not3A_659 : vector<1x1xi1>
      %and3A_661 = arith.andi %and3A_636, %not3A_660 : vector<1x1xi1>
      %max3A_662 = arith.maximumf %slice3A_153, %slice3A_309 : vector<1x1xf32>
      %max3A_663 = arith.maximumf %slice3A_154, %slice3A_310 : vector<1x1xf32>
      %min3A_664 = arith.minimumf %slice3A_155, %slice3A_311 : vector<1x1xf32>
      %min3A_665 = arith.minimumf %slice3A_156, %slice3A_312 : vector<1x1xf32>
      %sub3A_666 = arith.subf %min3A_664, %max3A_662 : vector<1x1xf32>
      %max3A_667 = arith.constant 0.000000e+00 : f32
      %max3A_668 = vector.broadcast %max3A_667 : f32 to vector<1x1xf32>
      %max3A_669 = arith.maximumf %sub3A_666, %max3A_668 : vector<1x1xf32>
      %sub3A_670 = arith.subf %min3A_665, %max3A_663 : vector<1x1xf32>
      %max3A_671 = arith.constant 0.000000e+00 : f32
      %max3A_672 = vector.broadcast %max3A_671 : f32 to vector<1x1xf32>
      %max3A_673 = arith.maximumf %sub3A_670, %max3A_672 : vector<1x1xf32>
      %mul3A_674 = arith.mulf %max3A_669, %max3A_673 : vector<1x1xf32>
      %add3A_675 = arith.addf %slice3A_157, %slice3A_313 : vector<1x1xf32>
      %sub3A_676 = arith.subf %add3A_675, %mul3A_674 : vector<1x1xf32>
      %add3A_677 = arith.constant 9.99999971E-10 : f32
      %add3A_678 = vector.broadcast %add3A_677 : f32 to vector<1x1xf32>
      %add3A_679 = arith.addf %sub3A_676, %add3A_678 : vector<1x1xf32>
      %div3A_680 = arith.divf %mul3A_674, %add3A_679 : vector<1x1xf32>
      %gt3A_681 = arith.constant 0.699999988 : f32
      %gt3A_682 = vector.broadcast %gt3A_681 : f32 to vector<1x1xf32>
      %gt3A_683 = arith.cmpf ogt, %div3A_680, %gt3A_682 : vector<1x1xf32>
      %not3A_684 = arith.constant dense<true> : vector<1x1xi1>
      %not3A_685 = arith.xori %gt3A_683, %not3A_684 : vector<1x1xi1>
      %and3A_686 = arith.andi %and3A_661, %not3A_685 : vector<1x1xi1>
      %max3A_687 = arith.maximumf %slice3A_205, %slice3A_309 : vector<1x1xf32>
      %max3A_688 = arith.maximumf %slice3A_206, %slice3A_310 : vector<1x1xf32>
      %min3A_689 = arith.minimumf %slice3A_207, %slice3A_311 : vector<1x1xf32>
      %min3A_690 = arith.minimumf %slice3A_208, %slice3A_312 : vector<1x1xf32>
      %sub3A_691 = arith.subf %min3A_689, %max3A_687 : vector<1x1xf32>
      %max3A_692 = arith.constant 0.000000e+00 : f32
      %max3A_693 = vector.broadcast %max3A_692 : f32 to vector<1x1xf32>
      %max3A_694 = arith.maximumf %sub3A_691, %max3A_693 : vector<1x1xf32>
      %sub3A_695 = arith.subf %min3A_690, %max3A_688 : vector<1x1xf32>
      %max3A_696 = arith.constant 0.000000e+00 : f32
      %max3A_697 = vector.broadcast %max3A_696 : f32 to vector<1x1xf32>
      %max3A_698 = arith.maximumf %sub3A_695, %max3A_697 : vector<1x1xf32>
      %mul3A_699 = arith.mulf %max3A_694, %max3A_698 : vector<1x1xf32>
      %add3A_700 = arith.addf %slice3A_209, %slice3A_313 : vector<1x1xf32>
      %sub3A_701 = arith.subf %add3A_700, %mul3A_699 : vector<1x1xf32>
      %add3A_702 = arith.constant 9.99999971E-10 : f32
      %add3A_703 = vector.broadcast %add3A_702 : f32 to vector<1x1xf32>
      %add3A_704 = arith.addf %sub3A_701, %add3A_703 : vector<1x1xf32>
      %div3A_705 = arith.divf %mul3A_699, %add3A_704 : vector<1x1xf32>
      %gt3A_706 = arith.constant 0.699999988 : f32
      %gt3A_707 = vector.broadcast %gt3A_706 : f32 to vector<1x1xf32>
      %gt3A_708 = arith.cmpf ogt, %div3A_705, %gt3A_707 : vector<1x1xf32>
      %not3A_709 = arith.constant dense<true> : vector<1x1xi1>
      %not3A_710 = arith.xori %gt3A_708, %not3A_709 : vector<1x1xi1>
      %and3A_711 = arith.andi %and3A_686, %not3A_710 : vector<1x1xi1>
      %max3A_712 = arith.maximumf %slice3A_257, %slice3A_309 : vector<1x1xf32>
      %max3A_713 = arith.maximumf %slice3A_258, %slice3A_310 : vector<1x1xf32>
      %min3A_714 = arith.minimumf %slice3A_259, %slice3A_311 : vector<1x1xf32>
      %min3A_715 = arith.minimumf %slice3A_260, %slice3A_312 : vector<1x1xf32>
      %sub3A_716 = arith.subf %min3A_714, %max3A_712 : vector<1x1xf32>
      %max3A_717 = arith.constant 0.000000e+00 : f32
      %max3A_718 = vector.broadcast %max3A_717 : f32 to vector<1x1xf32>
      %max3A_719 = arith.maximumf %sub3A_716, %max3A_718 : vector<1x1xf32>
      %sub3A_720 = arith.subf %min3A_715, %max3A_713 : vector<1x1xf32>
      %max3A_721 = arith.constant 0.000000e+00 : f32
      %max3A_722 = vector.broadcast %max3A_721 : f32 to vector<1x1xf32>
      %max3A_723 = arith.maximumf %sub3A_720, %max3A_722 : vector<1x1xf32>
      %mul3A_724 = arith.mulf %max3A_719, %max3A_723 : vector<1x1xf32>
      %add3A_725 = arith.addf %slice3A_261, %slice3A_313 : vector<1x1xf32>
      %sub3A_726 = arith.subf %add3A_725, %mul3A_724 : vector<1x1xf32>
      %add3A_727 = arith.constant 9.99999971E-10 : f32
      %add3A_728 = vector.broadcast %add3A_727 : f32 to vector<1x1xf32>
      %add3A_729 = arith.addf %sub3A_726, %add3A_728 : vector<1x1xf32>
      %div3A_730 = arith.divf %mul3A_724, %add3A_729 : vector<1x1xf32>
      %gt3A_731 = arith.constant 0.699999988 : f32
      %gt3A_732 = vector.broadcast %gt3A_731 : f32 to vector<1x1xf32>
      %gt3A_733 = arith.cmpf ogt, %div3A_730, %gt3A_732 : vector<1x1xf32>
      %not3A_734 = arith.constant dense<true> : vector<1x1xi1>
      %not3A_735 = arith.xori %gt3A_733, %not3A_734 : vector<1x1xi1>
      %and3A_736 = arith.andi %and3A_711, %not3A_735 : vector<1x1xi1>
      %eq3A_737 = vector.broadcast %while3A : i32 to vector<1x1xi32>
      %eq3A_738 = arith.cmpi eq, %broadcast_in_dim3A_279, %eq3A_737 : vector<1x1xi32>
      %and3A_739 = arith.andi %and3A_736, %eq3A_738 : vector<1x1xi1>
      %gt3A_740 = arith.constant 0xFF800000 : f32
      %gt3A_741 = vector.broadcast %gt3A_740 : f32 to vector<1x1xf32>
      %gt3A_742 = arith.cmpf ogt, %broadcast_in_dim3A_319, %gt3A_741 : vector<1x1xf32>
      %and3A_743 = arith.andi %and3A_739, %gt3A_742 : vector<1x1xi1>
      %max3A_744 = arith.maximumf %slice3A, %slice3A_361 : vector<1x1xf32>
      %max3A_745 = arith.maximumf %slice3A_102, %slice3A_362 : vector<1x1xf32>
      %min3A_746 = arith.minimumf %slice3A_103, %slice3A_363 : vector<1x1xf32>
      %min3A_747 = arith.minimumf %slice3A_104, %slice3A_364 : vector<1x1xf32>
      %sub3A_748 = arith.subf %min3A_746, %max3A_744 : vector<1x1xf32>
      %max3A_749 = arith.constant 0.000000e+00 : f32
      %max3A_750 = vector.broadcast %max3A_749 : f32 to vector<1x1xf32>
      %max3A_751 = arith.maximumf %sub3A_748, %max3A_750 : vector<1x1xf32>
      %sub3A_752 = arith.subf %min3A_747, %max3A_745 : vector<1x1xf32>
      %max3A_753 = arith.constant 0.000000e+00 : f32
      %max3A_754 = vector.broadcast %max3A_753 : f32 to vector<1x1xf32>
      %max3A_755 = arith.maximumf %sub3A_752, %max3A_754 : vector<1x1xf32>
      %mul3A_756 = arith.mulf %max3A_751, %max3A_755 : vector<1x1xf32>
      %add3A_757 = arith.addf %slice3A_105, %slice3A_365 : vector<1x1xf32>
      %sub3A_758 = arith.subf %add3A_757, %mul3A_756 : vector<1x1xf32>
      %add3A_759 = arith.constant 9.99999971E-10 : f32
      %add3A_760 = vector.broadcast %add3A_759 : f32 to vector<1x1xf32>
      %add3A_761 = arith.addf %sub3A_758, %add3A_760 : vector<1x1xf32>
      %div3A_762 = arith.divf %mul3A_756, %add3A_761 : vector<1x1xf32>
      %gt3A_763 = arith.constant 0.699999988 : f32
      %gt3A_764 = vector.broadcast %gt3A_763 : f32 to vector<1x1xf32>
      %gt3A_765 = arith.cmpf ogt, %div3A_762, %gt3A_764 : vector<1x1xf32>
      %not3A_766 = arith.constant dense<true> : vector<1x1xi1>
      %not3A_767 = arith.xori %gt3A_765, %not3A_766 : vector<1x1xi1>
      %and3A_768 = arith.andi %and3A_743, %not3A_767 : vector<1x1xi1>
      %max3A_769 = arith.maximumf %slice3A_153, %slice3A_361 : vector<1x1xf32>
      %max3A_770 = arith.maximumf %slice3A_154, %slice3A_362 : vector<1x1xf32>
      %min3A_771 = arith.minimumf %slice3A_155, %slice3A_363 : vector<1x1xf32>
      %min3A_772 = arith.minimumf %slice3A_156, %slice3A_364 : vector<1x1xf32>
      %sub3A_773 = arith.subf %min3A_771, %max3A_769 : vector<1x1xf32>
      %max3A_774 = arith.constant 0.000000e+00 : f32
      %max3A_775 = vector.broadcast %max3A_774 : f32 to vector<1x1xf32>
      %max3A_776 = arith.maximumf %sub3A_773, %max3A_775 : vector<1x1xf32>
      %sub3A_777 = arith.subf %min3A_772, %max3A_770 : vector<1x1xf32>
      %max3A_778 = arith.constant 0.000000e+00 : f32
      %max3A_779 = vector.broadcast %max3A_778 : f32 to vector<1x1xf32>
      %max3A_780 = arith.maximumf %sub3A_777, %max3A_779 : vector<1x1xf32>
      %mul3A_781 = arith.mulf %max3A_776, %max3A_780 : vector<1x1xf32>
      %add3A_782 = arith.addf %slice3A_157, %slice3A_365 : vector<1x1xf32>
      %sub3A_783 = arith.subf %add3A_782, %mul3A_781 : vector<1x1xf32>
      %add3A_784 = arith.constant 9.99999971E-10 : f32
      %add3A_785 = vector.broadcast %add3A_784 : f32 to vector<1x1xf32>
      %add3A_786 = arith.addf %sub3A_783, %add3A_785 : vector<1x1xf32>
      %div3A_787 = arith.divf %mul3A_781, %add3A_786 : vector<1x1xf32>
      %gt3A_788 = arith.constant 0.699999988 : f32
      %gt3A_789 = vector.broadcast %gt3A_788 : f32 to vector<1x1xf32>
      %gt3A_790 = arith.cmpf ogt, %div3A_787, %gt3A_789 : vector<1x1xf32>
      %not3A_791 = arith.constant dense<true> : vector<1x1xi1>
      %not3A_792 = arith.xori %gt3A_790, %not3A_791 : vector<1x1xi1>
      %and3A_793 = arith.andi %and3A_768, %not3A_792 : vector<1x1xi1>
      %max3A_794 = arith.maximumf %slice3A_205, %slice3A_361 : vector<1x1xf32>
      %max3A_795 = arith.maximumf %slice3A_206, %slice3A_362 : vector<1x1xf32>
      %min3A_796 = arith.minimumf %slice3A_207, %slice3A_363 : vector<1x1xf32>
      %min3A_797 = arith.minimumf %slice3A_208, %slice3A_364 : vector<1x1xf32>
      %sub3A_798 = arith.subf %min3A_796, %max3A_794 : vector<1x1xf32>
      %max3A_799 = arith.constant 0.000000e+00 : f32
      %max3A_800 = vector.broadcast %max3A_799 : f32 to vector<1x1xf32>
      %max3A_801 = arith.maximumf %sub3A_798, %max3A_800 : vector<1x1xf32>
      %sub3A_802 = arith.subf %min3A_797, %max3A_795 : vector<1x1xf32>
      %max3A_803 = arith.constant 0.000000e+00 : f32
      %max3A_804 = vector.broadcast %max3A_803 : f32 to vector<1x1xf32>
      %max3A_805 = arith.maximumf %sub3A_802, %max3A_804 : vector<1x1xf32>
      %mul3A_806 = arith.mulf %max3A_801, %max3A_805 : vector<1x1xf32>
      %add3A_807 = arith.addf %slice3A_209, %slice3A_365 : vector<1x1xf32>
      %sub3A_808 = arith.subf %add3A_807, %mul3A_806 : vector<1x1xf32>
      %add3A_809 = arith.constant 9.99999971E-10 : f32
      %add3A_810 = vector.broadcast %add3A_809 : f32 to vector<1x1xf32>
      %add3A_811 = arith.addf %sub3A_808, %add3A_810 : vector<1x1xf32>
      %div3A_812 = arith.divf %mul3A_806, %add3A_811 : vector<1x1xf32>
      %gt3A_813 = arith.constant 0.699999988 : f32
      %gt3A_814 = vector.broadcast %gt3A_813 : f32 to vector<1x1xf32>
      %gt3A_815 = arith.cmpf ogt, %div3A_812, %gt3A_814 : vector<1x1xf32>
      %not3A_816 = arith.constant dense<true> : vector<1x1xi1>
      %not3A_817 = arith.xori %gt3A_815, %not3A_816 : vector<1x1xi1>
      %and3A_818 = arith.andi %and3A_793, %not3A_817 : vector<1x1xi1>
      %max3A_819 = arith.maximumf %slice3A_257, %slice3A_361 : vector<1x1xf32>
      %max3A_820 = arith.maximumf %slice3A_258, %slice3A_362 : vector<1x1xf32>
      %min3A_821 = arith.minimumf %slice3A_259, %slice3A_363 : vector<1x1xf32>
      %min3A_822 = arith.minimumf %slice3A_260, %slice3A_364 : vector<1x1xf32>
      %sub3A_823 = arith.subf %min3A_821, %max3A_819 : vector<1x1xf32>
      %max3A_824 = arith.constant 0.000000e+00 : f32
      %max3A_825 = vector.broadcast %max3A_824 : f32 to vector<1x1xf32>
      %max3A_826 = arith.maximumf %sub3A_823, %max3A_825 : vector<1x1xf32>
      %sub3A_827 = arith.subf %min3A_822, %max3A_820 : vector<1x1xf32>
      %max3A_828 = arith.constant 0.000000e+00 : f32
      %max3A_829 = vector.broadcast %max3A_828 : f32 to vector<1x1xf32>
      %max3A_830 = arith.maximumf %sub3A_827, %max3A_829 : vector<1x1xf32>
      %mul3A_831 = arith.mulf %max3A_826, %max3A_830 : vector<1x1xf32>
      %add3A_832 = arith.addf %slice3A_261, %slice3A_365 : vector<1x1xf32>
      %sub3A_833 = arith.subf %add3A_832, %mul3A_831 : vector<1x1xf32>
      %add3A_834 = arith.constant 9.99999971E-10 : f32
      %add3A_835 = vector.broadcast %add3A_834 : f32 to vector<1x1xf32>
      %add3A_836 = arith.addf %sub3A_833, %add3A_835 : vector<1x1xf32>
      %div3A_837 = arith.divf %mul3A_831, %add3A_836 : vector<1x1xf32>
      %gt3A_838 = arith.constant 0.699999988 : f32
      %gt3A_839 = vector.broadcast %gt3A_838 : f32 to vector<1x1xf32>
      %gt3A_840 = arith.cmpf ogt, %div3A_837, %gt3A_839 : vector<1x1xf32>
      %not3A_841 = arith.constant dense<true> : vector<1x1xi1>
      %not3A_842 = arith.xori %gt3A_840, %not3A_841 : vector<1x1xi1>
      %and3A_843 = arith.andi %and3A_818, %not3A_842 : vector<1x1xi1>
      %max3A_844 = arith.maximumf %slice3A_309, %slice3A_361 : vector<1x1xf32>
      %max3A_845 = arith.maximumf %slice3A_310, %slice3A_362 : vector<1x1xf32>
      %min3A_846 = arith.minimumf %slice3A_311, %slice3A_363 : vector<1x1xf32>
      %min3A_847 = arith.minimumf %slice3A_312, %slice3A_364 : vector<1x1xf32>
      %sub3A_848 = arith.subf %min3A_846, %max3A_844 : vector<1x1xf32>
      %max3A_849 = arith.constant 0.000000e+00 : f32
      %max3A_850 = vector.broadcast %max3A_849 : f32 to vector<1x1xf32>
      %max3A_851 = arith.maximumf %sub3A_848, %max3A_850 : vector<1x1xf32>
      %sub3A_852 = arith.subf %min3A_847, %max3A_845 : vector<1x1xf32>
      %max3A_853 = arith.constant 0.000000e+00 : f32
      %max3A_854 = vector.broadcast %max3A_853 : f32 to vector<1x1xf32>
      %max3A_855 = arith.maximumf %sub3A_852, %max3A_854 : vector<1x1xf32>
      %mul3A_856 = arith.mulf %max3A_851, %max3A_855 : vector<1x1xf32>
      %add3A_857 = arith.addf %slice3A_313, %slice3A_365 : vector<1x1xf32>
      %sub3A_858 = arith.subf %add3A_857, %mul3A_856 : vector<1x1xf32>
      %add3A_859 = arith.constant 9.99999971E-10 : f32
      %add3A_860 = vector.broadcast %add3A_859 : f32 to vector<1x1xf32>
      %add3A_861 = arith.addf %sub3A_858, %add3A_860 : vector<1x1xf32>
      %div3A_862 = arith.divf %mul3A_856, %add3A_861 : vector<1x1xf32>
      %gt3A_863 = arith.constant 0.699999988 : f32
      %gt3A_864 = vector.broadcast %gt3A_863 : f32 to vector<1x1xf32>
      %gt3A_865 = arith.cmpf ogt, %div3A_862, %gt3A_864 : vector<1x1xf32>
      %not3A_866 = arith.constant dense<true> : vector<1x1xi1>
      %not3A_867 = arith.xori %gt3A_865, %not3A_866 : vector<1x1xi1>
      %and3A_868 = arith.andi %and3A_843, %not3A_867 : vector<1x1xi1>
      %eq3A_869 = vector.broadcast %while3A : i32 to vector<1x1xi32>
      %eq3A_870 = arith.cmpi eq, %broadcast_in_dim3A_331, %eq3A_869 : vector<1x1xi32>
      %and3A_871 = arith.andi %and3A_868, %eq3A_870 : vector<1x1xi1>
      %gt3A_872 = arith.constant 0xFF800000 : f32
      %gt3A_873 = vector.broadcast %gt3A_872 : f32 to vector<1x1xf32>
      %gt3A_874 = arith.cmpf ogt, %broadcast_in_dim3A_371, %gt3A_873 : vector<1x1xf32>
      %and3A_875 = arith.andi %and3A_871, %gt3A_874 : vector<1x1xi1>
      %max3A_876 = arith.maximumf %slice3A, %slice3A_413 : vector<1x1xf32>
      %max3A_877 = arith.maximumf %slice3A_102, %slice3A_414 : vector<1x1xf32>
      %min3A_878 = arith.minimumf %slice3A_103, %slice3A_415 : vector<1x1xf32>
      %min3A_879 = arith.minimumf %slice3A_104, %slice3A_416 : vector<1x1xf32>
      %sub3A_880 = arith.subf %min3A_878, %max3A_876 : vector<1x1xf32>
      %max3A_881 = arith.constant 0.000000e+00 : f32
      %max3A_882 = vector.broadcast %max3A_881 : f32 to vector<1x1xf32>
      %max3A_883 = arith.maximumf %sub3A_880, %max3A_882 : vector<1x1xf32>
      %sub3A_884 = arith.subf %min3A_879, %max3A_877 : vector<1x1xf32>
      %max3A_885 = arith.constant 0.000000e+00 : f32
      %max3A_886 = vector.broadcast %max3A_885 : f32 to vector<1x1xf32>
      %max3A_887 = arith.maximumf %sub3A_884, %max3A_886 : vector<1x1xf32>
      %mul3A_888 = arith.mulf %max3A_883, %max3A_887 : vector<1x1xf32>
      %add3A_889 = arith.addf %slice3A_105, %slice3A_417 : vector<1x1xf32>
      %sub3A_890 = arith.subf %add3A_889, %mul3A_888 : vector<1x1xf32>
      %add3A_891 = arith.constant 9.99999971E-10 : f32
      %add3A_892 = vector.broadcast %add3A_891 : f32 to vector<1x1xf32>
      %add3A_893 = arith.addf %sub3A_890, %add3A_892 : vector<1x1xf32>
      %div3A_894 = arith.divf %mul3A_888, %add3A_893 : vector<1x1xf32>
      %gt3A_895 = arith.constant 0.699999988 : f32
      %gt3A_896 = vector.broadcast %gt3A_895 : f32 to vector<1x1xf32>
      %gt3A_897 = arith.cmpf ogt, %div3A_894, %gt3A_896 : vector<1x1xf32>
      %not3A_898 = arith.constant dense<true> : vector<1x1xi1>
      %not3A_899 = arith.xori %gt3A_897, %not3A_898 : vector<1x1xi1>
      %and3A_900 = arith.andi %and3A_875, %not3A_899 : vector<1x1xi1>
      %max3A_901 = arith.maximumf %slice3A_153, %slice3A_413 : vector<1x1xf32>
      %max3A_902 = arith.maximumf %slice3A_154, %slice3A_414 : vector<1x1xf32>
      %min3A_903 = arith.minimumf %slice3A_155, %slice3A_415 : vector<1x1xf32>
      %min3A_904 = arith.minimumf %slice3A_156, %slice3A_416 : vector<1x1xf32>
      %sub3A_905 = arith.subf %min3A_903, %max3A_901 : vector<1x1xf32>
      %max3A_906 = arith.constant 0.000000e+00 : f32
      %max3A_907 = vector.broadcast %max3A_906 : f32 to vector<1x1xf32>
      %max3A_908 = arith.maximumf %sub3A_905, %max3A_907 : vector<1x1xf32>
      %sub3A_909 = arith.subf %min3A_904, %max3A_902 : vector<1x1xf32>
      %max3A_910 = arith.constant 0.000000e+00 : f32
      %max3A_911 = vector.broadcast %max3A_910 : f32 to vector<1x1xf32>
      %max3A_912 = arith.maximumf %sub3A_909, %max3A_911 : vector<1x1xf32>
      %mul3A_913 = arith.mulf %max3A_908, %max3A_912 : vector<1x1xf32>
      %add3A_914 = arith.addf %slice3A_157, %slice3A_417 : vector<1x1xf32>
      %sub3A_915 = arith.subf %add3A_914, %mul3A_913 : vector<1x1xf32>
      %add3A_916 = arith.constant 9.99999971E-10 : f32
      %add3A_917 = vector.broadcast %add3A_916 : f32 to vector<1x1xf32>
      %add3A_918 = arith.addf %sub3A_915, %add3A_917 : vector<1x1xf32>
      %div3A_919 = arith.divf %mul3A_913, %add3A_918 : vector<1x1xf32>
      %gt3A_920 = arith.constant 0.699999988 : f32
      %gt3A_921 = vector.broadcast %gt3A_920 : f32 to vector<1x1xf32>
      %gt3A_922 = arith.cmpf ogt, %div3A_919, %gt3A_921 : vector<1x1xf32>
      %not3A_923 = arith.constant dense<true> : vector<1x1xi1>
      %not3A_924 = arith.xori %gt3A_922, %not3A_923 : vector<1x1xi1>
      %and3A_925 = arith.andi %and3A_900, %not3A_924 : vector<1x1xi1>
      %max3A_926 = arith.maximumf %slice3A_205, %slice3A_413 : vector<1x1xf32>
      %max3A_927 = arith.maximumf %slice3A_206, %slice3A_414 : vector<1x1xf32>
      %min3A_928 = arith.minimumf %slice3A_207, %slice3A_415 : vector<1x1xf32>
      %min3A_929 = arith.minimumf %slice3A_208, %slice3A_416 : vector<1x1xf32>
      %sub3A_930 = arith.subf %min3A_928, %max3A_926 : vector<1x1xf32>
      %max3A_931 = arith.constant 0.000000e+00 : f32
      %max3A_932 = vector.broadcast %max3A_931 : f32 to vector<1x1xf32>
      %max3A_933 = arith.maximumf %sub3A_930, %max3A_932 : vector<1x1xf32>
      %sub3A_934 = arith.subf %min3A_929, %max3A_927 : vector<1x1xf32>
      %max3A_935 = arith.constant 0.000000e+00 : f32
      %max3A_936 = vector.broadcast %max3A_935 : f32 to vector<1x1xf32>
      %max3A_937 = arith.maximumf %sub3A_934, %max3A_936 : vector<1x1xf32>
      %mul3A_938 = arith.mulf %max3A_933, %max3A_937 : vector<1x1xf32>
      %add3A_939 = arith.addf %slice3A_209, %slice3A_417 : vector<1x1xf32>
      %sub3A_940 = arith.subf %add3A_939, %mul3A_938 : vector<1x1xf32>
      %add3A_941 = arith.constant 9.99999971E-10 : f32
      %add3A_942 = vector.broadcast %add3A_941 : f32 to vector<1x1xf32>
      %add3A_943 = arith.addf %sub3A_940, %add3A_942 : vector<1x1xf32>
      %div3A_944 = arith.divf %mul3A_938, %add3A_943 : vector<1x1xf32>
      %gt3A_945 = arith.constant 0.699999988 : f32
      %gt3A_946 = vector.broadcast %gt3A_945 : f32 to vector<1x1xf32>
      %gt3A_947 = arith.cmpf ogt, %div3A_944, %gt3A_946 : vector<1x1xf32>
      %not3A_948 = arith.constant dense<true> : vector<1x1xi1>
      %not3A_949 = arith.xori %gt3A_947, %not3A_948 : vector<1x1xi1>
      %and3A_950 = arith.andi %and3A_925, %not3A_949 : vector<1x1xi1>
      %max3A_951 = arith.maximumf %slice3A_257, %slice3A_413 : vector<1x1xf32>
      %max3A_952 = arith.maximumf %slice3A_258, %slice3A_414 : vector<1x1xf32>
      %min3A_953 = arith.minimumf %slice3A_259, %slice3A_415 : vector<1x1xf32>
      %min3A_954 = arith.minimumf %slice3A_260, %slice3A_416 : vector<1x1xf32>
      %sub3A_955 = arith.subf %min3A_953, %max3A_951 : vector<1x1xf32>
      %max3A_956 = arith.constant 0.000000e+00 : f32
      %max3A_957 = vector.broadcast %max3A_956 : f32 to vector<1x1xf32>
      %max3A_958 = arith.maximumf %sub3A_955, %max3A_957 : vector<1x1xf32>
      %sub3A_959 = arith.subf %min3A_954, %max3A_952 : vector<1x1xf32>
      %max3A_960 = arith.constant 0.000000e+00 : f32
      %max3A_961 = vector.broadcast %max3A_960 : f32 to vector<1x1xf32>
      %max3A_962 = arith.maximumf %sub3A_959, %max3A_961 : vector<1x1xf32>
      %mul3A_963 = arith.mulf %max3A_958, %max3A_962 : vector<1x1xf32>
      %add3A_964 = arith.addf %slice3A_261, %slice3A_417 : vector<1x1xf32>
      %sub3A_965 = arith.subf %add3A_964, %mul3A_963 : vector<1x1xf32>
      %add3A_966 = arith.constant 9.99999971E-10 : f32
      %add3A_967 = vector.broadcast %add3A_966 : f32 to vector<1x1xf32>
      %add3A_968 = arith.addf %sub3A_965, %add3A_967 : vector<1x1xf32>
      %div3A_969 = arith.divf %mul3A_963, %add3A_968 : vector<1x1xf32>
      %gt3A_970 = arith.constant 0.699999988 : f32
      %gt3A_971 = vector.broadcast %gt3A_970 : f32 to vector<1x1xf32>
      %gt3A_972 = arith.cmpf ogt, %div3A_969, %gt3A_971 : vector<1x1xf32>
      %not3A_973 = arith.constant dense<true> : vector<1x1xi1>
      %not3A_974 = arith.xori %gt3A_972, %not3A_973 : vector<1x1xi1>
      %and3A_975 = arith.andi %and3A_950, %not3A_974 : vector<1x1xi1>
      %max3A_976 = arith.maximumf %slice3A_309, %slice3A_413 : vector<1x1xf32>
      %max3A_977 = arith.maximumf %slice3A_310, %slice3A_414 : vector<1x1xf32>
      %min3A_978 = arith.minimumf %slice3A_311, %slice3A_415 : vector<1x1xf32>
      %min3A_979 = arith.minimumf %slice3A_312, %slice3A_416 : vector<1x1xf32>
      %sub3A_980 = arith.subf %min3A_978, %max3A_976 : vector<1x1xf32>
      %max3A_981 = arith.constant 0.000000e+00 : f32
      %max3A_982 = vector.broadcast %max3A_981 : f32 to vector<1x1xf32>
      %max3A_983 = arith.maximumf %sub3A_980, %max3A_982 : vector<1x1xf32>
      %sub3A_984 = arith.subf %min3A_979, %max3A_977 : vector<1x1xf32>
      %max3A_985 = arith.constant 0.000000e+00 : f32
      %max3A_986 = vector.broadcast %max3A_985 : f32 to vector<1x1xf32>
      %max3A_987 = arith.maximumf %sub3A_984, %max3A_986 : vector<1x1xf32>
      %mul3A_988 = arith.mulf %max3A_983, %max3A_987 : vector<1x1xf32>
      %add3A_989 = arith.addf %slice3A_313, %slice3A_417 : vector<1x1xf32>
      %sub3A_990 = arith.subf %add3A_989, %mul3A_988 : vector<1x1xf32>
      %add3A_991 = arith.constant 9.99999971E-10 : f32
      %add3A_992 = vector.broadcast %add3A_991 : f32 to vector<1x1xf32>
      %add3A_993 = arith.addf %sub3A_990, %add3A_992 : vector<1x1xf32>
      %div3A_994 = arith.divf %mul3A_988, %add3A_993 : vector<1x1xf32>
      %gt3A_995 = arith.constant 0.699999988 : f32
      %gt3A_996 = vector.broadcast %gt3A_995 : f32 to vector<1x1xf32>
      %gt3A_997 = arith.cmpf ogt, %div3A_994, %gt3A_996 : vector<1x1xf32>
      %not3A_998 = arith.constant dense<true> : vector<1x1xi1>
      %not3A_999 = arith.xori %gt3A_997, %not3A_998 : vector<1x1xi1>
      %and3A_1000 = arith.andi %and3A_975, %not3A_999 : vector<1x1xi1>
      %max3A_1001 = arith.maximumf %slice3A_361, %slice3A_413 : vector<1x1xf32>
      %max3A_1002 = arith.maximumf %slice3A_362, %slice3A_414 : vector<1x1xf32>
      %min3A_1003 = arith.minimumf %slice3A_363, %slice3A_415 : vector<1x1xf32>
      %min3A_1004 = arith.minimumf %slice3A_364, %slice3A_416 : vector<1x1xf32>
      %sub3A_1005 = arith.subf %min3A_1003, %max3A_1001 : vector<1x1xf32>
      %max3A_1006 = arith.constant 0.000000e+00 : f32
      %max3A_1007 = vector.broadcast %max3A_1006 : f32 to vector<1x1xf32>
      %max3A_1008 = arith.maximumf %sub3A_1005, %max3A_1007 : vector<1x1xf32>
      %sub3A_1009 = arith.subf %min3A_1004, %max3A_1002 : vector<1x1xf32>
      %max3A_1010 = arith.constant 0.000000e+00 : f32
      %max3A_1011 = vector.broadcast %max3A_1010 : f32 to vector<1x1xf32>
      %max3A_1012 = arith.maximumf %sub3A_1009, %max3A_1011 : vector<1x1xf32>
      %mul3A_1013 = arith.mulf %max3A_1008, %max3A_1012 : vector<1x1xf32>
      %add3A_1014 = arith.addf %slice3A_365, %slice3A_417 : vector<1x1xf32>
      %sub3A_1015 = arith.subf %add3A_1014, %mul3A_1013 : vector<1x1xf32>
      %add3A_1016 = arith.constant 9.99999971E-10 : f32
      %add3A_1017 = vector.broadcast %add3A_1016 : f32 to vector<1x1xf32>
      %add3A_1018 = arith.addf %sub3A_1015, %add3A_1017 : vector<1x1xf32>
      %div3A_1019 = arith.divf %mul3A_1013, %add3A_1018 : vector<1x1xf32>
      %gt3A_1020 = arith.constant 0.699999988 : f32
      %gt3A_1021 = vector.broadcast %gt3A_1020 : f32 to vector<1x1xf32>
      %gt3A_1022 = arith.cmpf ogt, %div3A_1019, %gt3A_1021 : vector<1x1xf32>
      %not3A_1023 = arith.constant dense<true> : vector<1x1xi1>
      %not3A_1024 = arith.xori %gt3A_1022, %not3A_1023 : vector<1x1xi1>
      %and3A_1025 = arith.andi %and3A_1000, %not3A_1024 : vector<1x1xi1>
      %eq3A_1026 = vector.broadcast %while3A : i32 to vector<1x1xi32>
      %eq3A_1027 = arith.cmpi eq, %broadcast_in_dim3A_383, %eq3A_1026 : vector<1x1xi32>
      %and3A_1028 = arith.andi %and3A_1025, %eq3A_1027 : vector<1x1xi1>
      %gt3A_1029 = arith.constant 0xFF800000 : f32
      %gt3A_1030 = vector.broadcast %gt3A_1029 : f32 to vector<1x1xf32>
      %gt3A_1031 = arith.cmpf ogt, %broadcast_in_dim3A_423, %gt3A_1030 : vector<1x1xf32>
      %and3A_1032 = arith.andi %and3A_1028, %gt3A_1031 : vector<1x1xi1>
      %max3A_1033 = arith.maximumf %slice3A, %slice3A_455 : vector<1x1xf32>
      %max3A_1034 = arith.maximumf %slice3A_102, %slice3A_456 : vector<1x1xf32>
      %min3A_1035 = arith.minimumf %slice3A_103, %slice3A_457 : vector<1x1xf32>
      %min3A_1036 = arith.minimumf %slice3A_104, %slice3A_458 : vector<1x1xf32>
      %sub3A_1037 = arith.subf %min3A_1035, %max3A_1033 : vector<1x1xf32>
      %max3A_1038 = arith.constant 0.000000e+00 : f32
      %max3A_1039 = vector.broadcast %max3A_1038 : f32 to vector<1x1xf32>
      %max3A_1040 = arith.maximumf %sub3A_1037, %max3A_1039 : vector<1x1xf32>
      %sub3A_1041 = arith.subf %min3A_1036, %max3A_1034 : vector<1x1xf32>
      %max3A_1042 = arith.constant 0.000000e+00 : f32
      %max3A_1043 = vector.broadcast %max3A_1042 : f32 to vector<1x1xf32>
      %max3A_1044 = arith.maximumf %sub3A_1041, %max3A_1043 : vector<1x1xf32>
      %mul3A_1045 = arith.mulf %max3A_1040, %max3A_1044 : vector<1x1xf32>
      %add3A_1046 = arith.addf %slice3A_105, %slice3A_459 : vector<1x1xf32>
      %sub3A_1047 = arith.subf %add3A_1046, %mul3A_1045 : vector<1x1xf32>
      %add3A_1048 = arith.constant 9.99999971E-10 : f32
      %add3A_1049 = vector.broadcast %add3A_1048 : f32 to vector<1x1xf32>
      %add3A_1050 = arith.addf %sub3A_1047, %add3A_1049 : vector<1x1xf32>
      %div3A_1051 = arith.divf %mul3A_1045, %add3A_1050 : vector<1x1xf32>
      %gt3A_1052 = arith.constant 0.699999988 : f32
      %gt3A_1053 = vector.broadcast %gt3A_1052 : f32 to vector<1x1xf32>
      %gt3A_1054 = arith.cmpf ogt, %div3A_1051, %gt3A_1053 : vector<1x1xf32>
      %not3A_1055 = arith.constant dense<true> : vector<1x1xi1>
      %not3A_1056 = arith.xori %gt3A_1054, %not3A_1055 : vector<1x1xi1>
      %and3A_1057 = arith.andi %and3A_1032, %not3A_1056 : vector<1x1xi1>
      %max3A_1058 = arith.maximumf %slice3A_153, %slice3A_455 : vector<1x1xf32>
      %max3A_1059 = arith.maximumf %slice3A_154, %slice3A_456 : vector<1x1xf32>
      %min3A_1060 = arith.minimumf %slice3A_155, %slice3A_457 : vector<1x1xf32>
      %min3A_1061 = arith.minimumf %slice3A_156, %slice3A_458 : vector<1x1xf32>
      %sub3A_1062 = arith.subf %min3A_1060, %max3A_1058 : vector<1x1xf32>
      %max3A_1063 = arith.constant 0.000000e+00 : f32
      %max3A_1064 = vector.broadcast %max3A_1063 : f32 to vector<1x1xf32>
      %max3A_1065 = arith.maximumf %sub3A_1062, %max3A_1064 : vector<1x1xf32>
      %sub3A_1066 = arith.subf %min3A_1061, %max3A_1059 : vector<1x1xf32>
      %max3A_1067 = arith.constant 0.000000e+00 : f32
      %max3A_1068 = vector.broadcast %max3A_1067 : f32 to vector<1x1xf32>
      %max3A_1069 = arith.maximumf %sub3A_1066, %max3A_1068 : vector<1x1xf32>
      %mul3A_1070 = arith.mulf %max3A_1065, %max3A_1069 : vector<1x1xf32>
      %add3A_1071 = arith.addf %slice3A_157, %slice3A_459 : vector<1x1xf32>
      %sub3A_1072 = arith.subf %add3A_1071, %mul3A_1070 : vector<1x1xf32>
      %add3A_1073 = arith.constant 9.99999971E-10 : f32
      %add3A_1074 = vector.broadcast %add3A_1073 : f32 to vector<1x1xf32>
      %add3A_1075 = arith.addf %sub3A_1072, %add3A_1074 : vector<1x1xf32>
      %div3A_1076 = arith.divf %mul3A_1070, %add3A_1075 : vector<1x1xf32>
      %gt3A_1077 = arith.constant 0.699999988 : f32
      %gt3A_1078 = vector.broadcast %gt3A_1077 : f32 to vector<1x1xf32>
      %gt3A_1079 = arith.cmpf ogt, %div3A_1076, %gt3A_1078 : vector<1x1xf32>
      %not3A_1080 = arith.constant dense<true> : vector<1x1xi1>
      %not3A_1081 = arith.xori %gt3A_1079, %not3A_1080 : vector<1x1xi1>
      %and3A_1082 = arith.andi %and3A_1057, %not3A_1081 : vector<1x1xi1>
      %max3A_1083 = arith.maximumf %slice3A_205, %slice3A_455 : vector<1x1xf32>
      %max3A_1084 = arith.maximumf %slice3A_206, %slice3A_456 : vector<1x1xf32>
      %min3A_1085 = arith.minimumf %slice3A_207, %slice3A_457 : vector<1x1xf32>
      %min3A_1086 = arith.minimumf %slice3A_208, %slice3A_458 : vector<1x1xf32>
      %sub3A_1087 = arith.subf %min3A_1085, %max3A_1083 : vector<1x1xf32>
      %max3A_1088 = arith.constant 0.000000e+00 : f32
      %max3A_1089 = vector.broadcast %max3A_1088 : f32 to vector<1x1xf32>
      %max3A_1090 = arith.maximumf %sub3A_1087, %max3A_1089 : vector<1x1xf32>
      %sub3A_1091 = arith.subf %min3A_1086, %max3A_1084 : vector<1x1xf32>
      %max3A_1092 = arith.constant 0.000000e+00 : f32
      %max3A_1093 = vector.broadcast %max3A_1092 : f32 to vector<1x1xf32>
      %max3A_1094 = arith.maximumf %sub3A_1091, %max3A_1093 : vector<1x1xf32>
      %mul3A_1095 = arith.mulf %max3A_1090, %max3A_1094 : vector<1x1xf32>
      %add3A_1096 = arith.addf %slice3A_209, %slice3A_459 : vector<1x1xf32>
      %sub3A_1097 = arith.subf %add3A_1096, %mul3A_1095 : vector<1x1xf32>
      %add3A_1098 = arith.constant 9.99999971E-10 : f32
      %add3A_1099 = vector.broadcast %add3A_1098 : f32 to vector<1x1xf32>
      %add3A_1100 = arith.addf %sub3A_1097, %add3A_1099 : vector<1x1xf32>
      %div3A_1101 = arith.divf %mul3A_1095, %add3A_1100 : vector<1x1xf32>
      %gt3A_1102 = arith.constant 0.699999988 : f32
      %gt3A_1103 = vector.broadcast %gt3A_1102 : f32 to vector<1x1xf32>
      %gt3A_1104 = arith.cmpf ogt, %div3A_1101, %gt3A_1103 : vector<1x1xf32>
      %not3A_1105 = arith.constant dense<true> : vector<1x1xi1>
      %not3A_1106 = arith.xori %gt3A_1104, %not3A_1105 : vector<1x1xi1>
      %and3A_1107 = arith.andi %and3A_1082, %not3A_1106 : vector<1x1xi1>
      %max3A_1108 = arith.maximumf %slice3A_257, %slice3A_455 : vector<1x1xf32>
      %max3A_1109 = arith.maximumf %slice3A_258, %slice3A_456 : vector<1x1xf32>
      %min3A_1110 = arith.minimumf %slice3A_259, %slice3A_457 : vector<1x1xf32>
      %min3A_1111 = arith.minimumf %slice3A_260, %slice3A_458 : vector<1x1xf32>
      %sub3A_1112 = arith.subf %min3A_1110, %max3A_1108 : vector<1x1xf32>
      %max3A_1113 = arith.constant 0.000000e+00 : f32
      %max3A_1114 = vector.broadcast %max3A_1113 : f32 to vector<1x1xf32>
      %max3A_1115 = arith.maximumf %sub3A_1112, %max3A_1114 : vector<1x1xf32>
      %sub3A_1116 = arith.subf %min3A_1111, %max3A_1109 : vector<1x1xf32>
      %max3A_1117 = arith.constant 0.000000e+00 : f32
      %max3A_1118 = vector.broadcast %max3A_1117 : f32 to vector<1x1xf32>
      %max3A_1119 = arith.maximumf %sub3A_1116, %max3A_1118 : vector<1x1xf32>
      %mul3A_1120 = arith.mulf %max3A_1115, %max3A_1119 : vector<1x1xf32>
      %add3A_1121 = arith.addf %slice3A_261, %slice3A_459 : vector<1x1xf32>
      %sub3A_1122 = arith.subf %add3A_1121, %mul3A_1120 : vector<1x1xf32>
      %add3A_1123 = arith.constant 9.99999971E-10 : f32
      %add3A_1124 = vector.broadcast %add3A_1123 : f32 to vector<1x1xf32>
      %add3A_1125 = arith.addf %sub3A_1122, %add3A_1124 : vector<1x1xf32>
      %div3A_1126 = arith.divf %mul3A_1120, %add3A_1125 : vector<1x1xf32>
      %gt3A_1127 = arith.constant 0.699999988 : f32
      %gt3A_1128 = vector.broadcast %gt3A_1127 : f32 to vector<1x1xf32>
      %gt3A_1129 = arith.cmpf ogt, %div3A_1126, %gt3A_1128 : vector<1x1xf32>
      %not3A_1130 = arith.constant dense<true> : vector<1x1xi1>
      %not3A_1131 = arith.xori %gt3A_1129, %not3A_1130 : vector<1x1xi1>
      %and3A_1132 = arith.andi %and3A_1107, %not3A_1131 : vector<1x1xi1>
      %max3A_1133 = arith.maximumf %slice3A_309, %slice3A_455 : vector<1x1xf32>
      %max3A_1134 = arith.maximumf %slice3A_310, %slice3A_456 : vector<1x1xf32>
      %min3A_1135 = arith.minimumf %slice3A_311, %slice3A_457 : vector<1x1xf32>
      %min3A_1136 = arith.minimumf %slice3A_312, %slice3A_458 : vector<1x1xf32>
      %sub3A_1137 = arith.subf %min3A_1135, %max3A_1133 : vector<1x1xf32>
      %max3A_1138 = arith.constant 0.000000e+00 : f32
      %max3A_1139 = vector.broadcast %max3A_1138 : f32 to vector<1x1xf32>
      %max3A_1140 = arith.maximumf %sub3A_1137, %max3A_1139 : vector<1x1xf32>
      %sub3A_1141 = arith.subf %min3A_1136, %max3A_1134 : vector<1x1xf32>
      %max3A_1142 = arith.constant 0.000000e+00 : f32
      %max3A_1143 = vector.broadcast %max3A_1142 : f32 to vector<1x1xf32>
      %max3A_1144 = arith.maximumf %sub3A_1141, %max3A_1143 : vector<1x1xf32>
      %mul3A_1145 = arith.mulf %max3A_1140, %max3A_1144 : vector<1x1xf32>
      %add3A_1146 = arith.addf %slice3A_313, %slice3A_459 : vector<1x1xf32>
      %sub3A_1147 = arith.subf %add3A_1146, %mul3A_1145 : vector<1x1xf32>
      %add3A_1148 = arith.constant 9.99999971E-10 : f32
      %add3A_1149 = vector.broadcast %add3A_1148 : f32 to vector<1x1xf32>
      %add3A_1150 = arith.addf %sub3A_1147, %add3A_1149 : vector<1x1xf32>
      %div3A_1151 = arith.divf %mul3A_1145, %add3A_1150 : vector<1x1xf32>
      %gt3A_1152 = arith.constant 0.699999988 : f32
      %gt3A_1153 = vector.broadcast %gt3A_1152 : f32 to vector<1x1xf32>
      %gt3A_1154 = arith.cmpf ogt, %div3A_1151, %gt3A_1153 : vector<1x1xf32>
      %not3A_1155 = arith.constant dense<true> : vector<1x1xi1>
      %not3A_1156 = arith.xori %gt3A_1154, %not3A_1155 : vector<1x1xi1>
      %and3A_1157 = arith.andi %and3A_1132, %not3A_1156 : vector<1x1xi1>
      %max3A_1158 = arith.maximumf %slice3A_361, %slice3A_455 : vector<1x1xf32>
      %max3A_1159 = arith.maximumf %slice3A_362, %slice3A_456 : vector<1x1xf32>
      %min3A_1160 = arith.minimumf %slice3A_363, %slice3A_457 : vector<1x1xf32>
      %min3A_1161 = arith.minimumf %slice3A_364, %slice3A_458 : vector<1x1xf32>
      %sub3A_1162 = arith.subf %min3A_1160, %max3A_1158 : vector<1x1xf32>
      %max3A_1163 = arith.constant 0.000000e+00 : f32
      %max3A_1164 = vector.broadcast %max3A_1163 : f32 to vector<1x1xf32>
      %max3A_1165 = arith.maximumf %sub3A_1162, %max3A_1164 : vector<1x1xf32>
      %sub3A_1166 = arith.subf %min3A_1161, %max3A_1159 : vector<1x1xf32>
      %max3A_1167 = arith.constant 0.000000e+00 : f32
      %max3A_1168 = vector.broadcast %max3A_1167 : f32 to vector<1x1xf32>
      %max3A_1169 = arith.maximumf %sub3A_1166, %max3A_1168 : vector<1x1xf32>
      %mul3A_1170 = arith.mulf %max3A_1165, %max3A_1169 : vector<1x1xf32>
      %add3A_1171 = arith.addf %slice3A_365, %slice3A_459 : vector<1x1xf32>
      %sub3A_1172 = arith.subf %add3A_1171, %mul3A_1170 : vector<1x1xf32>
      %add3A_1173 = arith.constant 9.99999971E-10 : f32
      %add3A_1174 = vector.broadcast %add3A_1173 : f32 to vector<1x1xf32>
      %add3A_1175 = arith.addf %sub3A_1172, %add3A_1174 : vector<1x1xf32>
      %div3A_1176 = arith.divf %mul3A_1170, %add3A_1175 : vector<1x1xf32>
      %gt3A_1177 = arith.constant 0.699999988 : f32
      %gt3A_1178 = vector.broadcast %gt3A_1177 : f32 to vector<1x1xf32>
      %gt3A_1179 = arith.cmpf ogt, %div3A_1176, %gt3A_1178 : vector<1x1xf32>
      %not3A_1180 = arith.constant dense<true> : vector<1x1xi1>
      %not3A_1181 = arith.xori %gt3A_1179, %not3A_1180 : vector<1x1xi1>
      %and3A_1182 = arith.andi %and3A_1157, %not3A_1181 : vector<1x1xi1>
      %max3A_1183 = arith.maximumf %slice3A_413, %slice3A_455 : vector<1x1xf32>
      %max3A_1184 = arith.maximumf %slice3A_414, %slice3A_456 : vector<1x1xf32>
      %min3A_1185 = arith.minimumf %slice3A_415, %slice3A_457 : vector<1x1xf32>
      %min3A_1186 = arith.minimumf %slice3A_416, %slice3A_458 : vector<1x1xf32>
      %sub3A_1187 = arith.subf %min3A_1185, %max3A_1183 : vector<1x1xf32>
      %max3A_1188 = arith.constant 0.000000e+00 : f32
      %max3A_1189 = vector.broadcast %max3A_1188 : f32 to vector<1x1xf32>
      %max3A_1190 = arith.maximumf %sub3A_1187, %max3A_1189 : vector<1x1xf32>
      %sub3A_1191 = arith.subf %min3A_1186, %max3A_1184 : vector<1x1xf32>
      %max3A_1192 = arith.constant 0.000000e+00 : f32
      %max3A_1193 = vector.broadcast %max3A_1192 : f32 to vector<1x1xf32>
      %max3A_1194 = arith.maximumf %sub3A_1191, %max3A_1193 : vector<1x1xf32>
      %mul3A_1195 = arith.mulf %max3A_1190, %max3A_1194 : vector<1x1xf32>
      %add3A_1196 = arith.addf %slice3A_417, %slice3A_459 : vector<1x1xf32>
      %sub3A_1197 = arith.subf %add3A_1196, %mul3A_1195 : vector<1x1xf32>
      %add3A_1198 = arith.constant 9.99999971E-10 : f32
      %add3A_1199 = vector.broadcast %add3A_1198 : f32 to vector<1x1xf32>
      %add3A_1200 = arith.addf %sub3A_1197, %add3A_1199 : vector<1x1xf32>
      %div3A_1201 = arith.divf %mul3A_1195, %add3A_1200 : vector<1x1xf32>
      %gt3A_1202 = arith.constant 0.699999988 : f32
      %gt3A_1203 = vector.broadcast %gt3A_1202 : f32 to vector<1x1xf32>
      %gt3A_1204 = arith.cmpf ogt, %div3A_1201, %gt3A_1203 : vector<1x1xf32>
      %not3A_1205 = arith.constant dense<true> : vector<1x1xi1>
      %not3A_1206 = arith.xori %gt3A_1204, %not3A_1205 : vector<1x1xi1>
      %and3A_1207 = arith.andi %and3A_1182, %not3A_1206 : vector<1x1xi1>
      %max3A_1208 = vector.broadcast %slice3A : vector<1x1xf32> to vector<48x128xf32>
      %max3A_1209 = arith.maximumf %max3A_1208, %get3A_14 : vector<48x128xf32>
      %max3A_1210 = vector.broadcast %slice3A_102 : vector<1x1xf32> to vector<48x128xf32>
      %max3A_1211 = arith.maximumf %max3A_1210, %get3A_17 : vector<48x128xf32>
      %min3A_1212 = vector.broadcast %slice3A_103 : vector<1x1xf32> to vector<48x128xf32>
      %min3A_1213 = arith.minimumf %min3A_1212, %get3A_20 : vector<48x128xf32>
      %min3A_1214 = vector.broadcast %slice3A_104 : vector<1x1xf32> to vector<48x128xf32>
      %min3A_1215 = arith.minimumf %min3A_1214, %get3A_23 : vector<48x128xf32>
      %sub3A_1216 = arith.subf %min3A_1213, %max3A_1209 : vector<48x128xf32>
      %max3A_1217 = arith.constant 0.000000e+00 : f32
      %max3A_1218 = vector.broadcast %max3A_1217 : f32 to vector<48x128xf32>
      %max3A_1219 = arith.maximumf %sub3A_1216, %max3A_1218 : vector<48x128xf32>
      %sub3A_1220 = arith.subf %min3A_1215, %max3A_1211 : vector<48x128xf32>
      %max3A_1221 = arith.constant 0.000000e+00 : f32
      %max3A_1222 = vector.broadcast %max3A_1221 : f32 to vector<48x128xf32>
      %max3A_1223 = arith.maximumf %sub3A_1220, %max3A_1222 : vector<48x128xf32>
      %mul3A_1224 = arith.mulf %max3A_1219, %max3A_1223 : vector<48x128xf32>
      %get3A_1225 = arith.constant 0 : index
      %get3A_1226 = arith.constant 0 : index
      %get3A_1227 = vector.load %arg12[%get3A_1225, %get3A_1226] : memref<48x128xf32, #tpu.memory_space<vmem>>, vector<48x128xf32>
      %add3A_1228 = vector.broadcast %slice3A_105 : vector<1x1xf32> to vector<48x128xf32>
      %add3A_1229 = arith.addf %add3A_1228, %get3A_1227 : vector<48x128xf32>
      %sub3A_1230 = arith.subf %add3A_1229, %mul3A_1224 : vector<48x128xf32>
      %add3A_1231 = arith.constant 9.99999971E-10 : f32
      %add3A_1232 = vector.broadcast %add3A_1231 : f32 to vector<48x128xf32>
      %add3A_1233 = arith.addf %sub3A_1230, %add3A_1232 : vector<48x128xf32>
      %div3A_1234 = arith.divf %mul3A_1224, %add3A_1233 : vector<48x128xf32>
      %gt3A_1235 = arith.constant 0.699999988 : f32
      %gt3A_1236 = vector.broadcast %gt3A_1235 : f32 to vector<48x128xf32>
      %gt3A_1237 = arith.cmpf ogt, %div3A_1234, %gt3A_1236 : vector<48x128xf32>
      %eq3A_1238 = vector.broadcast %broadcast_in_dim3A_84 : vector<1x1xi32> to vector<48x128xi32>
      %eq3A_1239 = arith.cmpi eq, %get3A_62, %eq3A_1238 : vector<48x128xi32>
      %or3A = arith.ori %gt3A_1237, %eq3A_1239 : vector<48x128xi1>
      %and3A_1240 = vector.broadcast %gt3A_461 : vector<1x1xi1> to vector<48x128xi1>
      %and3A_1241 = arith.andi %and3A_1240, %or3A : vector<48x128xi1>
      %max3A_1242 = vector.broadcast %slice3A_153 : vector<1x1xf32> to vector<48x128xf32>
      %max3A_1243 = arith.maximumf %max3A_1242, %get3A_14 : vector<48x128xf32>
      %max3A_1244 = vector.broadcast %slice3A_154 : vector<1x1xf32> to vector<48x128xf32>
      %max3A_1245 = arith.maximumf %max3A_1244, %get3A_17 : vector<48x128xf32>
      %min3A_1246 = vector.broadcast %slice3A_155 : vector<1x1xf32> to vector<48x128xf32>
      %min3A_1247 = arith.minimumf %min3A_1246, %get3A_20 : vector<48x128xf32>
      %min3A_1248 = vector.broadcast %slice3A_156 : vector<1x1xf32> to vector<48x128xf32>
      %min3A_1249 = arith.minimumf %min3A_1248, %get3A_23 : vector<48x128xf32>
      %sub3A_1250 = arith.subf %min3A_1247, %max3A_1243 : vector<48x128xf32>
      %max3A_1251 = arith.constant 0.000000e+00 : f32
      %max3A_1252 = vector.broadcast %max3A_1251 : f32 to vector<48x128xf32>
      %max3A_1253 = arith.maximumf %sub3A_1250, %max3A_1252 : vector<48x128xf32>
      %sub3A_1254 = arith.subf %min3A_1249, %max3A_1245 : vector<48x128xf32>
      %max3A_1255 = arith.constant 0.000000e+00 : f32
      %max3A_1256 = vector.broadcast %max3A_1255 : f32 to vector<48x128xf32>
      %max3A_1257 = arith.maximumf %sub3A_1254, %max3A_1256 : vector<48x128xf32>
      %mul3A_1258 = arith.mulf %max3A_1253, %max3A_1257 : vector<48x128xf32>
      %get3A_1259 = arith.constant 0 : index
      %get3A_1260 = arith.constant 0 : index
      %get3A_1261 = vector.load %arg12[%get3A_1259, %get3A_1260] : memref<48x128xf32, #tpu.memory_space<vmem>>, vector<48x128xf32>
      %add3A_1262 = vector.broadcast %slice3A_157 : vector<1x1xf32> to vector<48x128xf32>
      %add3A_1263 = arith.addf %add3A_1262, %get3A_1261 : vector<48x128xf32>
      %sub3A_1264 = arith.subf %add3A_1263, %mul3A_1258 : vector<48x128xf32>
      %add3A_1265 = arith.constant 9.99999971E-10 : f32
      %add3A_1266 = vector.broadcast %add3A_1265 : f32 to vector<48x128xf32>
      %add3A_1267 = arith.addf %sub3A_1264, %add3A_1266 : vector<48x128xf32>
      %div3A_1268 = arith.divf %mul3A_1258, %add3A_1267 : vector<48x128xf32>
      %gt3A_1269 = arith.constant 0.699999988 : f32
      %gt3A_1270 = vector.broadcast %gt3A_1269 : f32 to vector<48x128xf32>
      %gt3A_1271 = arith.cmpf ogt, %div3A_1268, %gt3A_1270 : vector<48x128xf32>
      %eq3A_1272 = vector.broadcast %broadcast_in_dim3A_132 : vector<1x1xi32> to vector<48x128xi32>
      %eq3A_1273 = arith.cmpi eq, %get3A_62, %eq3A_1272 : vector<48x128xi32>
      %or3A_1274 = arith.ori %gt3A_1271, %eq3A_1273 : vector<48x128xi1>
      %and3A_1275 = vector.broadcast %and3A_490 : vector<1x1xi1> to vector<48x128xi1>
      %and3A_1276 = arith.andi %and3A_1275, %or3A_1274 : vector<48x128xi1>
      %or3A_1277 = arith.ori %and3A_1241, %and3A_1276 : vector<48x128xi1>
      %max3A_1278 = vector.broadcast %slice3A_205 : vector<1x1xf32> to vector<48x128xf32>
      %max3A_1279 = arith.maximumf %max3A_1278, %get3A_14 : vector<48x128xf32>
      %max3A_1280 = vector.broadcast %slice3A_206 : vector<1x1xf32> to vector<48x128xf32>
      %max3A_1281 = arith.maximumf %max3A_1280, %get3A_17 : vector<48x128xf32>
      %min3A_1282 = vector.broadcast %slice3A_207 : vector<1x1xf32> to vector<48x128xf32>
      %min3A_1283 = arith.minimumf %min3A_1282, %get3A_20 : vector<48x128xf32>
      %min3A_1284 = vector.broadcast %slice3A_208 : vector<1x1xf32> to vector<48x128xf32>
      %min3A_1285 = arith.minimumf %min3A_1284, %get3A_23 : vector<48x128xf32>
      %sub3A_1286 = arith.subf %min3A_1283, %max3A_1279 : vector<48x128xf32>
      %max3A_1287 = arith.constant 0.000000e+00 : f32
      %max3A_1288 = vector.broadcast %max3A_1287 : f32 to vector<48x128xf32>
      %max3A_1289 = arith.maximumf %sub3A_1286, %max3A_1288 : vector<48x128xf32>
      %sub3A_1290 = arith.subf %min3A_1285, %max3A_1281 : vector<48x128xf32>
      %max3A_1291 = arith.constant 0.000000e+00 : f32
      %max3A_1292 = vector.broadcast %max3A_1291 : f32 to vector<48x128xf32>
      %max3A_1293 = arith.maximumf %sub3A_1290, %max3A_1292 : vector<48x128xf32>
      %mul3A_1294 = arith.mulf %max3A_1289, %max3A_1293 : vector<48x128xf32>
      %get3A_1295 = arith.constant 0 : index
      %get3A_1296 = arith.constant 0 : index
      %get3A_1297 = vector.load %arg12[%get3A_1295, %get3A_1296] : memref<48x128xf32, #tpu.memory_space<vmem>>, vector<48x128xf32>
      %add3A_1298 = vector.broadcast %slice3A_209 : vector<1x1xf32> to vector<48x128xf32>
      %add3A_1299 = arith.addf %add3A_1298, %get3A_1297 : vector<48x128xf32>
      %sub3A_1300 = arith.subf %add3A_1299, %mul3A_1294 : vector<48x128xf32>
      %add3A_1301 = arith.constant 9.99999971E-10 : f32
      %add3A_1302 = vector.broadcast %add3A_1301 : f32 to vector<48x128xf32>
      %add3A_1303 = arith.addf %sub3A_1300, %add3A_1302 : vector<48x128xf32>
      %div3A_1304 = arith.divf %mul3A_1294, %add3A_1303 : vector<48x128xf32>
      %gt3A_1305 = arith.constant 0.699999988 : f32
      %gt3A_1306 = vector.broadcast %gt3A_1305 : f32 to vector<48x128xf32>
      %gt3A_1307 = arith.cmpf ogt, %div3A_1304, %gt3A_1306 : vector<48x128xf32>
      %eq3A_1308 = vector.broadcast %broadcast_in_dim3A_184 : vector<1x1xi32> to vector<48x128xi32>
      %eq3A_1309 = arith.cmpi eq, %get3A_62, %eq3A_1308 : vector<48x128xi32>
      %or3A_1310 = arith.ori %gt3A_1307, %eq3A_1309 : vector<48x128xi1>
      %and3A_1311 = vector.broadcast %and3A_547 : vector<1x1xi1> to vector<48x128xi1>
      %and3A_1312 = arith.andi %and3A_1311, %or3A_1310 : vector<48x128xi1>
      %or3A_1313 = arith.ori %or3A_1277, %and3A_1312 : vector<48x128xi1>
      %max3A_1314 = vector.broadcast %slice3A_257 : vector<1x1xf32> to vector<48x128xf32>
      %max3A_1315 = arith.maximumf %max3A_1314, %get3A_14 : vector<48x128xf32>
      %max3A_1316 = vector.broadcast %slice3A_258 : vector<1x1xf32> to vector<48x128xf32>
      %max3A_1317 = arith.maximumf %max3A_1316, %get3A_17 : vector<48x128xf32>
      %min3A_1318 = vector.broadcast %slice3A_259 : vector<1x1xf32> to vector<48x128xf32>
      %min3A_1319 = arith.minimumf %min3A_1318, %get3A_20 : vector<48x128xf32>
      %min3A_1320 = vector.broadcast %slice3A_260 : vector<1x1xf32> to vector<48x128xf32>
      %min3A_1321 = arith.minimumf %min3A_1320, %get3A_23 : vector<48x128xf32>
      %sub3A_1322 = arith.subf %min3A_1319, %max3A_1315 : vector<48x128xf32>
      %max3A_1323 = arith.constant 0.000000e+00 : f32
      %max3A_1324 = vector.broadcast %max3A_1323 : f32 to vector<48x128xf32>
      %max3A_1325 = arith.maximumf %sub3A_1322, %max3A_1324 : vector<48x128xf32>
      %sub3A_1326 = arith.subf %min3A_1321, %max3A_1317 : vector<48x128xf32>
      %max3A_1327 = arith.constant 0.000000e+00 : f32
      %max3A_1328 = vector.broadcast %max3A_1327 : f32 to vector<48x128xf32>
      %max3A_1329 = arith.maximumf %sub3A_1326, %max3A_1328 : vector<48x128xf32>
      %mul3A_1330 = arith.mulf %max3A_1325, %max3A_1329 : vector<48x128xf32>
      %get3A_1331 = arith.constant 0 : index
      %get3A_1332 = arith.constant 0 : index
      %get3A_1333 = vector.load %arg12[%get3A_1331, %get3A_1332] : memref<48x128xf32, #tpu.memory_space<vmem>>, vector<48x128xf32>
      %add3A_1334 = vector.broadcast %slice3A_261 : vector<1x1xf32> to vector<48x128xf32>
      %add3A_1335 = arith.addf %add3A_1334, %get3A_1333 : vector<48x128xf32>
      %sub3A_1336 = arith.subf %add3A_1335, %mul3A_1330 : vector<48x128xf32>
      %add3A_1337 = arith.constant 9.99999971E-10 : f32
      %add3A_1338 = vector.broadcast %add3A_1337 : f32 to vector<48x128xf32>
      %add3A_1339 = arith.addf %sub3A_1336, %add3A_1338 : vector<48x128xf32>
      %div3A_1340 = arith.divf %mul3A_1330, %add3A_1339 : vector<48x128xf32>
      %gt3A_1341 = arith.constant 0.699999988 : f32
      %gt3A_1342 = vector.broadcast %gt3A_1341 : f32 to vector<48x128xf32>
      %gt3A_1343 = arith.cmpf ogt, %div3A_1340, %gt3A_1342 : vector<48x128xf32>
      %eq3A_1344 = vector.broadcast %broadcast_in_dim3A_236 : vector<1x1xi32> to vector<48x128xi32>
      %eq3A_1345 = arith.cmpi eq, %get3A_62, %eq3A_1344 : vector<48x128xi32>
      %or3A_1346 = arith.ori %gt3A_1343, %eq3A_1345 : vector<48x128xi1>
      %and3A_1347 = vector.broadcast %and3A_629 : vector<1x1xi1> to vector<48x128xi1>
      %and3A_1348 = arith.andi %and3A_1347, %or3A_1346 : vector<48x128xi1>
      %or3A_1349 = arith.ori %or3A_1313, %and3A_1348 : vector<48x128xi1>
      %max3A_1350 = vector.broadcast %slice3A_309 : vector<1x1xf32> to vector<48x128xf32>
      %max3A_1351 = arith.maximumf %max3A_1350, %get3A_14 : vector<48x128xf32>
      %max3A_1352 = vector.broadcast %slice3A_310 : vector<1x1xf32> to vector<48x128xf32>
      %max3A_1353 = arith.maximumf %max3A_1352, %get3A_17 : vector<48x128xf32>
      %min3A_1354 = vector.broadcast %slice3A_311 : vector<1x1xf32> to vector<48x128xf32>
      %min3A_1355 = arith.minimumf %min3A_1354, %get3A_20 : vector<48x128xf32>
      %min3A_1356 = vector.broadcast %slice3A_312 : vector<1x1xf32> to vector<48x128xf32>
      %min3A_1357 = arith.minimumf %min3A_1356, %get3A_23 : vector<48x128xf32>
      %sub3A_1358 = arith.subf %min3A_1355, %max3A_1351 : vector<48x128xf32>
      %max3A_1359 = arith.constant 0.000000e+00 : f32
      %max3A_1360 = vector.broadcast %max3A_1359 : f32 to vector<48x128xf32>
      %max3A_1361 = arith.maximumf %sub3A_1358, %max3A_1360 : vector<48x128xf32>
      %sub3A_1362 = arith.subf %min3A_1357, %max3A_1353 : vector<48x128xf32>
      %max3A_1363 = arith.constant 0.000000e+00 : f32
      %max3A_1364 = vector.broadcast %max3A_1363 : f32 to vector<48x128xf32>
      %max3A_1365 = arith.maximumf %sub3A_1362, %max3A_1364 : vector<48x128xf32>
      %mul3A_1366 = arith.mulf %max3A_1361, %max3A_1365 : vector<48x128xf32>
      %get3A_1367 = arith.constant 0 : index
      %get3A_1368 = arith.constant 0 : index
      %get3A_1369 = vector.load %arg12[%get3A_1367, %get3A_1368] : memref<48x128xf32, #tpu.memory_space<vmem>>, vector<48x128xf32>
      %add3A_1370 = vector.broadcast %slice3A_313 : vector<1x1xf32> to vector<48x128xf32>
      %add3A_1371 = arith.addf %add3A_1370, %get3A_1369 : vector<48x128xf32>
      %sub3A_1372 = arith.subf %add3A_1371, %mul3A_1366 : vector<48x128xf32>
      %add3A_1373 = arith.constant 9.99999971E-10 : f32
      %add3A_1374 = vector.broadcast %add3A_1373 : f32 to vector<48x128xf32>
      %add3A_1375 = arith.addf %sub3A_1372, %add3A_1374 : vector<48x128xf32>
      %div3A_1376 = arith.divf %mul3A_1366, %add3A_1375 : vector<48x128xf32>
      %gt3A_1377 = arith.constant 0.699999988 : f32
      %gt3A_1378 = vector.broadcast %gt3A_1377 : f32 to vector<48x128xf32>
      %gt3A_1379 = arith.cmpf ogt, %div3A_1376, %gt3A_1378 : vector<48x128xf32>
      %eq3A_1380 = vector.broadcast %broadcast_in_dim3A_288 : vector<1x1xi32> to vector<48x128xi32>
      %eq3A_1381 = arith.cmpi eq, %get3A_62, %eq3A_1380 : vector<48x128xi32>
      %or3A_1382 = arith.ori %gt3A_1379, %eq3A_1381 : vector<48x128xi1>
      %and3A_1383 = vector.broadcast %and3A_736 : vector<1x1xi1> to vector<48x128xi1>
      %and3A_1384 = arith.andi %and3A_1383, %or3A_1382 : vector<48x128xi1>
      %or3A_1385 = arith.ori %or3A_1349, %and3A_1384 : vector<48x128xi1>
      %max3A_1386 = vector.broadcast %slice3A_361 : vector<1x1xf32> to vector<48x128xf32>
      %max3A_1387 = arith.maximumf %max3A_1386, %get3A_14 : vector<48x128xf32>
      %max3A_1388 = vector.broadcast %slice3A_362 : vector<1x1xf32> to vector<48x128xf32>
      %max3A_1389 = arith.maximumf %max3A_1388, %get3A_17 : vector<48x128xf32>
      %min3A_1390 = vector.broadcast %slice3A_363 : vector<1x1xf32> to vector<48x128xf32>
      %min3A_1391 = arith.minimumf %min3A_1390, %get3A_20 : vector<48x128xf32>
      %min3A_1392 = vector.broadcast %slice3A_364 : vector<1x1xf32> to vector<48x128xf32>
      %min3A_1393 = arith.minimumf %min3A_1392, %get3A_23 : vector<48x128xf32>
      %sub3A_1394 = arith.subf %min3A_1391, %max3A_1387 : vector<48x128xf32>
      %max3A_1395 = arith.constant 0.000000e+00 : f32
      %max3A_1396 = vector.broadcast %max3A_1395 : f32 to vector<48x128xf32>
      %max3A_1397 = arith.maximumf %sub3A_1394, %max3A_1396 : vector<48x128xf32>
      %sub3A_1398 = arith.subf %min3A_1393, %max3A_1389 : vector<48x128xf32>
      %max3A_1399 = arith.constant 0.000000e+00 : f32
      %max3A_1400 = vector.broadcast %max3A_1399 : f32 to vector<48x128xf32>
      %max3A_1401 = arith.maximumf %sub3A_1398, %max3A_1400 : vector<48x128xf32>
      %mul3A_1402 = arith.mulf %max3A_1397, %max3A_1401 : vector<48x128xf32>
      %get3A_1403 = arith.constant 0 : index
      %get3A_1404 = arith.constant 0 : index
      %get3A_1405 = vector.load %arg12[%get3A_1403, %get3A_1404] : memref<48x128xf32, #tpu.memory_space<vmem>>, vector<48x128xf32>
      %add3A_1406 = vector.broadcast %slice3A_365 : vector<1x1xf32> to vector<48x128xf32>
      %add3A_1407 = arith.addf %add3A_1406, %get3A_1405 : vector<48x128xf32>
      %sub3A_1408 = arith.subf %add3A_1407, %mul3A_1402 : vector<48x128xf32>
      %add3A_1409 = arith.constant 9.99999971E-10 : f32
      %add3A_1410 = vector.broadcast %add3A_1409 : f32 to vector<48x128xf32>
      %add3A_1411 = arith.addf %sub3A_1408, %add3A_1410 : vector<48x128xf32>
      %div3A_1412 = arith.divf %mul3A_1402, %add3A_1411 : vector<48x128xf32>
      %gt3A_1413 = arith.constant 0.699999988 : f32
      %gt3A_1414 = vector.broadcast %gt3A_1413 : f32 to vector<48x128xf32>
      %gt3A_1415 = arith.cmpf ogt, %div3A_1412, %gt3A_1414 : vector<48x128xf32>
      %eq3A_1416 = vector.broadcast %broadcast_in_dim3A_340 : vector<1x1xi32> to vector<48x128xi32>
      %eq3A_1417 = arith.cmpi eq, %get3A_62, %eq3A_1416 : vector<48x128xi32>
      %or3A_1418 = arith.ori %gt3A_1415, %eq3A_1417 : vector<48x128xi1>
      %and3A_1419 = vector.broadcast %and3A_868 : vector<1x1xi1> to vector<48x128xi1>
      %and3A_1420 = arith.andi %and3A_1419, %or3A_1418 : vector<48x128xi1>
      %or3A_1421 = arith.ori %or3A_1385, %and3A_1420 : vector<48x128xi1>
      %max3A_1422 = vector.broadcast %slice3A_413 : vector<1x1xf32> to vector<48x128xf32>
      %max3A_1423 = arith.maximumf %max3A_1422, %get3A_14 : vector<48x128xf32>
      %max3A_1424 = vector.broadcast %slice3A_414 : vector<1x1xf32> to vector<48x128xf32>
      %max3A_1425 = arith.maximumf %max3A_1424, %get3A_17 : vector<48x128xf32>
      %min3A_1426 = vector.broadcast %slice3A_415 : vector<1x1xf32> to vector<48x128xf32>
      %min3A_1427 = arith.minimumf %min3A_1426, %get3A_20 : vector<48x128xf32>
      %min3A_1428 = vector.broadcast %slice3A_416 : vector<1x1xf32> to vector<48x128xf32>
      %min3A_1429 = arith.minimumf %min3A_1428, %get3A_23 : vector<48x128xf32>
      %sub3A_1430 = arith.subf %min3A_1427, %max3A_1423 : vector<48x128xf32>
      %max3A_1431 = arith.constant 0.000000e+00 : f32
      %max3A_1432 = vector.broadcast %max3A_1431 : f32 to vector<48x128xf32>
      %max3A_1433 = arith.maximumf %sub3A_1430, %max3A_1432 : vector<48x128xf32>
      %sub3A_1434 = arith.subf %min3A_1429, %max3A_1425 : vector<48x128xf32>
      %max3A_1435 = arith.constant 0.000000e+00 : f32
      %max3A_1436 = vector.broadcast %max3A_1435 : f32 to vector<48x128xf32>
      %max3A_1437 = arith.maximumf %sub3A_1434, %max3A_1436 : vector<48x128xf32>
      %mul3A_1438 = arith.mulf %max3A_1433, %max3A_1437 : vector<48x128xf32>
      %get3A_1439 = arith.constant 0 : index
      %get3A_1440 = arith.constant 0 : index
      %get3A_1441 = vector.load %arg12[%get3A_1439, %get3A_1440] : memref<48x128xf32, #tpu.memory_space<vmem>>, vector<48x128xf32>
      %add3A_1442 = vector.broadcast %slice3A_417 : vector<1x1xf32> to vector<48x128xf32>
      %add3A_1443 = arith.addf %add3A_1442, %get3A_1441 : vector<48x128xf32>
      %sub3A_1444 = arith.subf %add3A_1443, %mul3A_1438 : vector<48x128xf32>
      %add3A_1445 = arith.constant 9.99999971E-10 : f32
      %add3A_1446 = vector.broadcast %add3A_1445 : f32 to vector<48x128xf32>
      %add3A_1447 = arith.addf %sub3A_1444, %add3A_1446 : vector<48x128xf32>
      %div3A_1448 = arith.divf %mul3A_1438, %add3A_1447 : vector<48x128xf32>
      %gt3A_1449 = arith.constant 0.699999988 : f32
      %gt3A_1450 = vector.broadcast %gt3A_1449 : f32 to vector<48x128xf32>
      %gt3A_1451 = arith.cmpf ogt, %div3A_1448, %gt3A_1450 : vector<48x128xf32>
      %eq3A_1452 = vector.broadcast %broadcast_in_dim3A_392 : vector<1x1xi32> to vector<48x128xi32>
      %eq3A_1453 = arith.cmpi eq, %get3A_62, %eq3A_1452 : vector<48x128xi32>
      %or3A_1454 = arith.ori %gt3A_1451, %eq3A_1453 : vector<48x128xi1>
      %and3A_1455 = vector.broadcast %and3A_1025 : vector<1x1xi1> to vector<48x128xi1>
      %and3A_1456 = arith.andi %and3A_1455, %or3A_1454 : vector<48x128xi1>
      %or3A_1457 = arith.ori %or3A_1421, %and3A_1456 : vector<48x128xi1>
      %max3A_1458 = vector.broadcast %slice3A_455 : vector<1x1xf32> to vector<48x128xf32>
      %max3A_1459 = arith.maximumf %max3A_1458, %get3A_14 : vector<48x128xf32>
      %max3A_1460 = vector.broadcast %slice3A_456 : vector<1x1xf32> to vector<48x128xf32>
      %max3A_1461 = arith.maximumf %max3A_1460, %get3A_17 : vector<48x128xf32>
      %min3A_1462 = vector.broadcast %slice3A_457 : vector<1x1xf32> to vector<48x128xf32>
      %min3A_1463 = arith.minimumf %min3A_1462, %get3A_20 : vector<48x128xf32>
      %min3A_1464 = vector.broadcast %slice3A_458 : vector<1x1xf32> to vector<48x128xf32>
      %min3A_1465 = arith.minimumf %min3A_1464, %get3A_23 : vector<48x128xf32>
      %sub3A_1466 = arith.subf %min3A_1463, %max3A_1459 : vector<48x128xf32>
      %max3A_1467 = arith.constant 0.000000e+00 : f32
      %max3A_1468 = vector.broadcast %max3A_1467 : f32 to vector<48x128xf32>
      %max3A_1469 = arith.maximumf %sub3A_1466, %max3A_1468 : vector<48x128xf32>
      %sub3A_1470 = arith.subf %min3A_1465, %max3A_1461 : vector<48x128xf32>
      %max3A_1471 = arith.constant 0.000000e+00 : f32
      %max3A_1472 = vector.broadcast %max3A_1471 : f32 to vector<48x128xf32>
      %max3A_1473 = arith.maximumf %sub3A_1470, %max3A_1472 : vector<48x128xf32>
      %mul3A_1474 = arith.mulf %max3A_1469, %max3A_1473 : vector<48x128xf32>
      %get3A_1475 = arith.constant 0 : index
      %get3A_1476 = arith.constant 0 : index
      %get3A_1477 = vector.load %arg12[%get3A_1475, %get3A_1476] : memref<48x128xf32, #tpu.memory_space<vmem>>, vector<48x128xf32>
      %add3A_1478 = vector.broadcast %slice3A_459 : vector<1x1xf32> to vector<48x128xf32>
      %add3A_1479 = arith.addf %add3A_1478, %get3A_1477 : vector<48x128xf32>
      %sub3A_1480 = arith.subf %add3A_1479, %mul3A_1474 : vector<48x128xf32>
      %add3A_1481 = arith.constant 9.99999971E-10 : f32
      %add3A_1482 = vector.broadcast %add3A_1481 : f32 to vector<48x128xf32>
      %add3A_1483 = arith.addf %sub3A_1480, %add3A_1482 : vector<48x128xf32>
      %div3A_1484 = arith.divf %mul3A_1474, %add3A_1483 : vector<48x128xf32>
      %gt3A_1485 = arith.constant 0.699999988 : f32
      %gt3A_1486 = vector.broadcast %gt3A_1485 : f32 to vector<48x128xf32>
      %gt3A_1487 = arith.cmpf ogt, %div3A_1484, %gt3A_1486 : vector<48x128xf32>
      %eq3A_1488 = vector.broadcast %broadcast_in_dim3A_434 : vector<1x1xi32> to vector<48x128xi32>
      %eq3A_1489 = arith.cmpi eq, %get3A_62, %eq3A_1488 : vector<48x128xi32>
      %or3A_1490 = arith.ori %gt3A_1487, %eq3A_1489 : vector<48x128xi1>
      %and3A_1491 = vector.broadcast %and3A_1207 : vector<1x1xi1> to vector<48x128xi1>
      %and3A_1492 = arith.andi %and3A_1491, %or3A_1490 : vector<48x128xi1>
      %or3A_1493 = arith.ori %or3A_1457, %and3A_1492 : vector<48x128xi1>
      %jit3A_1494 = arith.constant 0xFF800000 : f32
      %broadcast_in_dim3A_1495 = vector.broadcast %jit3A_1494 : f32 to vector<48x128xf32>
      %select_n3A_1496 = arith.select %or3A_1493, %broadcast_in_dim3A_1495, %get3A_59 : vector<48x128xi1>, vector<48x128xf32>
      %swap3A_1497 = arith.constant 0 : index
      %swap3A_1498 = arith.constant 0 : index
      %swap3A_1499 = vector.load %arg11[%swap3A_1497, %swap3A_1498] : memref<48x128xf32, #tpu.memory_space<vmem>>, vector<48x128xf32>
      tpu.vector_store %arg11[%swap3A_1497, %swap3A_1498], %select_n3A_1496 {strides = array<i32>} : memref<48x128xf32, #tpu.memory_space<vmem>>, vector<48x128xf32>,
      %add3A_1500 = arith.constant 0 : i32
      %add3A_1501 = arith.addi %while3A_55, %add3A_1500 : i32
      %jit3A_1502 = arith.constant 0.000000e+00 : f32
      %broadcast_in_dim3A_1503 = vector.broadcast %jit3A_1502 : f32 to vector<1x1xf32>
      %select_n3A_1504 = arith.select %gt3A_461, %slice3A, %broadcast_in_dim3A_1503 : vector<1x1xi1>, vector<1x1xf32>
      %swap3A_1505 = arith.index_cast %add3A_1501 : i32 to index
      %swap3A_1506 = arith.constant 0 : index
      %swap3A_1507 = vector.load %arg6[%swap3A_1505, %swap3A_1506] : memref<1008x1xf32, #tpu.memory_space<vmem>>, vector<1x1xf32>
      tpu.vector_store %arg6[%swap3A_1505, %swap3A_1506], %select_n3A_1504 {strides = array<i32>} : memref<1008x1xf32, #tpu.memory_space<vmem>>, vector<1x1xf32>,
      %jit3A_1508 = arith.constant 0.000000e+00 : f32
      %broadcast_in_dim3A_1509 = vector.broadcast %jit3A_1508 : f32 to vector<1x1xf32>
      %select_n3A_1510 = arith.select %gt3A_461, %slice3A_102, %broadcast_in_dim3A_1509 : vector<1x1xi1>, vector<1x1xf32>
      %swap3A_1511 = arith.index_cast %add3A_1501 : i32 to index
      %swap3A_1512 = arith.constant 0 : index
      %swap3A_1513 = vector.load %arg7[%swap3A_1511, %swap3A_1512] : memref<1008x1xf32, #tpu.memory_space<vmem>>, vector<1x1xf32>
      tpu.vector_store %arg7[%swap3A_1511, %swap3A_1512], %select_n3A_1510 {strides = array<i32>} : memref<1008x1xf32, #tpu.memory_space<vmem>>, vector<1x1xf32>,
      %jit3A_1514 = arith.constant 0.000000e+00 : f32
      %broadcast_in_dim3A_1515 = vector.broadcast %jit3A_1514 : f32 to vector<1x1xf32>
      %select_n3A_1516 = arith.select %gt3A_461, %slice3A_103, %broadcast_in_dim3A_1515 : vector<1x1xi1>, vector<1x1xf32>
      %swap3A_1517 = arith.index_cast %add3A_1501 : i32 to index
      %swap3A_1518 = arith.constant 0 : index
      %swap3A_1519 = vector.load %arg8[%swap3A_1517, %swap3A_1518] : memref<1008x1xf32, #tpu.memory_space<vmem>>, vector<1x1xf32>
      tpu.vector_store %arg8[%swap3A_1517, %swap3A_1518], %select_n3A_1516 {strides = array<i32>} : memref<1008x1xf32, #tpu.memory_space<vmem>>, vector<1x1xf32>,
      %jit3A_1520 = arith.constant 0.000000e+00 : f32
      %broadcast_in_dim3A_1521 = vector.broadcast %jit3A_1520 : f32 to vector<1x1xf32>
      %select_n3A_1522 = arith.select %gt3A_461, %slice3A_104, %broadcast_in_dim3A_1521 : vector<1x1xi1>, vector<1x1xf32>
      %swap3A_1523 = arith.index_cast %add3A_1501 : i32 to index
      %swap3A_1524 = arith.constant 0 : index
      %swap3A_1525 = vector.load %arg9[%swap3A_1523, %swap3A_1524] : memref<1008x1xf32, #tpu.memory_space<vmem>>, vector<1x1xf32>
      tpu.vector_store %arg9[%swap3A_1523, %swap3A_1524], %select_n3A_1522 {strides = array<i32>} : memref<1008x1xf32, #tpu.memory_space<vmem>>, vector<1x1xf32>,
      %jit3A_1526 = arith.constant 0.000000e+00 : f32
      %broadcast_in_dim3A_1527 = vector.broadcast %jit3A_1526 : f32 to vector<1x1xf32>
      %select_n3A_1528 = arith.select %gt3A_461, %broadcast_in_dim3A_67, %broadcast_in_dim3A_1527 : vector<1x1xi1>, vector<1x1xf32>
      %swap3A_1529 = arith.index_cast %add3A_1501 : i32 to index
      %swap3A_1530 = arith.constant 0 : index
      %swap3A_1531 = vector.load %arg10[%swap3A_1529, %swap3A_1530] : memref<1008x1xf32, #tpu.memory_space<vmem>>, vector<1x1xf32>
      tpu.vector_store %arg10[%swap3A_1529, %swap3A_1530], %select_n3A_1528 {strides = array<i32>} : memref<1008x1xf32, #tpu.memory_space<vmem>>, vector<1x1xf32>,
      %add3A_1532 = arith.constant 1 : i32
      %add3A_1533 = arith.addi %while3A_55, %add3A_1532 : i32
      %jit3A_1534 = arith.constant 0.000000e+00 : f32
      %broadcast_in_dim3A_1535 = vector.broadcast %jit3A_1534 : f32 to vector<1x1xf32>
      %select_n3A_1536 = arith.select %and3A_490, %slice3A_153, %broadcast_in_dim3A_1535 : vector<1x1xi1>, vector<1x1xf32>
      %swap3A_1537 = arith.index_cast %add3A_1533 : i32 to index
      %swap3A_1538 = arith.constant 0 : index
      %swap3A_1539 = vector.load %arg6[%swap3A_1537, %swap3A_1538] : memref<1008x1xf32, #tpu.memory_space<vmem>>, vector<1x1xf32>
      tpu.vector_store %arg6[%swap3A_1537, %swap3A_1538], %select_n3A_1536 {strides = array<i32>} : memref<1008x1xf32, #tpu.memory_space<vmem>>, vector<1x1xf32>,
      %jit3A_1540 = arith.constant 0.000000e+00 : f32
      %broadcast_in_dim3A_1541 = vector.broadcast %jit3A_1540 : f32 to vector<1x1xf32>
      %select_n3A_1542 = arith.select %and3A_490, %slice3A_154, %broadcast_in_dim3A_1541 : vector<1x1xi1>, vector<1x1xf32>
      %swap3A_1543 = arith.index_cast %add3A_1533 : i32 to index
      %swap3A_1544 = arith.constant 0 : index
      %swap3A_1545 = vector.load %arg7[%swap3A_1543, %swap3A_1544] : memref<1008x1xf32, #tpu.memory_space<vmem>>, vector<1x1xf32>
      tpu.vector_store %arg7[%swap3A_1543, %swap3A_1544], %select_n3A_1542 {strides = array<i32>} : memref<1008x1xf32, #tpu.memory_space<vmem>>, vector<1x1xf32>,
      %jit3A_1546 = arith.constant 0.000000e+00 : f32
      %broadcast_in_dim3A_1547 = vector.broadcast %jit3A_1546 : f32 to vector<1x1xf32>
      %select_n3A_1548 = arith.select %and3A_490, %slice3A_155, %broadcast_in_dim3A_1547 : vector<1x1xi1>, vector<1x1xf32>
      %swap3A_1549 = arith.index_cast %add3A_1533 : i32 to index
      %swap3A_1550 = arith.constant 0 : index
      %swap3A_1551 = vector.load %arg8[%swap3A_1549, %swap3A_1550] : memref<1008x1xf32, #tpu.memory_space<vmem>>, vector<1x1xf32>
      tpu.vector_store %arg8[%swap3A_1549, %swap3A_1550], %select_n3A_1548 {strides = array<i32>} : memref<1008x1xf32, #tpu.memory_space<vmem>>, vector<1x1xf32>,
      %jit3A_1552 = arith.constant 0.000000e+00 : f32
      %broadcast_in_dim3A_1553 = vector.broadcast %jit3A_1552 : f32 to vector<1x1xf32>
      %select_n3A_1554 = arith.select %and3A_490, %slice3A_156, %broadcast_in_dim3A_1553 : vector<1x1xi1>, vector<1x1xf32>
      %swap3A_1555 = arith.index_cast %add3A_1533 : i32 to index
      %swap3A_1556 = arith.constant 0 : index
      %swap3A_1557 = vector.load %arg9[%swap3A_1555, %swap3A_1556] : memref<1008x1xf32, #tpu.memory_space<vmem>>, vector<1x1xf32>
      tpu.vector_store %arg9[%swap3A_1555, %swap3A_1556], %select_n3A_1554 {strides = array<i32>} : memref<1008x1xf32, #tpu.memory_space<vmem>>, vector<1x1xf32>,
      %jit3A_1558 = arith.constant 0.000000e+00 : f32
      %broadcast_in_dim3A_1559 = vector.broadcast %jit3A_1558 : f32 to vector<1x1xf32>
      %select_n3A_1560 = arith.select %and3A_490, %broadcast_in_dim3A_111, %broadcast_in_dim3A_1559 : vector<1x1xi1>, vector<1x1xf32>
      %swap3A_1561 = arith.index_cast %add3A_1533 : i32 to index
      %swap3A_1562 = arith.constant 0 : index
      %swap3A_1563 = vector.load %arg10[%swap3A_1561, %swap3A_1562] : memref<1008x1xf32, #tpu.memory_space<vmem>>, vector<1x1xf32>
      tpu.vector_store %arg10[%swap3A_1561, %swap3A_1562], %select_n3A_1560 {strides = array<i32>} : memref<1008x1xf32, #tpu.memory_space<vmem>>, vector<1x1xf32>,
      %add3A_1564 = arith.constant 2 : i32
      %add3A_1565 = arith.addi %while3A_55, %add3A_1564 : i32
      %jit3A_1566 = arith.constant 0.000000e+00 : f32
      %broadcast_in_dim3A_1567 = vector.broadcast %jit3A_1566 : f32 to vector<1x1xf32>
      %select_n3A_1568 = arith.select %and3A_547, %slice3A_205, %broadcast_in_dim3A_1567 : vector<1x1xi1>, vector<1x1xf32>
      %swap3A_1569 = arith.index_cast %add3A_1565 : i32 to index
      %swap3A_1570 = arith.constant 0 : index
      %swap3A_1571 = vector.load %arg6[%swap3A_1569, %swap3A_1570] : memref<1008x1xf32, #tpu.memory_space<vmem>>, vector<1x1xf32>
      tpu.vector_store %arg6[%swap3A_1569, %swap3A_1570], %select_n3A_1568 {strides = array<i32>} : memref<1008x1xf32, #tpu.memory_space<vmem>>, vector<1x1xf32>,
      %jit3A_1572 = arith.constant 0.000000e+00 : f32
      %broadcast_in_dim3A_1573 = vector.broadcast %jit3A_1572 : f32 to vector<1x1xf32>
      %select_n3A_1574 = arith.select %and3A_547, %slice3A_206, %broadcast_in_dim3A_1573 : vector<1x1xi1>, vector<1x1xf32>
      %swap3A_1575 = arith.index_cast %add3A_1565 : i32 to index
      %swap3A_1576 = arith.constant 0 : index
      %swap3A_1577 = vector.load %arg7[%swap3A_1575, %swap3A_1576] : memref<1008x1xf32, #tpu.memory_space<vmem>>, vector<1x1xf32>
      tpu.vector_store %arg7[%swap3A_1575, %swap3A_1576], %select_n3A_1574 {strides = array<i32>} : memref<1008x1xf32, #tpu.memory_space<vmem>>, vector<1x1xf32>,
      %jit3A_1578 = arith.constant 0.000000e+00 : f32
      %broadcast_in_dim3A_1579 = vector.broadcast %jit3A_1578 : f32 to vector<1x1xf32>
      %select_n3A_1580 = arith.select %and3A_547, %slice3A_207, %broadcast_in_dim3A_1579 : vector<1x1xi1>, vector<1x1xf32>
      %swap3A_1581 = arith.index_cast %add3A_1565 : i32 to index
      %swap3A_1582 = arith.constant 0 : index
      %swap3A_1583 = vector.load %arg8[%swap3A_1581, %swap3A_1582] : memref<1008x1xf32, #tpu.memory_space<vmem>>, vector<1x1xf32>
      tpu.vector_store %arg8[%swap3A_1581, %swap3A_1582], %select_n3A_1580 {strides = array<i32>} : memref<1008x1xf32, #tpu.memory_space<vmem>>, vector<1x1xf32>,
      %jit3A_1584 = arith.constant 0.000000e+00 : f32
      %broadcast_in_dim3A_1585 = vector.broadcast %jit3A_1584 : f32 to vector<1x1xf32>
      %select_n3A_1586 = arith.select %and3A_547, %slice3A_208, %broadcast_in_dim3A_1585 : vector<1x1xi1>, vector<1x1xf32>
      %swap3A_1587 = arith.index_cast %add3A_1565 : i32 to index
      %swap3A_1588 = arith.constant 0 : index
      %swap3A_1589 = vector.load %arg9[%swap3A_1587, %swap3A_1588] : memref<1008x1xf32, #tpu.memory_space<vmem>>, vector<1x1xf32>
      tpu.vector_store %arg9[%swap3A_1587, %swap3A_1588], %select_n3A_1586 {strides = array<i32>} : memref<1008x1xf32, #tpu.memory_space<vmem>>, vector<1x1xf32>,
      %jit3A_1590 = arith.constant 0.000000e+00 : f32
      %broadcast_in_dim3A_1591 = vector.broadcast %jit3A_1590 : f32 to vector<1x1xf32>
      %select_n3A_1592 = arith.select %and3A_547, %broadcast_in_dim3A_163, %broadcast_in_dim3A_1591 : vector<1x1xi1>, vector<1x1xf32>
      %swap3A_1593 = arith.index_cast %add3A_1565 : i32 to index
      %swap3A_1594 = arith.constant 0 : index
      %swap3A_1595 = vector.load %arg10[%swap3A_1593, %swap3A_1594] : memref<1008x1xf32, #tpu.memory_space<vmem>>, vector<1x1xf32>
      tpu.vector_store %arg10[%swap3A_1593, %swap3A_1594], %select_n3A_1592 {strides = array<i32>} : memref<1008x1xf32, #tpu.memory_space<vmem>>, vector<1x1xf32>,
      %add3A_1596 = arith.constant 3 : i32
      %add3A_1597 = arith.addi %while3A_55, %add3A_1596 : i32
      %jit3A_1598 = arith.constant 0.000000e+00 : f32
      %broadcast_in_dim3A_1599 = vector.broadcast %jit3A_1598 : f32 to vector<1x1xf32>
      %select_n3A_1600 = arith.select %and3A_629, %slice3A_257, %broadcast_in_dim3A_1599 : vector<1x1xi1>, vector<1x1xf32>
      %swap3A_1601 = arith.index_cast %add3A_1597 : i32 to index
      %swap3A_1602 = arith.constant 0 : index
      %swap3A_1603 = vector.load %arg6[%swap3A_1601, %swap3A_1602] : memref<1008x1xf32, #tpu.memory_space<vmem>>, vector<1x1xf32>
      tpu.vector_store %arg6[%swap3A_1601, %swap3A_1602], %select_n3A_1600 {strides = array<i32>} : memref<1008x1xf32, #tpu.memory_space<vmem>>, vector<1x1xf32>,
      %jit3A_1604 = arith.constant 0.000000e+00 : f32
      %broadcast_in_dim3A_1605 = vector.broadcast %jit3A_1604 : f32 to vector<1x1xf32>
      %select_n3A_1606 = arith.select %and3A_629, %slice3A_258, %broadcast_in_dim3A_1605 : vector<1x1xi1>, vector<1x1xf32>
      %swap3A_1607 = arith.index_cast %add3A_1597 : i32 to index
      %swap3A_1608 = arith.constant 0 : index
      %swap3A_1609 = vector.load %arg7[%swap3A_1607, %swap3A_1608] : memref<1008x1xf32, #tpu.memory_space<vmem>>, vector<1x1xf32>
      tpu.vector_store %arg7[%swap3A_1607, %swap3A_1608], %select_n3A_1606 {strides = array<i32>} : memref<1008x1xf32, #tpu.memory_space<vmem>>, vector<1x1xf32>,
      %jit3A_1610 = arith.constant 0.000000e+00 : f32
      %broadcast_in_dim3A_1611 = vector.broadcast %jit3A_1610 : f32 to vector<1x1xf32>
      %select_n3A_1612 = arith.select %and3A_629, %slice3A_259, %broadcast_in_dim3A_1611 : vector<1x1xi1>, vector<1x1xf32>
      %swap3A_1613 = arith.index_cast %add3A_1597 : i32 to index
      %swap3A_1614 = arith.constant 0 : index
      %swap3A_1615 = vector.load %arg8[%swap3A_1613, %swap3A_1614] : memref<1008x1xf32, #tpu.memory_space<vmem>>, vector<1x1xf32>
      tpu.vector_store %arg8[%swap3A_1613, %swap3A_1614], %select_n3A_1612 {strides = array<i32>} : memref<1008x1xf32, #tpu.memory_space<vmem>>, vector<1x1xf32>,
      %jit3A_1616 = arith.constant 0.000000e+00 : f32
      %broadcast_in_dim3A_1617 = vector.broadcast %jit3A_1616 : f32 to vector<1x1xf32>
      %select_n3A_1618 = arith.select %and3A_629, %slice3A_260, %broadcast_in_dim3A_1617 : vector<1x1xi1>, vector<1x1xf32>
      %swap3A_1619 = arith.index_cast %add3A_1597 : i32 to index
      %swap3A_1620 = arith.constant 0 : index
      %swap3A_1621 = vector.load %arg9[%swap3A_1619, %swap3A_1620] : memref<1008x1xf32, #tpu.memory_space<vmem>>, vector<1x1xf32>
      tpu.vector_store %arg9[%swap3A_1619, %swap3A_1620], %select_n3A_1618 {strides = array<i32>} : memref<1008x1xf32, #tpu.memory_space<vmem>>, vector<1x1xf32>,
      %jit3A_1622 = arith.constant 0.000000e+00 : f32
      %broadcast_in_dim3A_1623 = vector.broadcast %jit3A_1622 : f32 to vector<1x1xf32>
      %select_n3A_1624 = arith.select %and3A_629, %broadcast_in_dim3A_215, %broadcast_in_dim3A_1623 : vector<1x1xi1>, vector<1x1xf32>
      %swap3A_1625 = arith.index_cast %add3A_1597 : i32 to index
      %swap3A_1626 = arith.constant 0 : index
      %swap3A_1627 = vector.load %arg10[%swap3A_1625, %swap3A_1626] : memref<1008x1xf32, #tpu.memory_space<vmem>>, vector<1x1xf32>
      tpu.vector_store %arg10[%swap3A_1625, %swap3A_1626], %select_n3A_1624 {strides = array<i32>} : memref<1008x1xf32, #tpu.memory_space<vmem>>, vector<1x1xf32>,
      %add3A_1628 = arith.constant 4 : i32
      %add3A_1629 = arith.addi %while3A_55, %add3A_1628 : i32
      %jit3A_1630 = arith.constant 0.000000e+00 : f32
      %broadcast_in_dim3A_1631 = vector.broadcast %jit3A_1630 : f32 to vector<1x1xf32>
      %select_n3A_1632 = arith.select %and3A_736, %slice3A_309, %broadcast_in_dim3A_1631 : vector<1x1xi1>, vector<1x1xf32>
      %swap3A_1633 = arith.index_cast %add3A_1629 : i32 to index
      %swap3A_1634 = arith.constant 0 : index
      %swap3A_1635 = vector.load %arg6[%swap3A_1633, %swap3A_1634] : memref<1008x1xf32, #tpu.memory_space<vmem>>, vector<1x1xf32>
      tpu.vector_store %arg6[%swap3A_1633, %swap3A_1634], %select_n3A_1632 {strides = array<i32>} : memref<1008x1xf32, #tpu.memory_space<vmem>>, vector<1x1xf32>,
      %jit3A_1636 = arith.constant 0.000000e+00 : f32
      %broadcast_in_dim3A_1637 = vector.broadcast %jit3A_1636 : f32 to vector<1x1xf32>
      %select_n3A_1638 = arith.select %and3A_736, %slice3A_310, %broadcast_in_dim3A_1637 : vector<1x1xi1>, vector<1x1xf32>
      %swap3A_1639 = arith.index_cast %add3A_1629 : i32 to index
      %swap3A_1640 = arith.constant 0 : index
      %swap3A_1641 = vector.load %arg7[%swap3A_1639, %swap3A_1640] : memref<1008x1xf32, #tpu.memory_space<vmem>>, vector<1x1xf32>
      tpu.vector_store %arg7[%swap3A_1639, %swap3A_1640], %select_n3A_1638 {strides = array<i32>} : memref<1008x1xf32, #tpu.memory_space<vmem>>, vector<1x1xf32>,
      %jit3A_1642 = arith.constant 0.000000e+00 : f32
      %broadcast_in_dim3A_1643 = vector.broadcast %jit3A_1642 : f32 to vector<1x1xf32>
      %select_n3A_1644 = arith.select %and3A_736, %slice3A_311, %broadcast_in_dim3A_1643 : vector<1x1xi1>, vector<1x1xf32>
      %swap3A_1645 = arith.index_cast %add3A_1629 : i32 to index
      %swap3A_1646 = arith.constant 0 : index
      %swap3A_1647 = vector.load %arg8[%swap3A_1645, %swap3A_1646] : memref<1008x1xf32, #tpu.memory_space<vmem>>, vector<1x1xf32>
      tpu.vector_store %arg8[%swap3A_1645, %swap3A_1646], %select_n3A_1644 {strides = array<i32>} : memref<1008x1xf32, #tpu.memory_space<vmem>>, vector<1x1xf32>,
      %jit3A_1648 = arith.constant 0.000000e+00 : f32
      %broadcast_in_dim3A_1649 = vector.broadcast %jit3A_1648 : f32 to vector<1x1xf32>
      %select_n3A_1650 = arith.select %and3A_736, %slice3A_312, %broadcast_in_dim3A_1649 : vector<1x1xi1>, vector<1x1xf32>
      %swap3A_1651 = arith.index_cast %add3A_1629 : i32 to index
      %swap3A_1652 = arith.constant 0 : index
      %swap3A_1653 = vector.load %arg9[%swap3A_1651, %swap3A_1652] : memref<1008x1xf32, #tpu.memory_space<vmem>>, vector<1x1xf32>
      tpu.vector_store %arg9[%swap3A_1651, %swap3A_1652], %select_n3A_1650 {strides = array<i32>} : memref<1008x1xf32, #tpu.memory_space<vmem>>, vector<1x1xf32>,
      %jit3A_1654 = arith.constant 0.000000e+00 : f32
      %broadcast_in_dim3A_1655 = vector.broadcast %jit3A_1654 : f32 to vector<1x1xf32>
      %select_n3A_1656 = arith.select %and3A_736, %broadcast_in_dim3A_267, %broadcast_in_dim3A_1655 : vector<1x1xi1>, vector<1x1xf32>
      %swap3A_1657 = arith.index_cast %add3A_1629 : i32 to index
      %swap3A_1658 = arith.constant 0 : index
      %swap3A_1659 = vector.load %arg10[%swap3A_1657, %swap3A_1658] : memref<1008x1xf32, #tpu.memory_space<vmem>>, vector<1x1xf32>
      tpu.vector_store %arg10[%swap3A_1657, %swap3A_1658], %select_n3A_1656 {strides = array<i32>} : memref<1008x1xf32, #tpu.memory_space<vmem>>, vector<1x1xf32>,
      %add3A_1660 = arith.constant 5 : i32
      %add3A_1661 = arith.addi %while3A_55, %add3A_1660 : i32
      %jit3A_1662 = arith.constant 0.000000e+00 : f32
      %broadcast_in_dim3A_1663 = vector.broadcast %jit3A_1662 : f32 to vector<1x1xf32>
      %select_n3A_1664 = arith.select %and3A_868, %slice3A_361, %broadcast_in_dim3A_1663 : vector<1x1xi1>, vector<1x1xf32>
      %swap3A_1665 = arith.index_cast %add3A_1661 : i32 to index
      %swap3A_1666 = arith.constant 0 : index
      %swap3A_1667 = vector.load %arg6[%swap3A_1665, %swap3A_1666] : memref<1008x1xf32, #tpu.memory_space<vmem>>, vector<1x1xf32>
      tpu.vector_store %arg6[%swap3A_1665, %swap3A_1666], %select_n3A_1664 {strides = array<i32>} : memref<1008x1xf32, #tpu.memory_space<vmem>>, vector<1x1xf32>,
      %jit3A_1668 = arith.constant 0.000000e+00 : f32
      %broadcast_in_dim3A_1669 = vector.broadcast %jit3A_1668 : f32 to vector<1x1xf32>
      %select_n3A_1670 = arith.select %and3A_868, %slice3A_362, %broadcast_in_dim3A_1669 : vector<1x1xi1>, vector<1x1xf32>
      %swap3A_1671 = arith.index_cast %add3A_1661 : i32 to index
      %swap3A_1672 = arith.constant 0 : index
      %swap3A_1673 = vector.load %arg7[%swap3A_1671, %swap3A_1672] : memref<1008x1xf32, #tpu.memory_space<vmem>>, vector<1x1xf32>
      tpu.vector_store %arg7[%swap3A_1671, %swap3A_1672], %select_n3A_1670 {strides = array<i32>} : memref<1008x1xf32, #tpu.memory_space<vmem>>, vector<1x1xf32>,
      %jit3A_1674 = arith.constant 0.000000e+00 : f32
      %broadcast_in_dim3A_1675 = vector.broadcast %jit3A_1674 : f32 to vector<1x1xf32>
      %select_n3A_1676 = arith.select %and3A_868, %slice3A_363, %broadcast_in_dim3A_1675 : vector<1x1xi1>, vector<1x1xf32>
      %swap3A_1677 = arith.index_cast %add3A_1661 : i32 to index
      %swap3A_1678 = arith.constant 0 : index
      %swap3A_1679 = vector.load %arg8[%swap3A_1677, %swap3A_1678] : memref<1008x1xf32, #tpu.memory_space<vmem>>, vector<1x1xf32>
      tpu.vector_store %arg8[%swap3A_1677, %swap3A_1678], %select_n3A_1676 {strides = array<i32>} : memref<1008x1xf32, #tpu.memory_space<vmem>>, vector<1x1xf32>,
      %jit3A_1680 = arith.constant 0.000000e+00 : f32
      %broadcast_in_dim3A_1681 = vector.broadcast %jit3A_1680 : f32 to vector<1x1xf32>
      %select_n3A_1682 = arith.select %and3A_868, %slice3A_364, %broadcast_in_dim3A_1681 : vector<1x1xi1>, vector<1x1xf32>
      %swap3A_1683 = arith.index_cast %add3A_1661 : i32 to index
      %swap3A_1684 = arith.constant 0 : index
      %swap3A_1685 = vector.load %arg9[%swap3A_1683, %swap3A_1684] : memref<1008x1xf32, #tpu.memory_space<vmem>>, vector<1x1xf32>
      tpu.vector_store %arg9[%swap3A_1683, %swap3A_1684], %select_n3A_1682 {strides = array<i32>} : memref<1008x1xf32, #tpu.memory_space<vmem>>, vector<1x1xf32>,
      %jit3A_1686 = arith.constant 0.000000e+00 : f32
      %broadcast_in_dim3A_1687 = vector.broadcast %jit3A_1686 : f32 to vector<1x1xf32>
      %select_n3A_1688 = arith.select %and3A_868, %broadcast_in_dim3A_319, %broadcast_in_dim3A_1687 : vector<1x1xi1>, vector<1x1xf32>
      %swap3A_1689 = arith.index_cast %add3A_1661 : i32 to index
      %swap3A_1690 = arith.constant 0 : index
      %swap3A_1691 = vector.load %arg10[%swap3A_1689, %swap3A_1690] : memref<1008x1xf32, #tpu.memory_space<vmem>>, vector<1x1xf32>
      tpu.vector_store %arg10[%swap3A_1689, %swap3A_1690], %select_n3A_1688 {strides = array<i32>} : memref<1008x1xf32, #tpu.memory_space<vmem>>, vector<1x1xf32>,
      %add3A_1692 = arith.constant 6 : i32
      %add3A_1693 = arith.addi %while3A_55, %add3A_1692 : i32
      %jit3A_1694 = arith.constant 0.000000e+00 : f32
      %broadcast_in_dim3A_1695 = vector.broadcast %jit3A_1694 : f32 to vector<1x1xf32>
      %select_n3A_1696 = arith.select %and3A_1025, %slice3A_413, %broadcast_in_dim3A_1695 : vector<1x1xi1>, vector<1x1xf32>
      %swap3A_1697 = arith.index_cast %add3A_1693 : i32 to index
      %swap3A_1698 = arith.constant 0 : index
      %swap3A_1699 = vector.load %arg6[%swap3A_1697, %swap3A_1698] : memref<1008x1xf32, #tpu.memory_space<vmem>>, vector<1x1xf32>
      tpu.vector_store %arg6[%swap3A_1697, %swap3A_1698], %select_n3A_1696 {strides = array<i32>} : memref<1008x1xf32, #tpu.memory_space<vmem>>, vector<1x1xf32>,
      %jit3A_1700 = arith.constant 0.000000e+00 : f32
      %broadcast_in_dim3A_1701 = vector.broadcast %jit3A_1700 : f32 to vector<1x1xf32>
      %select_n3A_1702 = arith.select %and3A_1025, %slice3A_414, %broadcast_in_dim3A_1701 : vector<1x1xi1>, vector<1x1xf32>
      %swap3A_1703 = arith.index_cast %add3A_1693 : i32 to index
      %swap3A_1704 = arith.constant 0 : index
      %swap3A_1705 = vector.load %arg7[%swap3A_1703, %swap3A_1704] : memref<1008x1xf32, #tpu.memory_space<vmem>>, vector<1x1xf32>
      tpu.vector_store %arg7[%swap3A_1703, %swap3A_1704], %select_n3A_1702 {strides = array<i32>} : memref<1008x1xf32, #tpu.memory_space<vmem>>, vector<1x1xf32>,
      %jit3A_1706 = arith.constant 0.000000e+00 : f32
      %broadcast_in_dim3A_1707 = vector.broadcast %jit3A_1706 : f32 to vector<1x1xf32>
      %select_n3A_1708 = arith.select %and3A_1025, %slice3A_415, %broadcast_in_dim3A_1707 : vector<1x1xi1>, vector<1x1xf32>
      %swap3A_1709 = arith.index_cast %add3A_1693 : i32 to index
      %swap3A_1710 = arith.constant 0 : index
      %swap3A_1711 = vector.load %arg8[%swap3A_1709, %swap3A_1710] : memref<1008x1xf32, #tpu.memory_space<vmem>>, vector<1x1xf32>
      tpu.vector_store %arg8[%swap3A_1709, %swap3A_1710], %select_n3A_1708 {strides = array<i32>} : memref<1008x1xf32, #tpu.memory_space<vmem>>, vector<1x1xf32>,
      %jit3A_1712 = arith.constant 0.000000e+00 : f32
      %broadcast_in_dim3A_1713 = vector.broadcast %jit3A_1712 : f32 to vector<1x1xf32>
      %select_n3A_1714 = arith.select %and3A_1025, %slice3A_416, %broadcast_in_dim3A_1713 : vector<1x1xi1>, vector<1x1xf32>
      %swap3A_1715 = arith.index_cast %add3A_1693 : i32 to index
      %swap3A_1716 = arith.constant 0 : index
      %swap3A_1717 = vector.load %arg9[%swap3A_1715, %swap3A_1716] : memref<1008x1xf32, #tpu.memory_space<vmem>>, vector<1x1xf32>
      tpu.vector_store %arg9[%swap3A_1715, %swap3A_1716], %select_n3A_1714 {strides = array<i32>} : memref<1008x1xf32, #tpu.memory_space<vmem>>, vector<1x1xf32>,
      %jit3A_1718 = arith.constant 0.000000e+00 : f32
      %broadcast_in_dim3A_1719 = vector.broadcast %jit3A_1718 : f32 to vector<1x1xf32>
      %select_n3A_1720 = arith.select %and3A_1025, %broadcast_in_dim3A_371, %broadcast_in_dim3A_1719 : vector<1x1xi1>, vector<1x1xf32>
      %swap3A_1721 = arith.index_cast %add3A_1693 : i32 to index
      %swap3A_1722 = arith.constant 0 : index
      %swap3A_1723 = vector.load %arg10[%swap3A_1721, %swap3A_1722] : memref<1008x1xf32, #tpu.memory_space<vmem>>, vector<1x1xf32>
      tpu.vector_store %arg10[%swap3A_1721, %swap3A_1722], %select_n3A_1720 {strides = array<i32>} : memref<1008x1xf32, #tpu.memory_space<vmem>>, vector<1x1xf32>,
      %add3A_1724 = arith.constant 7 : i32
      %add3A_1725 = arith.addi %while3A_55, %add3A_1724 : i32
      %jit3A_1726 = arith.constant 0.000000e+00 : f32
      %broadcast_in_dim3A_1727 = vector.broadcast %jit3A_1726 : f32 to vector<1x1xf32>
      %select_n3A_1728 = arith.select %and3A_1207, %slice3A_455, %broadcast_in_dim3A_1727 : vector<1x1xi1>, vector<1x1xf32>
      %swap3A_1729 = arith.index_cast %add3A_1725 : i32 to index
      %swap3A_1730 = arith.constant 0 : index
      %swap3A_1731 = vector.load %arg6[%swap3A_1729, %swap3A_1730] : memref<1008x1xf32, #tpu.memory_space<vmem>>, vector<1x1xf32>
      tpu.vector_store %arg6[%swap3A_1729, %swap3A_1730], %select_n3A_1728 {strides = array<i32>} : memref<1008x1xf32, #tpu.memory_space<vmem>>, vector<1x1xf32>,
      %jit3A_1732 = arith.constant 0.000000e+00 : f32
      %broadcast_in_dim3A_1733 = vector.broadcast %jit3A_1732 : f32 to vector<1x1xf32>
      %select_n3A_1734 = arith.select %and3A_1207, %slice3A_456, %broadcast_in_dim3A_1733 : vector<1x1xi1>, vector<1x1xf32>
      %swap3A_1735 = arith.index_cast %add3A_1725 : i32 to index
      %swap3A_1736 = arith.constant 0 : index
      %swap3A_1737 = vector.load %arg7[%swap3A_1735, %swap3A_1736] : memref<1008x1xf32, #tpu.memory_space<vmem>>, vector<1x1xf32>
      tpu.vector_store %arg7[%swap3A_1735, %swap3A_1736], %select_n3A_1734 {strides = array<i32>} : memref<1008x1xf32, #tpu.memory_space<vmem>>, vector<1x1xf32>,
      %jit3A_1738 = arith.constant 0.000000e+00 : f32
      %broadcast_in_dim3A_1739 = vector.broadcast %jit3A_1738 : f32 to vector<1x1xf32>
      %select_n3A_1740 = arith.select %and3A_1207, %slice3A_457, %broadcast_in_dim3A_1739 : vector<1x1xi1>, vector<1x1xf32>
      %swap3A_1741 = arith.index_cast %add3A_1725 : i32 to index
      %swap3A_1742 = arith.constant 0 : index
      %swap3A_1743 = vector.load %arg8[%swap3A_1741, %swap3A_1742] : memref<1008x1xf32, #tpu.memory_space<vmem>>, vector<1x1xf32>
      tpu.vector_store %arg8[%swap3A_1741, %swap3A_1742], %select_n3A_1740 {strides = array<i32>} : memref<1008x1xf32, #tpu.memory_space<vmem>>, vector<1x1xf32>,
      %jit3A_1744 = arith.constant 0.000000e+00 : f32
      %broadcast_in_dim3A_1745 = vector.broadcast %jit3A_1744 : f32 to vector<1x1xf32>
      %select_n3A_1746 = arith.select %and3A_1207, %slice3A_458, %broadcast_in_dim3A_1745 : vector<1x1xi1>, vector<1x1xf32>
      %swap3A_1747 = arith.index_cast %add3A_1725 : i32 to index
      %swap3A_1748 = arith.constant 0 : index
      %swap3A_1749 = vector.load %arg9[%swap3A_1747, %swap3A_1748] : memref<1008x1xf32, #tpu.memory_space<vmem>>, vector<1x1xf32>
      tpu.vector_store %arg9[%swap3A_1747, %swap3A_1748], %select_n3A_1746 {strides = array<i32>} : memref<1008x1xf32, #tpu.memory_space<vmem>>, vector<1x1xf32>,
      %jit3A_1750 = arith.constant 0.000000e+00 : f32
      %broadcast_in_dim3A_1751 = vector.broadcast %jit3A_1750 : f32 to vector<1x1xf32>
      %select_n3A_1752 = arith.select %and3A_1207, %broadcast_in_dim3A_423, %broadcast_in_dim3A_1751 : vector<1x1xi1>, vector<1x1xf32>
      %swap3A_1753 = arith.index_cast %add3A_1725 : i32 to index
      %swap3A_1754 = arith.constant 0 : index
      %swap3A_1755 = vector.load %arg10[%swap3A_1753, %swap3A_1754] : memref<1008x1xf32, #tpu.memory_space<vmem>>, vector<1x1xf32>
      tpu.vector_store %arg10[%swap3A_1753, %swap3A_1754], %select_n3A_1752 {strides = array<i32>} : memref<1008x1xf32, #tpu.memory_space<vmem>>, vector<1x1xf32>,
      %convert_element_type3A_1756 = arith.extui %gt3A_461 : vector<1x1xi1> to vector<1x1xi32>
      %convert_element_type3A_1757 = arith.extui %and3A_490 : vector<1x1xi1> to vector<1x1xi32>
      %add3A_1758 = arith.addi %convert_element_type3A_1756, %convert_element_type3A_1757 : vector<1x1xi32>
      %convert_element_type3A_1759 = arith.extui %and3A_547 : vector<1x1xi1> to vector<1x1xi32>
      %add3A_1760 = arith.addi %add3A_1758, %convert_element_type3A_1759 : vector<1x1xi32>
      %convert_element_type3A_1761 = arith.extui %and3A_629 : vector<1x1xi1> to vector<1x1xi32>
      %add3A_1762 = arith.addi %add3A_1760, %convert_element_type3A_1761 : vector<1x1xi32>
      %convert_element_type3A_1763 = arith.extui %and3A_736 : vector<1x1xi1> to vector<1x1xi32>
      %add3A_1764 = arith.addi %add3A_1762, %convert_element_type3A_1763 : vector<1x1xi32>
      %convert_element_type3A_1765 = arith.extui %and3A_868 : vector<1x1xi1> to vector<1x1xi32>
      %add3A_1766 = arith.addi %add3A_1764, %convert_element_type3A_1765 : vector<1x1xi32>
      %convert_element_type3A_1767 = arith.extui %and3A_1025 : vector<1x1xi1> to vector<1x1xi32>
      %add3A_1768 = arith.addi %add3A_1766, %convert_element_type3A_1767 : vector<1x1xi32>
      %convert_element_type3A_1769 = arith.extui %and3A_1207 : vector<1x1xi1> to vector<1x1xi32>
      %add3A_1770 = arith.addi %add3A_1768, %convert_element_type3A_1769 : vector<1x1xi32>
      %squeeze3A_1771 = vector.extract %add3A_1770[0, 0] : i32 from vector<1x1xi32>
      %add3A_1772 = arith.addi %while3A_55, %squeeze3A_1771 : i32
      %eq3A_1773 = arith.constant 0 : i32
      %eq3A_1774 = arith.cmpi eq, %squeeze3A_1771, %eq3A_1773 : i32
      scf.yield %add3A_1772, %eq3A_1774 : i32, i1
    }
    return
  }
}

</mosaic_0001>

<sc_bundles>
// kernel: kernel.5.cloned.1.call-start
scs
__scs_entry_jumppad:
0x0: {  	(pc) =	sbr.rel $0x88, $3  }
0x1: {  	(tag) =	ssettag $0x0;
	lr =	simm.s32 $0x1  }
0x2: {  	[smem:$0x3F9F] =	sst lr;
	_ =	strace $0xD0000000  }
0x3: {  	_ = 	snop  }
0x4: {  	_ = 	snop  }
0x5: {  	_ = 	snop  }
0x6: {  	_ = 	snop  }
0x7: {  	_ = 	snop  }
__scs_overlays_trampoline_lowered:
0x8: {  	[smem:$0x3FAE] =	sst s0  }
0x9: {  	[smem:$0x3FAF] =	sst s1  }
0xa: {  	[smem:$0x3FB0] =	sst s2  }
0xb: {  	[smem:$0x3FB1] =	sst s3  }
0xc: {  	[smem:$0x3FB2] =	sst s4  }
0xd: {  	[smem:$0x3FB3] =	sst s5  }
0xe: {  	[smem:$0x3FB4] =	sst s6  }
0xf: {  	[smem:$0x3FB5] =	sst s7  }
0x10: {  	[smem:$0x3FB6] =	sst s8  }
0x11: {  	[smem:$0x3FB7] =	sst s9;
	s0 =	simm.s32 @!p0 $0x0  }
0x12: {  	s1 =	sld [smem:$0x3F9D];
	s0 =	simm.s32 @p0 $0x1  }
0x13: {  	[smem:$0x3FB8] =	sst s0;
	s0 =	simm.s32 @!p1 $0x0  }
0x14: {  	s2 =	sld [smem:$0x3F9C];
	s0 =	simm.s32 @p1 $0x1  }
0x15: {  	[smem:$0x3FB9] =	sst s0;
	s0 =	simm.s32 @!p2 $0x0  }
0x16: {  	s3 =	sld [smem:$0x3FDB];
	s0 =	simm.s32 @p2 $0x1  }
0x17: {  	s4 =	simm.s32 $0x1BF5;
	[smem:$0x3FBB] =	sst s0  }
0x18: {  	s0 =	sld [smem:$0x3F9E];
	_ =	swait.ge [sflag:s4], $0x0  }
0x19: {  	s7 =	sld [smem:$0x3F9F]  }
0x1a: {  	s8 =	sadd.s32 $0xFFFFE003, lr  }
0x1b: {  	s9 =	sadd.s32 $0xFFFFFEF7, lr;
	s5 =	simm.s32 $0xFFFFFFFF;
	p2 =	slt.u32 s8, $0xFFFFF086  }
0x1c: {  	p1 =	slt.u32 s9, $0xF7A;
	s5 =	simm.s32 @!p2 $0x0  }
0x1d: {  	s5 =	simm.s32 @p1 $0x1;
	p0 =	seq.s32 s7, s2  }
0x1e: {  	s7 =	smul.u32 @!p0 $0xF7A, s2;
	p2 =	seq.s32 @!p0 s5, $0x0  }
0x1f: {  	s9 =	smul.u32 $0xF7A, s1;
	s8 =	simm.s32 @!p0 $0x1BF5;
	p2 =	por !p2, p0  }
0x20: {  	[sflag:s8] =	ssyncset.s32 @!p0 $0xFFFFF086;
	s6 =	sadd.s32 @!p0 s3, s7;
	s7 =	simm.s32 @!p0 $0x108  }
0x21: {  	s3 =	sadd.s32 s3, s9;
	s6 =	sadd.s32 @!p0 $0x88, s6;
	s7 =	simm.s32 @p2 $0x1082  }
0x22: {  	[simem:s7], [sflag:s8] =	dma.local @!p0 [hbm:s6], $0xF7A  }
0x23: {  	s9 =	sor.u32 $0xD0000000, s2;
	s6 =	simm.s32 $0x108;
	_ =	swait.ge @!p0 [sflag:s8], $0x0  }
0x24: {  	s3 =	sadd.s32 $0x88, s3;
	s6 =	simm.s32 @!p1 $0x1082;
	[sflag:s4] =	ssyncset.s32 $0xFFFFF086  }
0x25: {  	[simem:s6], [sflag:s4] =	dma.local [hbm:s3], $0xF7A  }
0x26: {  	[smem:$0x3F9F] =	sst s1;
	(tag) =	ssettag s2;
	_ =	strace s9  }
0x27: {  	s1 =	sld [smem:$0x3FAF]  }
0x28: {  	s2 =	sld [smem:$0x3FB0]  }
0x29: {  	s4 =	sld [smem:$0x3FB2]  }
0x2a: {  	p0 =	seq.s32 s5, $0x0;
	s5 =	sld [smem:$0x3FB3]  }
0x2b: {  	s6 =	sld [smem:$0x3FB4]  }
0x2c: {  	s7 =	sld [smem:$0x3FB5]  }
0x2d: {  	s3 =	simm.s32 $0x108;
	s8 =	sld [smem:$0x3FB6]  }
0x2e: {  	s3 =	simm.s32 @!p0 $0x1082;
	s9 =	sld [smem:$0x3FB7]  }
0x2f: {  	lr =	sadd.s32 s0, s3;
	s0 =	sld [smem:$0x3FAE]  }
0x30: {  	s3 =	sld [smem:$0x3FB1]  }
0x31: {  	[smem:$0x3FBA] =	sst s10  }
0x32: {  	s10 =	sld [smem:$0x3FB8];
	_ =	sdelay $0x3  }
0x33: {  	p0 =	seq.s32 s10, $0x1;
	s10 =	sld [smem:$0x3FBA];
	_ =	sdelay $0x3  }
0x34: {  	[smem:$0x3FBA] =	sst s10  }
0x35: {  	s10 =	sld [smem:$0x3FB9];
	_ =	sdelay $0x3  }
0x36: {  	p1 =	seq.s32 s10, $0x1;
	s10 =	sld [smem:$0x3FBA];
	_ =	sdelay $0x3  }
0x37: {  	[smem:$0x3FBA] =	sst s10  }
0x38: {  	s10 =	sld [smem:$0x3FBB]  }
0x39: {  	_ = 	snop;
	(pc) =	sbr.ind lr, $3  }
0x3a: {  	_ = 	snop  }
0x3b: {  	_ = 	snop  }
0x3c: {  	p2 =	seq.s32 s10, $0x1;
	s10 =	sld [smem:$0x3FBA]  }
0x3d: {  	_ =	shalt  }
0x3e: {  	_ =	shalt  }
0x3f: {  	_ =	shalt  }
0x40: {  	_ =	shalt  }
0x41: {  	_ =	shalt  }
0x42: {  	_ =	shalt  }
0x43: {  	_ =	shalt  }
0x44: {  	_ =	shalt  }
0x45: {  	_ =	shalt  }
0x46: {  	_ =	shalt  }
0x47: {  	_ =	shalt  }
0x48: {  	_ =	shalt  }
0x49: {  	_ =	shalt  }
0x4a: {  	_ =	shalt  }
0x4b: {  	_ =	shalt  }
0x4c: {  	_ =	shalt  }
0x4d: {  	_ =	shalt  }
0x4e: {  	_ =	shalt  }
0x4f: {  	_ =	shalt  }
0x50: {  	_ =	shalt  }
0x51: {  	_ =	shalt  }
0x52: {  	_ =	shalt  }
0x53: {  	_ =	shalt  }
0x54: {  	_ =	shalt  }
0x55: {  	_ =	shalt  }
0x56: {  	_ =	shalt  }
0x57: {  	_ =	shalt  }
0x58: {  	_ =	shalt  }
0x59: {  	_ =	shalt  }
0x5a: {  	_ =	shalt  }
0x5b: {  	_ =	shalt  }
0x5c: {  	_ =	shalt  }
0x5d: {  	_ =	shalt  }
0x5e: {  	_ =	shalt  }
0x5f: {  	_ =	shalt  }
0x60: {  	_ =	shalt  }
0x61: {  	_ =	shalt  }
0x62: {  	_ =	shalt  }
0x63: {  	_ =	shalt  }
0x64: {  	_ =	shalt  }
0x65: {  	_ =	shalt  }
0x66: {  	_ =	shalt  }
0x67: {  	_ =	shalt  }
0x68: {  	_ =	shalt  }
0x69: {  	_ =	shalt  }
0x6a: {  	_ =	shalt  }
0x6b: {  	_ =	shalt  }
0x6c: {  	_ =	shalt  }
0x6d: {  	_ =	shalt  }
0x6e: {  	_ =	shalt  }
0x6f: {  	_ =	shalt  }
0x70: {  	_ =	shalt  }
0x71: {  	_ =	shalt  }
0x72: {  	_ =	shalt  }
0x73: {  	_ =	shalt  }
0x74: {  	_ =	shalt  }
0x75: {  	_ =	shalt  }
0x76: {  	_ =	shalt  }
0x77: {  	_ =	shalt  }
0x78: {  	_ =	shalt  }
0x79: {  	_ =	shalt  }
0x7a: {  	_ =	shalt  }
0x7b: {  	_ =	shalt  }
0x7c: {  	_ =	shalt  }
0x7d: {  	_ =	shalt  }
0x7e: {  	_ =	shalt  }
0x7f: {  	_ =	shalt  }
0x80: {  	_ =	shalt  }
0x81: {  	_ =	shalt  }
0x82: {  	_ =	shalt  }
0x83: {  	_ =	shalt  }
0x84: {  	_ =	shalt  }
0x85: {  	_ =	shalt  }
0x86: {  	_ =	shalt  }
0x87: {  	_ =	shalt  }
.Lfunc_end0:
.L_simem_size_0:
called_computation_lowered:
.L_overlay_start_0:
0x88: {  	s2 =	sld [smem:$0x3FD9]  }
0x89: {  	s3 =	sld [smem:$0x3FFE];
	_ =	sdelay $0x1  }
0x8a: {  	s1 =	srdreg.scid  }
0x8b: {  	s0 =	sand.u32 $0x1, s1  }
0x8c: {  	s16 =	sshll.u32 s0, $0xA;
	s2 =	sadd.s32 s3, s2  }
0x8d: {  	s2 =	sadd.s32 s2, s16  }
0x8e: {  	[smem:$0x3FC6] =	sst s2  }
0x8f: {  	_ = 	snop  }
0x90: {  	(tm) =	ssettm $0x1  }
0x91: {  	s17 =	sld [smem:$0x3FFB];
	_ =	sdelay $0x3  }
0x92: {  	_ =	strace s17  }
0x93: {  	s2 =	sld [smem:$0x3FFC];
	_ =	sdelay $0x3  }
0x94: {  	_ =	strace s2  }
0x95: {  	s2 =	sld [smem:$0x3FFD];
	_ =	sdelay $0x3  }
0x96: {  	_ =	strace s2  }
0x97: {  	_ =	strace $0x8FFFFFFF  }
0x98: {  	s18 =	sld [smem:$0x3FDB];
	_ =	sdelay $0x1  }
0x99: {  	s19 =	simm.s32 $_scs_section_size  }
0x9a: {  	s4 =	simm.s32 $_size__tile_overlayer_lowered;
	s5 =	simm.s32 $_tile_overlayer_lowered  }
0x9b: {  	s22 =	simm.s32 $0x1BFF;
	s21 =	sshll.u32 s5, $0x1;
	s2 =	sadd.s32 s19, s18  }
0x9c: {  	s6 =	simm.s32 $0x0;
	s20 =	sshll.u32 s4, $0x1;
	s4 =	sadd.s32 s21, s2  }
0x9d: {  	[timem:s6], [sflag:s22] =	dma.local [hbm:s4], s20  }
0x9e: {  	_ =	swait.ge [sflag:s22], s20  }
0x9f: {  	s3 =	ssub.s32 $0x0, s20;
	[sflag:s22] =	ssyncset.done $0x0  }
0xa0: {  	[sflag:s22] =	ssyncadd.s32 s3;
	_ =	sdelay $0x1  }
0xa1: {  	s23 =	simm.s32 $0x1B8B  }
0xa2: {  	_ =	swait.ge [sflag:s23], $0x1  }
0xa3: {  	[sflag:s23] =	ssyncset.done $0x0  }
0xa4: {  	s25 =	simm.s32 $0x1B8E;
	s24 =	sld [smem:$0x3FFE];
	[sflag:s23] =	ssyncadd.s32 $0xFFFFFFFF  }
0xa5: {  	s26 =	simm.s32 $execute0_lowered;
	[smem:$0x3FD2] =	sst s25  }
0xa6: {  	s4 =	sshll.u32 s26, $0x1;
	_ =	strace $0x80000046;
	[dreg:$0x1] =	wrdreg $0xFFFFFFFF  }
0xa7: {  	s28 =	simm.s32 $_size_execute0_lowered;
	s2 =	sadd.s32 s2, s4;
	[dreg:$0x0] =	wrdreg $0x0  }
0xa8: {  	s4 =	sshll.u32 s28, $0x1;
	[dreg:$0x2] =	wrdreg s2  }
0xa9: {  	[dreg:$0x3] =	wrdreg s4  }
0xaa: {  	[dreg:$0x4] =	wrdreg $0xC0  }
0xab: {  	_ =	task [dreg:s6], $0x5FFFF  }
0xac: {  	[dreg:$0x1] =	wrdreg $0xFFFFFFFF  }
0xad: {  	[dreg:$0x0] =	wrdreg $0x60  }
0xae: {  	[dreg:$0x2] =	wrdreg s24  }
0xaf: {  	[dreg:$0x3] =	wrdreg $0x9  }
0xb0: {  	_ =	task.clear_ibuf [dreg:s6], $0x4FFFF;
	_ =	strace $0x90000046  }
0xb1: {  	s29 =	simm.s32 $0x9;
	_ =	strace $0x80000048  }
0xb2: {  	_ =	swait.ge [sflag:s29], $0x1  }
0xb3: {  	[sflag:s29] =	ssyncadd.s32 $0xFFFFFFFF  }
0xb4: {  	_ =	strace $0x90000048  }
0xb5: {  	_ =	sfence  }
0xb6: {  	s30 =	sld [smem:$0x0];
	_ =	sdelay $0x2  }
0xb7: {  	s31 =	sshll.u32 s1, $0xD;
	s1 =	sshrl.u32 s1, $0x2  }
0xb8: {  	s3 =	sand.u32 $0x4000, s31;
	s1 =	sadd.s32 s1, s30  }
0xb9: {  	s0 =	sor.u32 s3, s0;
	s1 =	sshll.u32 s1, $0x11  }
0xba: {  	s0 =	sor.u32 s1, s0  }
0xbb: {  	s0 =	sadd.s32 $0x8F2B, s0  }
0xbc: {  	[sflag:s0] =	ssyncadd.remote.s32 $0x1  }
0xbd: {  	_ =	sfence.sel $0xFFFF  }
0xbe: {  	[dreg:$0x0] =	wrdreg $0xFFFFFFFF;
	(pc) =	sbr.abs _section_cstart, $3  }
0xbf: {  	[dreg:$0x1] =	wrdreg $0xFFFFFFFF  }
0xc0: {  	_ =	task.clear_ibuf [dreg:s6], $0x2FFFF;
	_ =	strace $0x9FFFFFFF  }
0xc1: {  	(tm) =	ssettm $0x7FFFFFFF  }
tec
execute0_lowered:
.L_overlay_start_1:
0x0: {  	(tag) =	ssettag $0x1  }
0x1: {  	s1 =	srdreg.scid;
	s0 =	stileid.u32  }
0x2: {  	s18 =	sand.u32 $0x1, s1;
	s31 =	sshll.u32 s0, $0x1  }
0x3: {  	s5 =	sor.u32 s18, s31  }
0x4: {  	s3 =	smul.u32 $0x2800, s5  }
0x5: {  	s7 =	rddreg [dreg:$0x0];
	s2 =	simm.s32 $0x0  }
0x6: {  	s4 =	simm.s32 $0x2;
	[smem:$0x7FF] =	sst s2;
	s3 =	sadd.s32 s3, s7  }
0x7: {  	s1 =	rddreg [dreg:$0x1];
	_ =	strace $0x80000047;
	s3 =	sadd.s32 $0x1000, s3  }
0x8: {  	[tilespmem:s2], [sflag:$0x2] =	stream.linear.gather [hbm4b:s3+s2], $0x14000, $0x38;
	[tilespmem:$0x14400] =	vst v63  }
0x9: {  	_ =	swait.ge [sflag:s4], $0x14000  }
0xa: {  	s5 =	sshll.u32 s5, $0x7;
	[sflag:s4] =	ssyncset.done $0x0  }
0xb: {  	s6 =	simm.s32 $0x14000;
	s5 =	sadd.s32 s7, s5;
	[sflag:s4] =	ssyncadd.s32 $0xFFFEC000  }
0xc: {  	[tilespmem:s6], [sflag:$0x2] =	stream.linear.gather [hbm4b:s5+s2], $0x280, $0x38;
	[tilespmem:$0x14400] =	vst v63  }
0xd: {  	_ =	swait.ge [sflag:s4], $0x280  }
0xe: {  	[sflag:s4] =	ssyncset.done $0x0  }
0xf: {  	s8 =	simm.s32 $0x80;
	s7 =	sadd.s32 $0x51000, s7;
	[sflag:s4] =	ssyncadd.s32 $0xFFFFFD80  }
0x10: {  	[hbm4b:s7+s8] =	stream.indirect.scatter [tilespmem:s2], [sflag:$0x1], $0x80, s6, s8, $0xb8;
	[tilespmem:$0x14400] =	vst v63  }
0x11: {  	s9 =	simm.s32 $0x14080;
	s10 =	simm.s32 $0x4000  }
0x12: {  	[hbm4b:s7+s8] =	stream.indirect.scatter [tilespmem:s10], [sflag:$0x1], $0x80, s9, s8, $0xb8;
	[tilespmem:$0x14400] =	vst v63  }
0x13: {  	s11 =	simm.s32 $0x14100;
	s12 =	simm.s32 $0x8000  }
0x14: {  	[hbm4b:s7+s8] =	stream.indirect.scatter [tilespmem:s12], [sflag:$0x1], $0x80, s11, s8, $0xb8;
	[tilespmem:$0x14400] =	vst v63  }
0x15: {  	s13 =	simm.s32 $0x14180;
	s14 =	simm.s32 $0xC000  }
0x16: {  	[hbm4b:s7+s8] =	stream.indirect.scatter [tilespmem:s14], [sflag:$0x1], $0x80, s13, s8, $0xb8;
	[tilespmem:$0x14400] =	vst v63  }
0x17: {  	s15 =	simm.s32 $0x14200;
	s17 =	simm.s32 $0x10000;
	s16 =	simm.s32 $0x1  }
0x18: {  	[hbm4b:s7+s8] =	stream.indirect.scatter [tilespmem:s17], [sflag:$0x1], $0x80, s15, s8, $0xb8;
	[tilespmem:$0x14400] =	vst v63  }
0x19: {  	_ =	swait.ge [sflag:s16], $0x4000  }
0x1a: {  	[sflag:s16] =	ssyncset.done $0x0  }
0x1b: {  	[sflag:s16] =	ssyncadd.s32 $0xFFFFC000  }
0x1c: {  	_ =	swait.ge [sflag:s16], $0x4000  }
0x1d: {  	s18 =	ssub.s32 $0x2, s18;
	[sflag:s16] =	ssyncset.done $0x0  }
0x1e: {  	s19 =	sshrl.u32 s18, $0x1;
	[sflag:s16] =	ssyncadd.s32 $0xFFFFC000  }
0x1f: {  	s18 =	ssub.s32 s18, s19;
	_ =	swait.ge [sflag:s16], $0x4000  }
0x20: {  	s18 =	smax.u32 s18, $0x1;
	[sflag:s16] =	ssyncset.done $0x0  }
0x21: {  	p0 =	sne.s32 s18, $0x1;
	[sflag:s16] =	ssyncadd.s32 $0xFFFFC000  }
.Ltmp0:
0x22: {  	_ =	swait.ge [sflag:s16], $0x4000;
	(pc) =	sbr.rel @!p0 .LBB2_2-.Ltmp0, $4  }
0x23: {  	[sflag:s16] =	ssyncset.done $0x0  }
0x24: {  	[sflag:s16] =	ssyncadd.s32 $0xFFFFC000  }
0x25: {  	_ =	swait.ge [sflag:s16], $0x4000  }
0x26: {  	s18 =	sadd.s32 $0xFFFFFFFF, s18;
	[sflag:s16] =	ssyncset.done $0x0  }
.LBB2_1:
0x27: {  	p0 =	sne.s32 s18, $0x1;
	s18 =	sadd.s32 $0xFFFFFFFF, s18;
	[sflag:s16] =	ssyncadd.s32 $0xFFFFC000  }
0x28: {  	[tilespmem:s2], [sflag:$0x2] =	stream.linear.gather [hbm4b:s3+s2], $0x14000, $0x38;
	[tilespmem:$0x14400] =	vst v63  }
0x29: {  	_ =	swait.ge [sflag:s4], $0x14000  }
0x2a: {  	[sflag:s4] =	ssyncset.done $0x0  }
0x2b: {  	[sflag:s4] =	ssyncadd.s32 $0xFFFEC000  }
0x2c: {  	[tilespmem:s6], [sflag:$0x2] =	stream.linear.gather [hbm4b:s5+s2], $0x280, $0x38;
	[tilespmem:$0x14400] =	vst v63  }
0x2d: {  	_ =	swait.ge [sflag:s4], $0x280  }
0x2e: {  	[sflag:s4] =	ssyncset.done $0x0  }
0x2f: {  	[sflag:s4] =	ssyncadd.s32 $0xFFFFFD80  }
0x30: {  	[hbm4b:s7+s8] =	stream.indirect.scatter [tilespmem:s2], [sflag:$0x1], $0x80, s6, s8, $0xb8;
	[tilespmem:$0x14400] =	vst v63  }
0x31: {  	_ = 	snop  }
0x32: {  	[hbm4b:s7+s8] =	stream.indirect.scatter [tilespmem:s10], [sflag:$0x1], $0x80, s9, s8, $0xb8;
	[tilespmem:$0x14400] =	vst v63  }
0x33: {  	_ = 	snop  }
0x34: {  	[hbm4b:s7+s8] =	stream.indirect.scatter [tilespmem:s12], [sflag:$0x1], $0x80, s11, s8, $0xb8;
	[tilespmem:$0x14400] =	vst v63  }
0x35: {  	_ = 	snop  }
0x36: {  	[hbm4b:s7+s8] =	stream.indirect.scatter [tilespmem:s14], [sflag:$0x1], $0x80, s13, s8, $0xb8;
	[tilespmem:$0x14400] =	vst v63  }
0x37: {  	_ = 	snop  }
0x38: {  	[hbm4b:s7+s8] =	stream.indirect.scatter [tilespmem:s17], [sflag:$0x1], $0x80, s15, s8, $0xb8;
	[tilespmem:$0x14400] =	vst v63  }
0x39: {  	_ =	swait.ge [sflag:s16], $0x4000  }
0x3a: {  	[sflag:s16] =	ssyncset.done $0x0  }
0x3b: {  	[sflag:s16] =	ssyncadd.s32 $0xFFFFC000  }
0x3c: {  	_ =	swait.ge [sflag:s16], $0x4000  }
0x3d: {  	[sflag:s16] =	ssyncset.done $0x0  }
0x3e: {  	[sflag:s16] =	ssyncadd.s32 $0xFFFFC000  }
0x3f: {  	_ =	swait.ge [sflag:s16], $0x4000  }
0x40: {  	[sflag:s16] =	ssyncset.done $0x0  }
0x41: {  	[sflag:s16] =	ssyncadd.s32 $0xFFFFC000  }
.Ltmp1:
0x42: {  	_ =	swait.ge [sflag:s16], $0x4000;
	(pc) =	sbr.rel @p0 .LBB2_1-.Ltmp1, $4  }
0x43: {  	[sflag:s16] =	ssyncset.done $0x0  }
0x44: {  	[sflag:s16] =	ssyncadd.s32 $0xFFFFC000  }
0x45: {  	_ =	swait.ge [sflag:s16], $0x4000  }
0x46: {  	[sflag:s16] =	ssyncset.done $0x0  }
.LBB2_2:
0x47: {  	[sflag:s16] =	ssyncadd.s32 $0xFFFFC000  }
0x48: {  	_ =	sfence.sel $0x180000  }
0x49: {  	[bflag:$0x0] =	sbarrier.arrive $0xFFFF  }
0x4a: {  	p0 =	sne.s32 s0, $0x0;
	_ =	strace $0x90000047  }
0x4b: {  	s0 =	sadd.s32 @!p0 $0x100000, s1;
	[bflag:$0x2] =	sbarrier.arrive $0xFFFF  }
0x4c: {  	[sflag:s0] =	ssyncadd.tile.s32 @!p0 $0x1;
	_ =	shalt  }
.Lfunc_end2:
_tile_overlayer_lowered:
.L_overlay_start_2:
0x4d: {  	(tag) =	ssettag $0x2  }
0x4e: {  	s0 =	rddreg [dreg:$0x0];
	s2 =	stileid.u32  }
0x4f: {  	s1 =	rddreg [dreg:$0x1];
	p0 =	sne.s32 s2, $0x0  }
0x50: {  	s3 =	rddreg [dreg:$0x2];
	[bflag:$0x3] =	sbarrier.arrive $0xFFFF;
	s2 =	simm.s32 @!p0 $0x1C02  }
0x51: {  	[timem:s3], [sflag:s2] =	dma.local @!p0 [hbm:s0], s1  }
0x52: {  	s0 =	simm.s32 @!p0 $0x2  }
0x53: {  	_ =	swait.ge @!p0 [sflag:s0], s1  }
0x54: {  	s1 =	ssub.s32 @!p0 $0x0, s1;
	[sflag:s0] =	ssyncset.done @!p0 $0x0  }
0x55: {  	[sflag:s0] =	ssyncadd.s32 @!p0 s1  }
0x56: {  	[bflag:$0x3] =	sbarrier.arrive $0xFFFF  }
0x57: {  	_ =	shalt  }

</sc_bundles>
